<compile_context>
chip_gen: v7x
topology: tpu7x:2x2x1
jax: 0.10.2.dev20260603
libtpu: 0.0.44.dev20260713+nightly
codegen_flags: <defaults>
</compile_context>

<pallas_src>
import functools

import jax
import jax.numpy as jnp
from jax import lax
from jax.experimental import pallas as pl
from jax.experimental.pallas import tpu as pltpu
from jax.experimental.pallas import tpu_sc as plsc

_TAU = 0.5
_ALPHA = 0.5
_LAM = 0.5

_BN = 10000



def _tc_body(q_ref, hqb_ref, haqb_ref, h_ref, ha_ref, out_ref, acc_h, acc_a):
    g = pl.program_id(0)
    k = pl.num_programs(0)
    row = q_ref[0] % 8
    hq = hqb_ref[pl.ds(row, 1), :]
    haq = haqb_ref[pl.ds(row, 1), :]

    inv_aq = jnp.minimum(lax.rsqrt(jnp.sum(hq * hq)), 1e8)
    inv_aaq = jnp.minimum(lax.rsqrt(jnp.sum(haq * haq)), 1e8)
    ri = lax.broadcasted_iota(jnp.int32, (8, 1), 0)
    scale = jnp.where(ri == 0, inv_aq, jnp.where(ri == 1, inv_aaq, 0.0)) / _TAU

    w8 = jnp.concatenate([hq, haq, jnp.zeros((6, 128), jnp.float32)], axis=0)
    ones1 = jnp.ones((1, 128), jnp.float32)
    dn = (((1,), (1,)), ((), ()))

    @pl.when(g == 0)
    def _():
        acc_h[...] = jnp.zeros_like(acc_h)
        acc_a[...] = jnp.zeros_like(acc_a)

    def accum(blk, acc):
        d = lax.dot_general(w8, blk, dn, preferred_element_type=jnp.float32)
        nsq = lax.dot_general(ones1, blk * blk, dn,
                              preferred_element_type=jnp.float32)
        inv_n = jnp.minimum(lax.rsqrt(nsq), 1e8)
        e = jnp.exp(d * inv_n * scale)
        acc[...] += jnp.sum(e, axis=1, keepdims=True)

    accum(h_ref[...], acc_h)
    accum(ha_ref[...], acc_a)

    @pl.when(g == k - 1)
    def _():
        out_ref[:, 0:1] = acc_h[...]
        out_ref[:, 1:2] = acc_a[...]


def _tc_sums(h, h_aug, q1):
    n = h.shape[0]
    grid = n // _BN
    grid_spec = pltpu.PrefetchScalarGridSpec(
        num_scalar_prefetch=1,
        grid=(grid,),
        in_specs=[
            pl.BlockSpec((8, 128), lambda g, qr: (qr[0] // 8, 0)),
            pl.BlockSpec((8, 128), lambda g, qr: (qr[0] // 8, 0)),
            pl.BlockSpec((_BN, 128), lambda g, qr: (g, 0)),
            pl.BlockSpec((_BN, 128), lambda g, qr: (g, 0)),
        ],
        out_specs=pl.BlockSpec((8, 2), lambda g, qr: (0, 0)),
        scratch_shapes=[
            pltpu.VMEM((8, 1), jnp.float32),
            pltpu.VMEM((8, 1), jnp.float32),
        ],
    )
    return pl.pallas_call(
        _tc_body,
        grid_spec=grid_spec,
        out_shape=jax.ShapeDtypeStruct((8, 2), jnp.float32),
    )(q1, h, h_aug, h, h_aug)



def _sum16(x):
    li = lax.broadcasted_iota(jnp.int32, (16,), 0)
    for sh in (8, 4, 2, 1):
        x = x + jnp.take(x, jnp.bitwise_xor(li, sh))
    return x


def _nrsqrt16(x):
    x = jnp.maximum(x, 1e-30)
    i = lax.bitcast_convert_type(x, jnp.int32)
    i = 0x5F3759DF - lax.shift_right_arithmetic(i, 1)
    y = lax.bitcast_convert_type(i, jnp.float32)
    for _ in range(4):
        y = y * (1.5 - 0.5 * x * y * y)
    return jnp.minimum(y, 1e8)


def _sc_pos(h, h_aug, pos, q16):
    n = h.shape[0]
    p = pos.shape[0]
    nc, ns = 1, 16
    rpt = p // ns
    mesh = plsc.VectorSubcoreMesh(core_axis_name="c", subcore_axis_name="s",
                                  num_cores=nc, num_subcores=ns)

    @functools.partial(
        pl.kernel,
        out_type=jax.ShapeDtypeStruct((nc, 16), jnp.float32),
        mesh=mesh,
        scratch_types=[
            pltpu.VMEM((rpt,), jnp.int32),
            pltpu.VMEM((rpt,), jnp.int32),
            pltpu.VMEM((rpt, 128), jnp.float32),
            pltpu.VMEM((rpt, 128), jnp.float32),
            pltpu.VMEM((1, 128), jnp.float32),
            pltpu.VMEM((1, 128), jnp.float32),
            pltpu.VMEM((rpt,), jnp.int32),
            pltpu.VMEM((1, 16), jnp.float32),
            pltpu.VMEM((16, 16), jnp.float32),
            pltpu.VMEM((1, 16), jnp.int32),
            pltpu.VMEM_SHARED((n,), jnp.int32),
            pltpu.VMEM_SHARED((16, 16), jnp.float32),
            pltpu.SemaphoreType.DMA,
            pltpu.SemaphoreType.DMA,
        ],
    )
    def k(h_hbm, ha_hbm, pos_hbm, q_hbm, out_hbm,
          idx_v, gid_v, rows_h, rows_a, hq_v, haq_v, t_v, part_v, tab_v,
          q_v, winner_sh, tab_sh, sem, sem2):
        c = lax.axis_index("c")
        s = lax.axis_index("s")
        base = s * rpt
        li = lax.broadcasted_iota(jnp.int32, (16,), 0)

        pltpu.sync_copy(pos_hbm.at[pl.ds(base, rpt)], idx_v)
        for g2 in range(rpt // 16):
            gid_v[pl.ds(16 * g2, 16)] = li + (base + 16 * g2)

        cp_h = pltpu.async_copy(h_hbm.at[idx_v], rows_h, sem)
        cp_a = pltpu.async_copy(ha_hbm.at[idx_v], rows_a, sem2)

        pltpu.sync_copy(gid_v, winner_sh.at[idx_v])
        pltpu.sync_copy(q_hbm, q_v)
        qvec = q_v[0, :]
        qs = qvec[0]
        pltpu.sync_copy(h_hbm.at[pl.ds(qs, 1)], hq_v)
        pltpu.sync_copy(ha_hbm.at[pl.ds(qs, 1)], haq_v)
        plsc.subcore_barrier()
        pltpu.sync_copy(winner_sh.at[idx_v], t_v)
        cp_h.wait()
        cp_a.wait()

        accq = jnp.zeros((16,), jnp.float32)
        accqa = jnp.zeros((16,), jnp.float32)
        accx = jnp.zeros((16,), jnp.float32)
        for ch in range(8):
            a = hq_v[0, pl.ds(16 * ch, 16)]
            b = haq_v[0, pl.ds(16 * ch, 16)]
            accq += a * a
            accqa += b * b
            accx += a * b
        inv_aq = _nrsqrt16(_sum16(accq))
        inv_aaq = _nrsqrt16(_sum16(accqa))
        cq_v = _sum16(accx) * inv_aq * inv_aaq

        m1 = jnp.zeros((16,), jnp.float32)
        ma1 = jnp.zeros((16,), jnp.float32)
        m2 = jnp.zeros((16,), jnp.float32)
        ma2 = jnp.zeros((16,), jnp.float32)
        cntv = jnp.zeros((16,), jnp.float32)
        hqc = [hq_v[0, pl.ds(16 * ch, 16)] for ch in range(8)]
        haqc = [haq_v[0, pl.ds(16 * ch, 16)] for ch in range(8)]

        for g2 in range(rpt // 16):
            def row_body(i, carry, _g2=g2):
                d1v, da2v, nnv, d2v, da1v, nav = carry
                r = 16 * _g2 + i
                a1 = a2 = nn = b1 = b2 = bb = jnp.zeros((16,), jnp.float32)
                for ch in range(8):
                    xh = rows_h[r, pl.ds(16 * ch, 16)]
                    xa = rows_a[r, pl.ds(16 * ch, 16)]
                    a1 += xh * hqc[ch]
                    a2 += xh * haqc[ch]
                    nn += xh * xh
                    b1 += xa * hqc[ch]
                    b2 += xa * haqc[ch]
                    bb += xa * xa
                sel = li == i
                return (jnp.where(sel, _sum16(a1), d1v),
                        jnp.where(sel, _sum16(a2), da2v),
                        jnp.where(sel, _sum16(nn), nnv),
                        jnp.where(sel, _sum16(b1), d2v),
                        jnp.where(sel, _sum16(b2), da1v),
                        jnp.where(sel, _sum16(bb), nav))

            z6 = tuple(jnp.zeros((16,), jnp.float32) for _ in range(6))
            d1v, da2v, nnv, d2v, da1v, nav = lax.fori_loop(0, 16, row_body, z6)
            inv_h = _nrsqrt16(nnv)
            inv_a = _nrsqrt16(nav)
            tt = t_v[pl.ds(16 * g2, 16)]
            pv = idx_v[pl.ds(16 * g2, 16)]
            gids = li + 16 * g2 + base
            u = jnp.where((tt == gids) & (pv != qvec), 1.0, 0.0)
            m1 += u * (d1v * inv_h * inv_aq)
            ma2 += u * (da2v * inv_h * inv_aaq)
            m2 += u * (d2v * inv_a * inv_aq)
            ma1 += u * (da1v * inv_a * inv_aaq)
            cntv += u

        tile0 = jnp.where(s == 0, 1.0, 0.0)
        pvec = (jnp.where(li == 0, _sum16(m1), 0.0)
                + jnp.where(li == 1, _sum16(ma1), 0.0)
                + jnp.where(li == 2, _sum16(m2), 0.0)
                + jnp.where(li == 3, _sum16(ma2), 0.0)
                + jnp.where(li == 4, _sum16(cntv), 0.0)
                + jnp.where(li == 5, cq_v * tile0, 0.0))
        part_v[0, :] = pvec
        pltpu.sync_copy(part_v, tab_sh.at[pl.ds(s, 1)])
        plsc.subcore_barrier()

        @pl.when(s == 0)
        def _():
            pltpu.sync_copy(tab_sh, tab_v)
            acc = tab_v[0, :]
            for r in range(1, 16):
                acc = acc + tab_v[r, :]
            part_v[0, :] = acc
            pltpu.sync_copy(part_v, out_hbm.at[pl.ds(c, 1)])

    return k(h, h_aug, pos, q16)



def kernel(h, h_aug, q, pos, edge_index):
    n, d = h.shape
    qi = jnp.asarray(q, jnp.int32)
    q1 = jnp.full((1,), qi, jnp.int32)
    q16 = jnp.full((1, 16), qi, jnp.int32)

    sc = _sc_pos(h, h_aug, pos, q16)
    sums = _tc_sums(h, h_aug, q1)

    li = jnp.arange(16)
    wm = (0.5 * ((li == 0) | (li == 1)) + 0.25 * ((li == 2) | (li == 3))
          ).astype(jnp.float32)
    r = sc[0]
    dotm = jnp.sum(r * wm)
    cnt = jnp.sum(r * (li == 4))
    cq = jnp.sum(r * (li == 5))
    log_term = 0.5 * jnp.sum(jnp.log(sums[0:2, :]))
    return log_term - dotm / (_TAU * cnt) - 0.5 * cq / _TAU

# --- scband reference (transcript-rebuilt; emitter-appended) ---
"""Pipeline reference for scband-con-rc-1013612282221 (READ-ONLY COPY).

The authoritative reference and input builder live on the scoring server;
editing this copy changes nothing except your own understanding.
"""

import jax, jax.numpy as jnp
import numpy as np

TAU = 0.5
ALPHA = 0.5
LAM = 0.5
N = 100000
D = 128
E = 1600000
P = 512


def setup_inputs(seed: int = 0) -> dict:
    key = jax.random.key(seed)
    k1, k2, k3, k4 = jax.random.split(key, 4)
    h = jax.random.normal(k1, (N, D), dtype=jnp.float32)
    h_aug = jax.random.normal(k2, (N, D), dtype=jnp.float32)
    q = 12345
    pos = jax.random.randint(k3, (P,), 0, N, dtype=jnp.int32)
    edge_index = jax.random.randint(k4, (2, E), 0, N, dtype=jnp.int32)
    return {"h": h, "h_aug": h_aug, "q": q, "pos": pos, "edge_index": edge_index}


def _cos_sim_vec_mat(a, b):
    # cosine similarity between vector a [D] and each row of b [N, D],
    # matching torch.nn.functional.cosine_similarity eps=1e-8 semantics
    an = jnp.maximum(jnp.linalg.norm(a), 1e-8)
    bn = jnp.maximum(jnp.linalg.norm(b, axis=1), 1e-8)
    return (b @ a) / (an * bn)


def reference(h, h_aug, q, pos, edge_index):
    # Contra contrastive loss (training path) of ConRC.
    n = h.shape[0]
    # mask_p: positives minus the query node
    mask = jnp.zeros(n, dtype=bool).at[pos].set(True).at[q].set(False)
    cnt = jnp.sum(mask).astype(jnp.float32)

    sim1 = jnp.exp(_cos_sim_vec_mat(h[q], h) / TAU)
    sim_aug1 = jnp.exp(_cos_sim_vec_mat(h_aug[q], h_aug) / TAU)
    sim2 = jnp.exp(_cos_sim_vec_mat(h[q], h_aug) / TAU)
    sim_aug2 = jnp.exp(_cos_sim_vec_mat(h_aug[q], h) / TAU)

    def _masked_mean_neg_log(sim):
        term = -jnp.log(sim / jnp.sum(sim))
        return jnp.sum(jnp.where(mask, term, 0.0)) / cnt

    z1q = _masked_mean_neg_log(sim1)
    z_aug1q = _masked_mean_neg_log(sim_aug1)
    z2q = _masked_mean_neg_log(sim2)
    z_aug2q = _masked_mean_neg_log(sim_aug2)

    loss_intra = 0.5 * (z1q + z_aug1q)
    loss_inter = 0.5 * (z2q + z_aug2q)

    z_unsup = -jnp.log(sim2[q] / jnp.sum(sim2))
    z_aug_unsup = -jnp.log(sim_aug2[q] / jnp.sum(sim_aug2))
    loss_unsup = 0.5 * z_unsup + 0.5 * z_aug_unsup

    loss = loss_intra + ALPHA * loss_inter + LAM * loss_unsup
    return loss


if False:  # reference __main__ guard neutralized (emitter)
    out = reference(**setup_inputs())
    print(out)

if __name__ == "__main__":
    import jax
    _d = setup_inputs()
    print(jax.jit(kernel)(*tuple(_d.values())))

</pallas_src>

<mosaic_0001>
#map = affine_map<(d0, d1) -> (0, 0)>
#map1 = affine_map<(d0, d1) -> (0)>
module attributes {stable_mosaic.version = 14 : i64} {
  func.func @k(%arg0: i32, %arg1: i32, %arg2: memref<100000x128xf32, #tpu.memory_space<hbm>>, %arg3: memref<100000x128xf32, #tpu.memory_space<hbm>>, %arg4: memref<512xi32, #tpu.memory_space<hbm>>, %arg5: memref<1x16xi32, #tpu.memory_space<hbm>>, %arg6: memref<1x16xf32, #tpu.memory_space<hbm>>, %arg7: memref<32xi32, #tpu.memory_space<vmem>>, %arg8: memref<32xi32, #tpu.memory_space<vmem>>, %arg9: memref<32x128xf32, #tpu.memory_space<vmem>>, %arg10: memref<32x128xf32, #tpu.memory_space<vmem>>, %arg11: memref<1x128xf32, #tpu.memory_space<vmem>>, %arg12: memref<1x128xf32, #tpu.memory_space<vmem>>, %arg13: memref<32xi32, #tpu.memory_space<vmem>>, %arg14: memref<1x16xf32, #tpu.memory_space<vmem>>, %arg15: memref<16x16xf32, #tpu.memory_space<vmem>>, %arg16: memref<1x16xi32, #tpu.memory_space<vmem>>, %arg17: memref<100000xi32, #tpu.memory_space<vmem_shared>>, %arg18: memref<16x16xf32, #tpu.memory_space<vmem_shared>>, %arg19: memref<!tpu.dma_semaphore, #tpu.memory_space<semaphore_mem>>, %arg20: memref<!tpu.dma_semaphore, #tpu.memory_space<semaphore_mem>>) attributes {dimension_semantics = [#tpu.dimension_semantics<core_parallel>, #tpu.dimension_semantics<subcore_parallel>], iteration_bounds = array<i64: 1, 16>, scalar_prefetch = 0 : i64, scratch_operands = 14 : i64, tpu.core_type = #tpu.core_type<sc_vector_subcore>, window_params = [{transform_indices = #map}, {transform_indices = #map}, {transform_indices = #map1}, {transform_indices = #map}, {transform_indices = #map}]} {
    %mul3A = arith.constant 32 : i32
    %mul3A_0 = arith.muli %arg1, %mul3A : i32
    %iota3A = tpu.iota {dimensions = array<i32: 0>} : vector<16xi32>
    "tpu.region"() ({
      %run_scoped3A = tpu.sem_alloc : memref<!tpu.dma_semaphore, #tpu.memory_space<semaphore_mem>>
      %dma_start3A_1162 = tpu.memref_slice %arg4[%mul3A_0] : memref<512xi32, #tpu.memory_space<hbm>> -> memref<32xi32, #tpu.memory_space<hbm>>
      %dma_start3A_1163 = tpu.memref_slice %arg4[%mul3A_0] : memref<512xi32, #tpu.memory_space<hbm>> -> memref<32xi32, #tpu.memory_space<hbm>>
      tpu.enqueue_dma source(%dma_start3A_1163 : memref<32xi32, #tpu.memory_space<hbm>>) target(%arg7 : memref<32xi32, #tpu.memory_space<vmem>>) target_semaphore(%run_scoped3A : memref<!tpu.dma_semaphore, #tpu.memory_space<semaphore_mem>>)
      %dma_wait3A_1164 = tpu.memref_slice %arg4[%mul3A_0] : memref<512xi32, #tpu.memory_space<hbm>> -> memref<32xi32, #tpu.memory_space<hbm>>
      %dma_wait3A_1165 = tpu.memref_slice %arg4[%mul3A_0] : memref<512xi32, #tpu.memory_space<hbm>> -> memref<32xi32, #tpu.memory_space<hbm>>
      tpu.wait_dma2 semaphore(%run_scoped3A : memref<!tpu.dma_semaphore, #tpu.memory_space<semaphore_mem>>) src(%dma_wait3A_1165 : memref<32xi32, #tpu.memory_space<hbm>>) dst(%arg7 : memref<32xi32, #tpu.memory_space<vmem>>)
      tpu.yield
    }) : () -> ()
    %add3A = arith.constant 0 : i32
    %add3A_1 = arith.addi %mul3A_0, %add3A : i32
    %add3A_2 = vector.broadcast %add3A_1 : i32 to vector<16xi32>
    %add3A_3 = arith.addi %iota3A, %add3A_2 : vector<16xi32>
    %swap3A = arith.constant 0 : index
    %swap3A_4 = tpu.vector_load %arg8[%swap3A] {strides = array<i32>} : memref<32xi32, #tpu.memory_space<vmem>>, vector<16xi32>,
    %swap3A_5 = vector.shape_cast %swap3A_4 : vector<16xi32> to vector<16xi32>
    %swap3A_6 = vector.shape_cast %add3A_3 : vector<16xi32> to vector<16xi32>
    tpu.vector_store %arg8[%swap3A], %swap3A_6 {strides = array<i32>} : memref<32xi32, #tpu.memory_space<vmem>>, vector<16xi32>,
    %add3A_7 = arith.constant 16 : i32
    %add3A_8 = arith.addi %mul3A_0, %add3A_7 : i32
    %add3A_9 = vector.broadcast %add3A_8 : i32 to vector<16xi32>
    %add3A_10 = arith.addi %iota3A, %add3A_9 : vector<16xi32>
    %swap3A_11 = arith.constant 16 : index
    %swap3A_12 = tpu.vector_load %arg8[%swap3A_11] {strides = array<i32>} : memref<32xi32, #tpu.memory_space<vmem>>, vector<16xi32>,
    %swap3A_13 = vector.shape_cast %swap3A_12 : vector<16xi32> to vector<16xi32>
    %swap3A_14 = vector.shape_cast %add3A_10 : vector<16xi32> to vector<16xi32>
    tpu.vector_store %arg8[%swap3A_11], %swap3A_14 {strides = array<i32>} : memref<32xi32, #tpu.memory_space<vmem>>, vector<16xi32>,
    %dma_start3A = arith.constant 0 : i32
    %dma_start3A_15 = arith.constant 0 : i32
    %dma_start3A_16 = tpu.memref_slice %arg2[%dma_start3A, %dma_start3A_15] : memref<100000x128xf32, #tpu.memory_space<hbm>> -> memref<100000x128xf32, #tpu.memory_space<hbm>>
    tpu.enqueue_indirect_dma source(%dma_start3A_16 : memref<100000x128xf32, #tpu.memory_space<hbm>>) target(%arg9 : memref<32x128xf32, #tpu.memory_space<vmem>>) offsets(%arg7 : memref<32xi32, #tpu.memory_space<vmem>>) semaphore(%arg19 : memref<!tpu.dma_semaphore, #tpu.memory_space<semaphore_mem>>)
    %dma_start3A_17 = arith.constant 0 : i32
    %dma_start3A_18 = arith.constant 0 : i32
    %dma_start3A_19 = tpu.memref_slice %arg3[%dma_start3A_17, %dma_start3A_18] : memref<100000x128xf32, #tpu.memory_space<hbm>> -> memref<100000x128xf32, #tpu.memory_space<hbm>>
    tpu.enqueue_indirect_dma source(%dma_start3A_19 : memref<100000x128xf32, #tpu.memory_space<hbm>>) target(%arg10 : memref<32x128xf32, #tpu.memory_space<vmem>>) offsets(%arg7 : memref<32xi32, #tpu.memory_space<vmem>>) semaphore(%arg20 : memref<!tpu.dma_semaphore, #tpu.memory_space<semaphore_mem>>)
    "tpu.region"() ({
      %run_scoped3A = tpu.sem_alloc : memref<!tpu.dma_semaphore, #tpu.memory_space<semaphore_mem>>
      %dma_start3A_1162 = arith.constant 0 : i32
      %dma_start3A_1163 = tpu.memref_slice %arg17[%dma_start3A_1162] : memref<100000xi32, #tpu.memory_space<vmem_shared>> -> memref<100000xi32, #tpu.memory_space<vmem_shared>>
      tpu.enqueue_indirect_dma source(%arg8 : memref<32xi32, #tpu.memory_space<vmem>>) target(%dma_start3A_1163 : memref<100000xi32, #tpu.memory_space<vmem_shared>>) offsets(%arg7 : memref<32xi32, #tpu.memory_space<vmem>>) semaphore(%run_scoped3A : memref<!tpu.dma_semaphore, #tpu.memory_space<semaphore_mem>>)
      %dma_wait3A_1164 = arith.constant 0 : i32
      %dma_wait3A_1165 = tpu.memref_slice %arg17[%dma_wait3A_1164] : memref<100000xi32, #tpu.memory_space<vmem_shared>> -> memref<100000xi32, #tpu.memory_space<vmem_shared>>
      tpu.wait_indirect_dma semaphore(%run_scoped3A : memref<!tpu.dma_semaphore, #tpu.memory_space<semaphore_mem>>) src(%arg8 : memref<32xi32, #tpu.memory_space<vmem>>) dst(%dma_wait3A_1165 : memref<100000xi32, #tpu.memory_space<vmem_shared>>)
      tpu.yield
    }) : () -> ()
    "tpu.region"() ({
      %run_scoped3A = tpu.sem_alloc : memref<!tpu.dma_semaphore, #tpu.memory_space<semaphore_mem>>
      tpu.enqueue_dma source(%arg5 : memref<1x16xi32, #tpu.memory_space<hbm>>) target(%arg16 : memref<1x16xi32, #tpu.memory_space<vmem>>) target_semaphore(%run_scoped3A : memref<!tpu.dma_semaphore, #tpu.memory_space<semaphore_mem>>)
      tpu.wait_dma2 semaphore(%run_scoped3A : memref<!tpu.dma_semaphore, #tpu.memory_space<semaphore_mem>>) src(%arg5 : memref<1x16xi32, #tpu.memory_space<hbm>>) dst(%arg16 : memref<1x16xi32, #tpu.memory_space<vmem>>)
      tpu.yield
    }) : () -> ()
    %get3A = arith.constant 0 : i32
    %get3A_20 = arith.index_cast %get3A : i32 to index
    %get3A_21 = arith.constant 0 : index
    %get3A_22 = tpu.vector_load %arg16[%get3A_20, %get3A_21] {strides = array<i32>} : memref<1x16xi32, #tpu.memory_space<vmem>>, vector<1x16xi32>,
    %get3A_23 = vector.shape_cast %get3A_22 : vector<1x16xi32> to vector<16xi32>
    %slice3A = vector.extract_strided_slice %get3A_23 {offsets = [0], sizes = [1], strides = [1]} : vector<16xi32> to vector<1xi32>
    %squeeze3A = vector.extract %slice3A[0] : i32 from vector<1xi32>
    "tpu.region"() ({
      %run_scoped3A = tpu.sem_alloc : memref<!tpu.dma_semaphore, #tpu.memory_space<semaphore_mem>>
      %dma_start3A_1162 = arith.constant 0 : i32
      %dma_start3A_1163 = tpu.memref_slice %arg2[%squeeze3A, %dma_start3A_1162] : memref<100000x128xf32, #tpu.memory_space<hbm>> -> memref<1x128xf32, #tpu.memory_space<hbm>>
      %dma_start3A_1164 = arith.constant 0 : i32
      %dma_start3A_1165 = tpu.memref_slice %arg2[%squeeze3A, %dma_start3A_1164] : memref<100000x128xf32, #tpu.memory_space<hbm>> -> memref<1x128xf32, #tpu.memory_space<hbm>>
      tpu.enqueue_dma source(%dma_start3A_1165 : memref<1x128xf32, #tpu.memory_space<hbm>>) target(%arg11 : memref<1x128xf32, #tpu.memory_space<vmem>>) target_semaphore(%run_scoped3A : memref<!tpu.dma_semaphore, #tpu.memory_space<semaphore_mem>>)
      %dma_wait3A_1166 = arith.constant 0 : i32
      %dma_wait3A_1167 = tpu.memref_slice %arg2[%squeeze3A, %dma_wait3A_1166] : memref<100000x128xf32, #tpu.memory_space<hbm>> -> memref<1x128xf32, #tpu.memory_space<hbm>>
      %dma_wait3A_1168 = arith.constant 0 : i32
      %dma_wait3A_1169 = tpu.memref_slice %arg2[%squeeze3A, %dma_wait3A_1168] : memref<100000x128xf32, #tpu.memory_space<hbm>> -> memref<1x128xf32, #tpu.memory_space<hbm>>
      tpu.wait_dma2 semaphore(%run_scoped3A : memref<!tpu.dma_semaphore, #tpu.memory_space<semaphore_mem>>) src(%dma_wait3A_1169 : memref<1x128xf32, #tpu.memory_space<hbm>>) dst(%arg11 : memref<1x128xf32, #tpu.memory_space<vmem>>)
      tpu.yield
    }) : () -> ()
    "tpu.region"() ({
      %run_scoped3A = tpu.sem_alloc : memref<!tpu.dma_semaphore, #tpu.memory_space<semaphore_mem>>
      %dma_start3A_1162 = arith.constant 0 : i32
      %dma_start3A_1163 = tpu.memref_slice %arg3[%squeeze3A, %dma_start3A_1162] : memref<100000x128xf32, #tpu.memory_space<hbm>> -> memref<1x128xf32, #tpu.memory_space<hbm>>
      %dma_start3A_1164 = arith.constant 0 : i32
      %dma_start3A_1165 = tpu.memref_slice %arg3[%squeeze3A, %dma_start3A_1164] : memref<100000x128xf32, #tpu.memory_space<hbm>> -> memref<1x128xf32, #tpu.memory_space<hbm>>
      tpu.enqueue_dma source(%dma_start3A_1165 : memref<1x128xf32, #tpu.memory_space<hbm>>) target(%arg12 : memref<1x128xf32, #tpu.memory_space<vmem>>) target_semaphore(%run_scoped3A : memref<!tpu.dma_semaphore, #tpu.memory_space<semaphore_mem>>)
      %dma_wait3A_1166 = arith.constant 0 : i32
      %dma_wait3A_1167 = tpu.memref_slice %arg3[%squeeze3A, %dma_wait3A_1166] : memref<100000x128xf32, #tpu.memory_space<hbm>> -> memref<1x128xf32, #tpu.memory_space<hbm>>
      %dma_wait3A_1168 = arith.constant 0 : i32
      %dma_wait3A_1169 = tpu.memref_slice %arg3[%squeeze3A, %dma_wait3A_1168] : memref<100000x128xf32, #tpu.memory_space<hbm>> -> memref<1x128xf32, #tpu.memory_space<hbm>>
      tpu.wait_dma2 semaphore(%run_scoped3A : memref<!tpu.dma_semaphore, #tpu.memory_space<semaphore_mem>>) src(%dma_wait3A_1169 : memref<1x128xf32, #tpu.memory_space<hbm>>) dst(%arg12 : memref<1x128xf32, #tpu.memory_space<vmem>>)
      tpu.yield
    }) : () -> ()
    %barrier3A = arith.constant 0 : index
    tpu.barrier barrier_id(%barrier3A)
    "tpu.region"() ({
      %run_scoped3A = tpu.sem_alloc : memref<!tpu.dma_semaphore, #tpu.memory_space<semaphore_mem>>
      %dma_start3A_1162 = arith.constant 0 : i32
      %dma_start3A_1163 = tpu.memref_slice %arg17[%dma_start3A_1162] : memref<100000xi32, #tpu.memory_space<vmem_shared>> -> memref<100000xi32, #tpu.memory_space<vmem_shared>>
      tpu.enqueue_indirect_dma source(%dma_start3A_1163 : memref<100000xi32, #tpu.memory_space<vmem_shared>>) target(%arg13 : memref<32xi32, #tpu.memory_space<vmem>>) offsets(%arg7 : memref<32xi32, #tpu.memory_space<vmem>>) semaphore(%run_scoped3A : memref<!tpu.dma_semaphore, #tpu.memory_space<semaphore_mem>>)
      %dma_wait3A_1164 = arith.constant 0 : i32
      %dma_wait3A_1165 = tpu.memref_slice %arg17[%dma_wait3A_1164] : memref<100000xi32, #tpu.memory_space<vmem_shared>> -> memref<100000xi32, #tpu.memory_space<vmem_shared>>
      tpu.wait_indirect_dma semaphore(%run_scoped3A : memref<!tpu.dma_semaphore, #tpu.memory_space<semaphore_mem>>) src(%dma_wait3A_1165 : memref<100000xi32, #tpu.memory_space<vmem_shared>>) dst(%arg13 : memref<32xi32, #tpu.memory_space<vmem>>)
      tpu.yield
    }) : () -> ()
    %dma_wait3A = arith.constant 0 : i32
    %dma_wait3A_24 = arith.constant 0 : i32
    %dma_wait3A_25 = tpu.memref_slice %arg2[%dma_wait3A, %dma_wait3A_24] : memref<100000x128xf32, #tpu.memory_space<hbm>> -> memref<100000x128xf32, #tpu.memory_space<hbm>>
    tpu.wait_indirect_dma semaphore(%arg19 : memref<!tpu.dma_semaphore, #tpu.memory_space<semaphore_mem>>) src(%dma_wait3A_25 : memref<100000x128xf32, #tpu.memory_space<hbm>>) dst(%arg9 : memref<32x128xf32, #tpu.memory_space<vmem>>)
    %dma_wait3A_26 = arith.constant 0 : i32
    %dma_wait3A_27 = arith.constant 0 : i32
    %dma_wait3A_28 = tpu.memref_slice %arg3[%dma_wait3A_26, %dma_wait3A_27] : memref<100000x128xf32, #tpu.memory_space<hbm>> -> memref<100000x128xf32, #tpu.memory_space<hbm>>
    tpu.wait_indirect_dma semaphore(%arg20 : memref<!tpu.dma_semaphore, #tpu.memory_space<semaphore_mem>>) src(%dma_wait3A_28 : memref<100000x128xf32, #tpu.memory_space<hbm>>) dst(%arg10 : memref<32x128xf32, #tpu.memory_space<vmem>>)
    %broadcast_in_dim3A = arith.constant 0.000000e+00 : f32
    %broadcast_in_dim3A_29 = vector.broadcast %broadcast_in_dim3A : f32 to vector<16xf32>
    %broadcast_in_dim3A_30 = arith.constant 0.000000e+00 : f32
    %broadcast_in_dim3A_31 = vector.broadcast %broadcast_in_dim3A_30 : f32 to vector<16xf32>
    %broadcast_in_dim3A_32 = arith.constant 0.000000e+00 : f32
    %broadcast_in_dim3A_33 = vector.broadcast %broadcast_in_dim3A_32 : f32 to vector<16xf32>
    %get3A_34 = arith.constant 0 : i32
    %get3A_35 = arith.index_cast %get3A_34 : i32 to index
    %get3A_36 = arith.constant 0 : index
    %get3A_37 = tpu.vector_load %arg11[%get3A_35, %get3A_36] {strides = array<i32>} : memref<1x128xf32, #tpu.memory_space<vmem>>, vector<1x16xf32>,
    %get3A_38 = vector.shape_cast %get3A_37 : vector<1x16xf32> to vector<16xf32>
    %get3A_39 = arith.constant 0 : i32
    %get3A_40 = arith.index_cast %get3A_39 : i32 to index
    %get3A_41 = arith.constant 0 : index
    %get3A_42 = tpu.vector_load %arg12[%get3A_40, %get3A_41] {strides = array<i32>} : memref<1x128xf32, #tpu.memory_space<vmem>>, vector<1x16xf32>,
    %get3A_43 = vector.shape_cast %get3A_42 : vector<1x16xf32> to vector<16xf32>
    %mul3A_44 = arith.mulf %get3A_38, %get3A_38 : vector<16xf32>
    %add3A_45 = arith.addf %broadcast_in_dim3A_29, %mul3A_44 : vector<16xf32>
    %mul3A_46 = arith.mulf %get3A_43, %get3A_43 : vector<16xf32>
    %add3A_47 = arith.addf %broadcast_in_dim3A_31, %mul3A_46 : vector<16xf32>
    %mul3A_48 = arith.mulf %get3A_38, %get3A_43 : vector<16xf32>
    %add3A_49 = arith.addf %broadcast_in_dim3A_33, %mul3A_48 : vector<16xf32>
    %get3A_50 = arith.constant 0 : i32
    %get3A_51 = arith.index_cast %get3A_50 : i32 to index
    %get3A_52 = arith.constant 16 : index
    %get3A_53 = tpu.vector_load %arg11[%get3A_51, %get3A_52] {strides = array<i32>} : memref<1x128xf32, #tpu.memory_space<vmem>>, vector<1x16xf32>,
    %get3A_54 = vector.shape_cast %get3A_53 : vector<1x16xf32> to vector<16xf32>
    %get3A_55 = arith.constant 0 : i32
    %get3A_56 = arith.index_cast %get3A_55 : i32 to index
    %get3A_57 = arith.constant 16 : index
    %get3A_58 = tpu.vector_load %arg12[%get3A_56, %get3A_57] {strides = array<i32>} : memref<1x128xf32, #tpu.memory_space<vmem>>, vector<1x16xf32>,
    %get3A_59 = vector.shape_cast %get3A_58 : vector<1x16xf32> to vector<16xf32>
    %mul3A_60 = arith.mulf %get3A_54, %get3A_54 : vector<16xf32>
    %add3A_61 = arith.addf %add3A_45, %mul3A_60 : vector<16xf32>
    %mul3A_62 = arith.mulf %get3A_59, %get3A_59 : vector<16xf32>
    %add3A_63 = arith.addf %add3A_47, %mul3A_62 : vector<16xf32>
    %mul3A_64 = arith.mulf %get3A_54, %get3A_59 : vector<16xf32>
    %add3A_65 = arith.addf %add3A_49, %mul3A_64 : vector<16xf32>
    %get3A_66 = arith.constant 0 : i32
    %get3A_67 = arith.index_cast %get3A_66 : i32 to index
    %get3A_68 = arith.constant 32 : index
    %get3A_69 = tpu.vector_load %arg11[%get3A_67, %get3A_68] {strides = array<i32>} : memref<1x128xf32, #tpu.memory_space<vmem>>, vector<1x16xf32>,
    %get3A_70 = vector.shape_cast %get3A_69 : vector<1x16xf32> to vector<16xf32>
    %get3A_71 = arith.constant 0 : i32
    %get3A_72 = arith.index_cast %get3A_71 : i32 to index
    %get3A_73 = arith.constant 32 : index
    %get3A_74 = tpu.vector_load %arg12[%get3A_72, %get3A_73] {strides = array<i32>} : memref<1x128xf32, #tpu.memory_space<vmem>>, vector<1x16xf32>,
    %get3A_75 = vector.shape_cast %get3A_74 : vector<1x16xf32> to vector<16xf32>
    %mul3A_76 = arith.mulf %get3A_70, %get3A_70 : vector<16xf32>
    %add3A_77 = arith.addf %add3A_61, %mul3A_76 : vector<16xf32>
    %mul3A_78 = arith.mulf %get3A_75, %get3A_75 : vector<16xf32>
    %add3A_79 = arith.addf %add3A_63, %mul3A_78 : vector<16xf32>
    %mul3A_80 = arith.mulf %get3A_70, %get3A_75 : vector<16xf32>
    %add3A_81 = arith.addf %add3A_65, %mul3A_80 : vector<16xf32>
    %get3A_82 = arith.constant 0 : i32
    %get3A_83 = arith.index_cast %get3A_82 : i32 to index
    %get3A_84 = arith.constant 48 : index
    %get3A_85 = tpu.vector_load %arg11[%get3A_83, %get3A_84] {strides = array<i32>} : memref<1x128xf32, #tpu.memory_space<vmem>>, vector<1x16xf32>,
    %get3A_86 = vector.shape_cast %get3A_85 : vector<1x16xf32> to vector<16xf32>
    %get3A_87 = arith.constant 0 : i32
    %get3A_88 = arith.index_cast %get3A_87 : i32 to index
    %get3A_89 = arith.constant 48 : index
    %get3A_90 = tpu.vector_load %arg12[%get3A_88, %get3A_89] {strides = array<i32>} : memref<1x128xf32, #tpu.memory_space<vmem>>, vector<1x16xf32>,
    %get3A_91 = vector.shape_cast %get3A_90 : vector<1x16xf32> to vector<16xf32>
    %mul3A_92 = arith.mulf %get3A_86, %get3A_86 : vector<16xf32>
    %add3A_93 = arith.addf %add3A_77, %mul3A_92 : vector<16xf32>
    %mul3A_94 = arith.mulf %get3A_91, %get3A_91 : vector<16xf32>
    %add3A_95 = arith.addf %add3A_79, %mul3A_94 : vector<16xf32>
    %mul3A_96 = arith.mulf %get3A_86, %get3A_91 : vector<16xf32>
    %add3A_97 = arith.addf %add3A_81, %mul3A_96 : vector<16xf32>
    %get3A_98 = arith.constant 0 : i32
    %get3A_99 = arith.index_cast %get3A_98 : i32 to index
    %get3A_100 = arith.constant 64 : index
    %get3A_101 = tpu.vector_load %arg11[%get3A_99, %get3A_100] {strides = array<i32>} : memref<1x128xf32, #tpu.memory_space<vmem>>, vector<1x16xf32>,
    %get3A_102 = vector.shape_cast %get3A_101 : vector<1x16xf32> to vector<16xf32>
    %get3A_103 = arith.constant 0 : i32
    %get3A_104 = arith.index_cast %get3A_103 : i32 to index
    %get3A_105 = arith.constant 64 : index
    %get3A_106 = tpu.vector_load %arg12[%get3A_104, %get3A_105] {strides = array<i32>} : memref<1x128xf32, #tpu.memory_space<vmem>>, vector<1x16xf32>,
    %get3A_107 = vector.shape_cast %get3A_106 : vector<1x16xf32> to vector<16xf32>
    %mul3A_108 = arith.mulf %get3A_102, %get3A_102 : vector<16xf32>
    %add3A_109 = arith.addf %add3A_93, %mul3A_108 : vector<16xf32>
    %mul3A_110 = arith.mulf %get3A_107, %get3A_107 : vector<16xf32>
    %add3A_111 = arith.addf %add3A_95, %mul3A_110 : vector<16xf32>
    %mul3A_112 = arith.mulf %get3A_102, %get3A_107 : vector<16xf32>
    %add3A_113 = arith.addf %add3A_97, %mul3A_112 : vector<16xf32>
    %get3A_114 = arith.constant 0 : i32
    %get3A_115 = arith.index_cast %get3A_114 : i32 to index
    %get3A_116 = arith.constant 80 : index
    %get3A_117 = tpu.vector_load %arg11[%get3A_115, %get3A_116] {strides = array<i32>} : memref<1x128xf32, #tpu.memory_space<vmem>>, vector<1x16xf32>,
    %get3A_118 = vector.shape_cast %get3A_117 : vector<1x16xf32> to vector<16xf32>
    %get3A_119 = arith.constant 0 : i32
    %get3A_120 = arith.index_cast %get3A_119 : i32 to index
    %get3A_121 = arith.constant 80 : index
    %get3A_122 = tpu.vector_load %arg12[%get3A_120, %get3A_121] {strides = array<i32>} : memref<1x128xf32, #tpu.memory_space<vmem>>, vector<1x16xf32>,
    %get3A_123 = vector.shape_cast %get3A_122 : vector<1x16xf32> to vector<16xf32>
    %mul3A_124 = arith.mulf %get3A_118, %get3A_118 : vector<16xf32>
    %add3A_125 = arith.addf %add3A_109, %mul3A_124 : vector<16xf32>
    %mul3A_126 = arith.mulf %get3A_123, %get3A_123 : vector<16xf32>
    %add3A_127 = arith.addf %add3A_111, %mul3A_126 : vector<16xf32>
    %mul3A_128 = arith.mulf %get3A_118, %get3A_123 : vector<16xf32>
    %add3A_129 = arith.addf %add3A_113, %mul3A_128 : vector<16xf32>
    %get3A_130 = arith.constant 0 : i32
    %get3A_131 = arith.index_cast %get3A_130 : i32 to index
    %get3A_132 = arith.constant 96 : index
    %get3A_133 = tpu.vector_load %arg11[%get3A_131, %get3A_132] {strides = array<i32>} : memref<1x128xf32, #tpu.memory_space<vmem>>, vector<1x16xf32>,
    %get3A_134 = vector.shape_cast %get3A_133 : vector<1x16xf32> to vector<16xf32>
    %get3A_135 = arith.constant 0 : i32
    %get3A_136 = arith.index_cast %get3A_135 : i32 to index
    %get3A_137 = arith.constant 96 : index
    %get3A_138 = tpu.vector_load %arg12[%get3A_136, %get3A_137] {strides = array<i32>} : memref<1x128xf32, #tpu.memory_space<vmem>>, vector<1x16xf32>,
    %get3A_139 = vector.shape_cast %get3A_138 : vector<1x16xf32> to vector<16xf32>
    %mul3A_140 = arith.mulf %get3A_134, %get3A_134 : vector<16xf32>
    %add3A_141 = arith.addf %add3A_125, %mul3A_140 : vector<16xf32>
    %mul3A_142 = arith.mulf %get3A_139, %get3A_139 : vector<16xf32>
    %add3A_143 = arith.addf %add3A_127, %mul3A_142 : vector<16xf32>
    %mul3A_144 = arith.mulf %get3A_134, %get3A_139 : vector<16xf32>
    %add3A_145 = arith.addf %add3A_129, %mul3A_144 : vector<16xf32>
    %get3A_146 = arith.constant 0 : i32
    %get3A_147 = arith.index_cast %get3A_146 : i32 to index
    %get3A_148 = arith.constant 112 : index
    %get3A_149 = tpu.vector_load %arg11[%get3A_147, %get3A_148] {strides = array<i32>} : memref<1x128xf32, #tpu.memory_space<vmem>>, vector<1x16xf32>,
    %get3A_150 = vector.shape_cast %get3A_149 : vector<1x16xf32> to vector<16xf32>
    %get3A_151 = arith.constant 0 : i32
    %get3A_152 = arith.index_cast %get3A_151 : i32 to index
    %get3A_153 = arith.constant 112 : index
    %get3A_154 = tpu.vector_load %arg12[%get3A_152, %get3A_153] {strides = array<i32>} : memref<1x128xf32, #tpu.memory_space<vmem>>, vector<1x16xf32>,
    %get3A_155 = vector.shape_cast %get3A_154 : vector<1x16xf32> to vector<16xf32>
    %mul3A_156 = arith.mulf %get3A_150, %get3A_150 : vector<16xf32>
    %add3A_157 = arith.addf %add3A_141, %mul3A_156 : vector<16xf32>
    %mul3A_158 = arith.mulf %get3A_155, %get3A_155 : vector<16xf32>
    %add3A_159 = arith.addf %add3A_143, %mul3A_158 : vector<16xf32>
    %mul3A_160 = arith.mulf %get3A_150, %get3A_155 : vector<16xf32>
    %add3A_161 = arith.addf %add3A_145, %mul3A_160 : vector<16xf32>
    %iota3A_162 = tpu.iota {dimensions = array<i32: 0>} : vector<16xi32>
    %xor3A = arith.constant 8 : i32
    %xor3A_163 = vector.broadcast %xor3A : i32 to vector<16xi32>
    %xor3A_164 = arith.xori %iota3A_162, %xor3A_163 : vector<16xi32>
    %lt3A = arith.constant 0 : i32
    %lt3A_165 = vector.broadcast %lt3A : i32 to vector<16xi32>
    %lt3A_166 = arith.cmpi slt, %xor3A_164, %lt3A_165 : vector<16xi32>
    %add3A_167 = arith.constant 16 : i32
    %add3A_168 = vector.broadcast %add3A_167 : i32 to vector<16xi32>
    %add3A_169 = arith.addi %xor3A_164, %add3A_168 : vector<16xi32>
    %select_n3A = arith.select %lt3A_166, %add3A_169, %xor3A_164 : vector<16xi1>, vector<16xi32>
    %broadcast_in_dim3A_170 = vector.shape_cast %select_n3A : vector<16xi32> to vector<16x1xi32>
    %gather3A = vector.shape_cast %broadcast_in_dim3A_170 : vector<16x1xi32> to vector<16xi32>
    %gather3A_171 = tpu.dynamic_gather %add3A_157[%gather3A] in [0] : vector<16xf32>, vector<16xi32> -> vector<16xf32>
    %add3A_172 = arith.addf %add3A_157, %gather3A_171 : vector<16xf32>
    %xor3A_173 = arith.constant 4 : i32
    %xor3A_174 = vector.broadcast %xor3A_173 : i32 to vector<16xi32>
    %xor3A_175 = arith.xori %iota3A_162, %xor3A_174 : vector<16xi32>
    %lt3A_176 = arith.constant 0 : i32
    %lt3A_177 = vector.broadcast %lt3A_176 : i32 to vector<16xi32>
    %lt3A_178 = arith.cmpi slt, %xor3A_175, %lt3A_177 : vector<16xi32>
    %add3A_179 = arith.constant 16 : i32
    %add3A_180 = vector.broadcast %add3A_179 : i32 to vector<16xi32>
    %add3A_181 = arith.addi %xor3A_175, %add3A_180 : vector<16xi32>
    %select_n3A_182 = arith.select %lt3A_178, %add3A_181, %xor3A_175 : vector<16xi1>, vector<16xi32>
    %broadcast_in_dim3A_183 = vector.shape_cast %select_n3A_182 : vector<16xi32> to vector<16x1xi32>
    %gather3A_184 = vector.shape_cast %broadcast_in_dim3A_183 : vector<16x1xi32> to vector<16xi32>
    %gather3A_185 = tpu.dynamic_gather %add3A_172[%gather3A_184] in [0] : vector<16xf32>, vector<16xi32> -> vector<16xf32>
    %add3A_186 = arith.addf %add3A_172, %gather3A_185 : vector<16xf32>
    %xor3A_187 = arith.constant 2 : i32
    %xor3A_188 = vector.broadcast %xor3A_187 : i32 to vector<16xi32>
    %xor3A_189 = arith.xori %iota3A_162, %xor3A_188 : vector<16xi32>
    %lt3A_190 = arith.constant 0 : i32
    %lt3A_191 = vector.broadcast %lt3A_190 : i32 to vector<16xi32>
    %lt3A_192 = arith.cmpi slt, %xor3A_189, %lt3A_191 : vector<16xi32>
    %add3A_193 = arith.constant 16 : i32
    %add3A_194 = vector.broadcast %add3A_193 : i32 to vector<16xi32>
    %add3A_195 = arith.addi %xor3A_189, %add3A_194 : vector<16xi32>
    %select_n3A_196 = arith.select %lt3A_192, %add3A_195, %xor3A_189 : vector<16xi1>, vector<16xi32>
    %broadcast_in_dim3A_197 = vector.shape_cast %select_n3A_196 : vector<16xi32> to vector<16x1xi32>
    %gather3A_198 = vector.shape_cast %broadcast_in_dim3A_197 : vector<16x1xi32> to vector<16xi32>
    %gather3A_199 = tpu.dynamic_gather %add3A_186[%gather3A_198] in [0] : vector<16xf32>, vector<16xi32> -> vector<16xf32>
    %add3A_200 = arith.addf %add3A_186, %gather3A_199 : vector<16xf32>
    %xor3A_201 = arith.constant 1 : i32
    %xor3A_202 = vector.broadcast %xor3A_201 : i32 to vector<16xi32>
    %xor3A_203 = arith.xori %iota3A_162, %xor3A_202 : vector<16xi32>
    %lt3A_204 = arith.constant 0 : i32
    %lt3A_205 = vector.broadcast %lt3A_204 : i32 to vector<16xi32>
    %lt3A_206 = arith.cmpi slt, %xor3A_203, %lt3A_205 : vector<16xi32>
    %add3A_207 = arith.constant 16 : i32
    %add3A_208 = vector.broadcast %add3A_207 : i32 to vector<16xi32>
    %add3A_209 = arith.addi %xor3A_203, %add3A_208 : vector<16xi32>
    %select_n3A_210 = arith.select %lt3A_206, %add3A_209, %xor3A_203 : vector<16xi1>, vector<16xi32>
    %broadcast_in_dim3A_211 = vector.shape_cast %select_n3A_210 : vector<16xi32> to vector<16x1xi32>
    %gather3A_212 = vector.shape_cast %broadcast_in_dim3A_211 : vector<16x1xi32> to vector<16xi32>
    %gather3A_213 = tpu.dynamic_gather %add3A_200[%gather3A_212] in [0] : vector<16xf32>, vector<16xi32> -> vector<16xf32>
    %add3A_214 = arith.addf %add3A_200, %gather3A_213 : vector<16xf32>
    %max3A = arith.constant 1.000000e-30 : f32
    %max3A_215 = vector.broadcast %max3A : f32 to vector<16xf32>
    %max3A_216 = arith.maximumf %add3A_214, %max3A_215 : vector<16xf32>
    %bitcast_convert_type3A = tpu.bitcast %max3A_216 : vector<16xf32> -> vector<16xi32>
    %shift_right_arithmetic3A = arith.constant 1 : i32
    %shift_right_arithmetic3A_217 = vector.broadcast %shift_right_arithmetic3A : i32 to vector<16xi32>
    %shift_right_arithmetic3A_218 = arith.shrsi %bitcast_convert_type3A, %shift_right_arithmetic3A_217 : vector<16xi32>
    %sub3A = arith.constant 1597463007 : i32
    %sub3A_219 = vector.broadcast %sub3A : i32 to vector<16xi32>
    %sub3A_220 = arith.subi %sub3A_219, %shift_right_arithmetic3A_218 : vector<16xi32>
    %bitcast_convert_type3A_221 = tpu.bitcast %sub3A_220 : vector<16xi32> -> vector<16xf32>
    %mul3A_222 = arith.constant 5.000000e-01 : f32
    %mul3A_223 = vector.broadcast %mul3A_222 : f32 to vector<16xf32>
    %mul3A_224 = arith.mulf %mul3A_223, %max3A_216 : vector<16xf32>
    %mul3A_225 = arith.mulf %mul3A_224, %bitcast_convert_type3A_221 : vector<16xf32>
    %mul3A_226 = arith.mulf %mul3A_225, %bitcast_convert_type3A_221 : vector<16xf32>
    %sub3A_227 = arith.constant 1.500000e+00 : f32
    %sub3A_228 = vector.broadcast %sub3A_227 : f32 to vector<16xf32>
    %sub3A_229 = arith.subf %sub3A_228, %mul3A_226 : vector<16xf32>
    %mul3A_230 = arith.mulf %bitcast_convert_type3A_221, %sub3A_229 : vector<16xf32>
    %mul3A_231 = arith.constant 5.000000e-01 : f32
    %mul3A_232 = vector.broadcast %mul3A_231 : f32 to vector<16xf32>
    %mul3A_233 = arith.mulf %mul3A_232, %max3A_216 : vector<16xf32>
    %mul3A_234 = arith.mulf %mul3A_233, %mul3A_230 : vector<16xf32>
    %mul3A_235 = arith.mulf %mul3A_234, %mul3A_230 : vector<16xf32>
    %sub3A_236 = arith.constant 1.500000e+00 : f32
    %sub3A_237 = vector.broadcast %sub3A_236 : f32 to vector<16xf32>
    %sub3A_238 = arith.subf %sub3A_237, %mul3A_235 : vector<16xf32>
    %mul3A_239 = arith.mulf %mul3A_230, %sub3A_238 : vector<16xf32>
    %mul3A_240 = arith.constant 5.000000e-01 : f32
    %mul3A_241 = vector.broadcast %mul3A_240 : f32 to vector<16xf32>
    %mul3A_242 = arith.mulf %mul3A_241, %max3A_216 : vector<16xf32>
    %mul3A_243 = arith.mulf %mul3A_242, %mul3A_239 : vector<16xf32>
    %mul3A_244 = arith.mulf %mul3A_243, %mul3A_239 : vector<16xf32>
    %sub3A_245 = arith.constant 1.500000e+00 : f32
    %sub3A_246 = vector.broadcast %sub3A_245 : f32 to vector<16xf32>
    %sub3A_247 = arith.subf %sub3A_246, %mul3A_244 : vector<16xf32>
    %mul3A_248 = arith.mulf %mul3A_239, %sub3A_247 : vector<16xf32>
    %mul3A_249 = arith.constant 5.000000e-01 : f32
    %mul3A_250 = vector.broadcast %mul3A_249 : f32 to vector<16xf32>
    %mul3A_251 = arith.mulf %mul3A_250, %max3A_216 : vector<16xf32>
    %mul3A_252 = arith.mulf %mul3A_251, %mul3A_248 : vector<16xf32>
    %mul3A_253 = arith.mulf %mul3A_252, %mul3A_248 : vector<16xf32>
    %sub3A_254 = arith.constant 1.500000e+00 : f32
    %sub3A_255 = vector.broadcast %sub3A_254 : f32 to vector<16xf32>
    %sub3A_256 = arith.subf %sub3A_255, %mul3A_253 : vector<16xf32>
    %mul3A_257 = arith.mulf %mul3A_248, %sub3A_256 : vector<16xf32>
    %min3A = arith.constant 1.000000e+08 : f32
    %min3A_258 = vector.broadcast %min3A : f32 to vector<16xf32>
    %min3A_259 = arith.minimumf %mul3A_257, %min3A_258 : vector<16xf32>
    %iota3A_260 = tpu.iota {dimensions = array<i32: 0>} : vector<16xi32>
    %xor3A_261 = arith.constant 8 : i32
    %xor3A_262 = vector.broadcast %xor3A_261 : i32 to vector<16xi32>
    %xor3A_263 = arith.xori %iota3A_260, %xor3A_262 : vector<16xi32>
    %lt3A_264 = arith.constant 0 : i32
    %lt3A_265 = vector.broadcast %lt3A_264 : i32 to vector<16xi32>
    %lt3A_266 = arith.cmpi slt, %xor3A_263, %lt3A_265 : vector<16xi32>
    %add3A_267 = arith.constant 16 : i32
    %add3A_268 = vector.broadcast %add3A_267 : i32 to vector<16xi32>
    %add3A_269 = arith.addi %xor3A_263, %add3A_268 : vector<16xi32>
    %select_n3A_270 = arith.select %lt3A_266, %add3A_269, %xor3A_263 : vector<16xi1>, vector<16xi32>
    %broadcast_in_dim3A_271 = vector.shape_cast %select_n3A_270 : vector<16xi32> to vector<16x1xi32>
    %gather3A_272 = vector.shape_cast %broadcast_in_dim3A_271 : vector<16x1xi32> to vector<16xi32>
    %gather3A_273 = tpu.dynamic_gather %add3A_159[%gather3A_272] in [0] : vector<16xf32>, vector<16xi32> -> vector<16xf32>
    %add3A_274 = arith.addf %add3A_159, %gather3A_273 : vector<16xf32>
    %xor3A_275 = arith.constant 4 : i32
    %xor3A_276 = vector.broadcast %xor3A_275 : i32 to vector<16xi32>
    %xor3A_277 = arith.xori %iota3A_260, %xor3A_276 : vector<16xi32>
    %lt3A_278 = arith.constant 0 : i32
    %lt3A_279 = vector.broadcast %lt3A_278 : i32 to vector<16xi32>
    %lt3A_280 = arith.cmpi slt, %xor3A_277, %lt3A_279 : vector<16xi32>
    %add3A_281 = arith.constant 16 : i32
    %add3A_282 = vector.broadcast %add3A_281 : i32 to vector<16xi32>
    %add3A_283 = arith.addi %xor3A_277, %add3A_282 : vector<16xi32>
    %select_n3A_284 = arith.select %lt3A_280, %add3A_283, %xor3A_277 : vector<16xi1>, vector<16xi32>
    %broadcast_in_dim3A_285 = vector.shape_cast %select_n3A_284 : vector<16xi32> to vector<16x1xi32>
    %gather3A_286 = vector.shape_cast %broadcast_in_dim3A_285 : vector<16x1xi32> to vector<16xi32>
    %gather3A_287 = tpu.dynamic_gather %add3A_274[%gather3A_286] in [0] : vector<16xf32>, vector<16xi32> -> vector<16xf32>
    %add3A_288 = arith.addf %add3A_274, %gather3A_287 : vector<16xf32>
    %xor3A_289 = arith.constant 2 : i32
    %xor3A_290 = vector.broadcast %xor3A_289 : i32 to vector<16xi32>
    %xor3A_291 = arith.xori %iota3A_260, %xor3A_290 : vector<16xi32>
    %lt3A_292 = arith.constant 0 : i32
    %lt3A_293 = vector.broadcast %lt3A_292 : i32 to vector<16xi32>
    %lt3A_294 = arith.cmpi slt, %xor3A_291, %lt3A_293 : vector<16xi32>
    %add3A_295 = arith.constant 16 : i32
    %add3A_296 = vector.broadcast %add3A_295 : i32 to vector<16xi32>
    %add3A_297 = arith.addi %xor3A_291, %add3A_296 : vector<16xi32>
    %select_n3A_298 = arith.select %lt3A_294, %add3A_297, %xor3A_291 : vector<16xi1>, vector<16xi32>
    %broadcast_in_dim3A_299 = vector.shape_cast %select_n3A_298 : vector<16xi32> to vector<16x1xi32>
    %gather3A_300 = vector.shape_cast %broadcast_in_dim3A_299 : vector<16x1xi32> to vector<16xi32>
    %gather3A_301 = tpu.dynamic_gather %add3A_288[%gather3A_300] in [0] : vector<16xf32>, vector<16xi32> -> vector<16xf32>
    %add3A_302 = arith.addf %add3A_288, %gather3A_301 : vector<16xf32>
    %xor3A_303 = arith.constant 1 : i32
    %xor3A_304 = vector.broadcast %xor3A_303 : i32 to vector<16xi32>
    %xor3A_305 = arith.xori %iota3A_260, %xor3A_304 : vector<16xi32>
    %lt3A_306 = arith.constant 0 : i32
    %lt3A_307 = vector.broadcast %lt3A_306 : i32 to vector<16xi32>
    %lt3A_308 = arith.cmpi slt, %xor3A_305, %lt3A_307 : vector<16xi32>
    %add3A_309 = arith.constant 16 : i32
    %add3A_310 = vector.broadcast %add3A_309 : i32 to vector<16xi32>
    %add3A_311 = arith.addi %xor3A_305, %add3A_310 : vector<16xi32>
    %select_n3A_312 = arith.select %lt3A_308, %add3A_311, %xor3A_305 : vector<16xi1>, vector<16xi32>
    %broadcast_in_dim3A_313 = vector.shape_cast %select_n3A_312 : vector<16xi32> to vector<16x1xi32>
    %gather3A_314 = vector.shape_cast %broadcast_in_dim3A_313 : vector<16x1xi32> to vector<16xi32>
    %gather3A_315 = tpu.dynamic_gather %add3A_302[%gather3A_314] in [0] : vector<16xf32>, vector<16xi32> -> vector<16xf32>
    %add3A_316 = arith.addf %add3A_302, %gather3A_315 : vector<16xf32>
    %max3A_317 = arith.constant 1.000000e-30 : f32
    %max3A_318 = vector.broadcast %max3A_317 : f32 to vector<16xf32>
    %max3A_319 = arith.maximumf %add3A_316, %max3A_318 : vector<16xf32>
    %bitcast_convert_type3A_320 = tpu.bitcast %max3A_319 : vector<16xf32> -> vector<16xi32>
    %shift_right_arithmetic3A_321 = arith.constant 1 : i32
    %shift_right_arithmetic3A_322 = vector.broadcast %shift_right_arithmetic3A_321 : i32 to vector<16xi32>
    %shift_right_arithmetic3A_323 = arith.shrsi %bitcast_convert_type3A_320, %shift_right_arithmetic3A_322 : vector<16xi32>
    %sub3A_324 = arith.constant 1597463007 : i32
    %sub3A_325 = vector.broadcast %sub3A_324 : i32 to vector<16xi32>
    %sub3A_326 = arith.subi %sub3A_325, %shift_right_arithmetic3A_323 : vector<16xi32>
    %bitcast_convert_type3A_327 = tpu.bitcast %sub3A_326 : vector<16xi32> -> vector<16xf32>
    %mul3A_328 = arith.constant 5.000000e-01 : f32
    %mul3A_329 = vector.broadcast %mul3A_328 : f32 to vector<16xf32>
    %mul3A_330 = arith.mulf %mul3A_329, %max3A_319 : vector<16xf32>
    %mul3A_331 = arith.mulf %mul3A_330, %bitcast_convert_type3A_327 : vector<16xf32>
    %mul3A_332 = arith.mulf %mul3A_331, %bitcast_convert_type3A_327 : vector<16xf32>
    %sub3A_333 = arith.constant 1.500000e+00 : f32
    %sub3A_334 = vector.broadcast %sub3A_333 : f32 to vector<16xf32>
    %sub3A_335 = arith.subf %sub3A_334, %mul3A_332 : vector<16xf32>
    %mul3A_336 = arith.mulf %bitcast_convert_type3A_327, %sub3A_335 : vector<16xf32>
    %mul3A_337 = arith.constant 5.000000e-01 : f32
    %mul3A_338 = vector.broadcast %mul3A_337 : f32 to vector<16xf32>
    %mul3A_339 = arith.mulf %mul3A_338, %max3A_319 : vector<16xf32>
    %mul3A_340 = arith.mulf %mul3A_339, %mul3A_336 : vector<16xf32>
    %mul3A_341 = arith.mulf %mul3A_340, %mul3A_336 : vector<16xf32>
    %sub3A_342 = arith.constant 1.500000e+00 : f32
    %sub3A_343 = vector.broadcast %sub3A_342 : f32 to vector<16xf32>
    %sub3A_344 = arith.subf %sub3A_343, %mul3A_341 : vector<16xf32>
    %mul3A_345 = arith.mulf %mul3A_336, %sub3A_344 : vector<16xf32>
    %mul3A_346 = arith.constant 5.000000e-01 : f32
    %mul3A_347 = vector.broadcast %mul3A_346 : f32 to vector<16xf32>
    %mul3A_348 = arith.mulf %mul3A_347, %max3A_319 : vector<16xf32>
    %mul3A_349 = arith.mulf %mul3A_348, %mul3A_345 : vector<16xf32>
    %mul3A_350 = arith.mulf %mul3A_349, %mul3A_345 : vector<16xf32>
    %sub3A_351 = arith.constant 1.500000e+00 : f32
    %sub3A_352 = vector.broadcast %sub3A_351 : f32 to vector<16xf32>
    %sub3A_353 = arith.subf %sub3A_352, %mul3A_350 : vector<16xf32>
    %mul3A_354 = arith.mulf %mul3A_345, %sub3A_353 : vector<16xf32>
    %mul3A_355 = arith.constant 5.000000e-01 : f32
    %mul3A_356 = vector.broadcast %mul3A_355 : f32 to vector<16xf32>
    %mul3A_357 = arith.mulf %mul3A_356, %max3A_319 : vector<16xf32>
    %mul3A_358 = arith.mulf %mul3A_357, %mul3A_354 : vector<16xf32>
    %mul3A_359 = arith.mulf %mul3A_358, %mul3A_354 : vector<16xf32>
    %sub3A_360 = arith.constant 1.500000e+00 : f32
    %sub3A_361 = vector.broadcast %sub3A_360 : f32 to vector<16xf32>
    %sub3A_362 = arith.subf %sub3A_361, %mul3A_359 : vector<16xf32>
    %mul3A_363 = arith.mulf %mul3A_354, %sub3A_362 : vector<16xf32>
    %min3A_364 = arith.constant 1.000000e+08 : f32
    %min3A_365 = vector.broadcast %min3A_364 : f32 to vector<16xf32>
    %min3A_366 = arith.minimumf %mul3A_363, %min3A_365 : vector<16xf32>
    %iota3A_367 = tpu.iota {dimensions = array<i32: 0>} : vector<16xi32>
    %xor3A_368 = arith.constant 8 : i32
    %xor3A_369 = vector.broadcast %xor3A_368 : i32 to vector<16xi32>
    %xor3A_370 = arith.xori %iota3A_367, %xor3A_369 : vector<16xi32>
    %lt3A_371 = arith.constant 0 : i32
    %lt3A_372 = vector.broadcast %lt3A_371 : i32 to vector<16xi32>
    %lt3A_373 = arith.cmpi slt, %xor3A_370, %lt3A_372 : vector<16xi32>
    %add3A_374 = arith.constant 16 : i32
    %add3A_375 = vector.broadcast %add3A_374 : i32 to vector<16xi32>
    %add3A_376 = arith.addi %xor3A_370, %add3A_375 : vector<16xi32>
    %select_n3A_377 = arith.select %lt3A_373, %add3A_376, %xor3A_370 : vector<16xi1>, vector<16xi32>
    %broadcast_in_dim3A_378 = vector.shape_cast %select_n3A_377 : vector<16xi32> to vector<16x1xi32>
    %gather3A_379 = vector.shape_cast %broadcast_in_dim3A_378 : vector<16x1xi32> to vector<16xi32>
    %gather3A_380 = tpu.dynamic_gather %add3A_161[%gather3A_379] in [0] : vector<16xf32>, vector<16xi32> -> vector<16xf32>
    %add3A_381 = arith.addf %add3A_161, %gather3A_380 : vector<16xf32>
    %xor3A_382 = arith.constant 4 : i32
    %xor3A_383 = vector.broadcast %xor3A_382 : i32 to vector<16xi32>
    %xor3A_384 = arith.xori %iota3A_367, %xor3A_383 : vector<16xi32>
    %lt3A_385 = arith.constant 0 : i32
    %lt3A_386 = vector.broadcast %lt3A_385 : i32 to vector<16xi32>
    %lt3A_387 = arith.cmpi slt, %xor3A_384, %lt3A_386 : vector<16xi32>
    %add3A_388 = arith.constant 16 : i32
    %add3A_389 = vector.broadcast %add3A_388 : i32 to vector<16xi32>
    %add3A_390 = arith.addi %xor3A_384, %add3A_389 : vector<16xi32>
    %select_n3A_391 = arith.select %lt3A_387, %add3A_390, %xor3A_384 : vector<16xi1>, vector<16xi32>
    %broadcast_in_dim3A_392 = vector.shape_cast %select_n3A_391 : vector<16xi32> to vector<16x1xi32>
    %gather3A_393 = vector.shape_cast %broadcast_in_dim3A_392 : vector<16x1xi32> to vector<16xi32>
    %gather3A_394 = tpu.dynamic_gather %add3A_381[%gather3A_393] in [0] : vector<16xf32>, vector<16xi32> -> vector<16xf32>
    %add3A_395 = arith.addf %add3A_381, %gather3A_394 : vector<16xf32>
    %xor3A_396 = arith.constant 2 : i32
    %xor3A_397 = vector.broadcast %xor3A_396 : i32 to vector<16xi32>
    %xor3A_398 = arith.xori %iota3A_367, %xor3A_397 : vector<16xi32>
    %lt3A_399 = arith.constant 0 : i32
    %lt3A_400 = vector.broadcast %lt3A_399 : i32 to vector<16xi32>
    %lt3A_401 = arith.cmpi slt, %xor3A_398, %lt3A_400 : vector<16xi32>
    %add3A_402 = arith.constant 16 : i32
    %add3A_403 = vector.broadcast %add3A_402 : i32 to vector<16xi32>
    %add3A_404 = arith.addi %xor3A_398, %add3A_403 : vector<16xi32>
    %select_n3A_405 = arith.select %lt3A_401, %add3A_404, %xor3A_398 : vector<16xi1>, vector<16xi32>
    %broadcast_in_dim3A_406 = vector.shape_cast %select_n3A_405 : vector<16xi32> to vector<16x1xi32>
    %gather3A_407 = vector.shape_cast %broadcast_in_dim3A_406 : vector<16x1xi32> to vector<16xi32>
    %gather3A_408 = tpu.dynamic_gather %add3A_395[%gather3A_407] in [0] : vector<16xf32>, vector<16xi32> -> vector<16xf32>
    %add3A_409 = arith.addf %add3A_395, %gather3A_408 : vector<16xf32>
    %xor3A_410 = arith.constant 1 : i32
    %xor3A_411 = vector.broadcast %xor3A_410 : i32 to vector<16xi32>
    %xor3A_412 = arith.xori %iota3A_367, %xor3A_411 : vector<16xi32>
    %lt3A_413 = arith.constant 0 : i32
    %lt3A_414 = vector.broadcast %lt3A_413 : i32 to vector<16xi32>
    %lt3A_415 = arith.cmpi slt, %xor3A_412, %lt3A_414 : vector<16xi32>
    %add3A_416 = arith.constant 16 : i32
    %add3A_417 = vector.broadcast %add3A_416 : i32 to vector<16xi32>
    %add3A_418 = arith.addi %xor3A_412, %add3A_417 : vector<16xi32>
    %select_n3A_419 = arith.select %lt3A_415, %add3A_418, %xor3A_412 : vector<16xi1>, vector<16xi32>
    %broadcast_in_dim3A_420 = vector.shape_cast %select_n3A_419 : vector<16xi32> to vector<16x1xi32>
    %gather3A_421 = vector.shape_cast %broadcast_in_dim3A_420 : vector<16x1xi32> to vector<16xi32>
    %gather3A_422 = tpu.dynamic_gather %add3A_409[%gather3A_421] in [0] : vector<16xf32>, vector<16xi32> -> vector<16xf32>
    %add3A_423 = arith.addf %add3A_409, %gather3A_422 : vector<16xf32>
    %mul3A_424 = arith.mulf %add3A_423, %min3A_259 : vector<16xf32>
    %mul3A_425 = arith.mulf %mul3A_424, %min3A_366 : vector<16xf32>
    %broadcast_in_dim3A_426 = arith.constant 0.000000e+00 : f32
    %broadcast_in_dim3A_427 = vector.broadcast %broadcast_in_dim3A_426 : f32 to vector<16xf32>
    %broadcast_in_dim3A_428 = arith.constant 0.000000e+00 : f32
    %broadcast_in_dim3A_429 = vector.broadcast %broadcast_in_dim3A_428 : f32 to vector<16xf32>
    %broadcast_in_dim3A_430 = arith.constant 0.000000e+00 : f32
    %broadcast_in_dim3A_431 = vector.broadcast %broadcast_in_dim3A_430 : f32 to vector<16xf32>
    %broadcast_in_dim3A_432 = arith.constant 0.000000e+00 : f32
    %broadcast_in_dim3A_433 = vector.broadcast %broadcast_in_dim3A_432 : f32 to vector<16xf32>
    %broadcast_in_dim3A_434 = arith.constant 0.000000e+00 : f32
    %broadcast_in_dim3A_435 = vector.broadcast %broadcast_in_dim3A_434 : f32 to vector<16xf32>
    %get3A_436 = arith.constant 0 : i32
    %get3A_437 = arith.index_cast %get3A_436 : i32 to index
    %get3A_438 = arith.constant 0 : index
    %get3A_439 = tpu.vector_load %arg11[%get3A_437, %get3A_438] {strides = array<i32>} : memref<1x128xf32, #tpu.memory_space<vmem>>, vector<1x16xf32>,
    %get3A_440 = vector.shape_cast %get3A_439 : vector<1x16xf32> to vector<16xf32>
    %get3A_441 = arith.constant 0 : i32
    %get3A_442 = arith.index_cast %get3A_441 : i32 to index
    %get3A_443 = arith.constant 16 : index
    %get3A_444 = tpu.vector_load %arg11[%get3A_442, %get3A_443] {strides = array<i32>} : memref<1x128xf32, #tpu.memory_space<vmem>>, vector<1x16xf32>,
    %get3A_445 = vector.shape_cast %get3A_444 : vector<1x16xf32> to vector<16xf32>
    %get3A_446 = arith.constant 0 : i32
    %get3A_447 = arith.index_cast %get3A_446 : i32 to index
    %get3A_448 = arith.constant 32 : index
    %get3A_449 = tpu.vector_load %arg11[%get3A_447, %get3A_448] {strides = array<i32>} : memref<1x128xf32, #tpu.memory_space<vmem>>, vector<1x16xf32>,
    %get3A_450 = vector.shape_cast %get3A_449 : vector<1x16xf32> to vector<16xf32>
    %get3A_451 = arith.constant 0 : i32
    %get3A_452 = arith.index_cast %get3A_451 : i32 to index
    %get3A_453 = arith.constant 48 : index
    %get3A_454 = tpu.vector_load %arg11[%get3A_452, %get3A_453] {strides = array<i32>} : memref<1x128xf32, #tpu.memory_space<vmem>>, vector<1x16xf32>,
    %get3A_455 = vector.shape_cast %get3A_454 : vector<1x16xf32> to vector<16xf32>
    %get3A_456 = arith.constant 0 : i32
    %get3A_457 = arith.index_cast %get3A_456 : i32 to index
    %get3A_458 = arith.constant 64 : index
    %get3A_459 = tpu.vector_load %arg11[%get3A_457, %get3A_458] {strides = array<i32>} : memref<1x128xf32, #tpu.memory_space<vmem>>, vector<1x16xf32>,
    %get3A_460 = vector.shape_cast %get3A_459 : vector<1x16xf32> to vector<16xf32>
    %get3A_461 = arith.constant 0 : i32
    %get3A_462 = arith.index_cast %get3A_461 : i32 to index
    %get3A_463 = arith.constant 80 : index
    %get3A_464 = tpu.vector_load %arg11[%get3A_462, %get3A_463] {strides = array<i32>} : memref<1x128xf32, #tpu.memory_space<vmem>>, vector<1x16xf32>,
    %get3A_465 = vector.shape_cast %get3A_464 : vector<1x16xf32> to vector<16xf32>
    %get3A_466 = arith.constant 0 : i32
    %get3A_467 = arith.index_cast %get3A_466 : i32 to index
    %get3A_468 = arith.constant 96 : index
    %get3A_469 = tpu.vector_load %arg11[%get3A_467, %get3A_468] {strides = array<i32>} : memref<1x128xf32, #tpu.memory_space<vmem>>, vector<1x16xf32>,
    %get3A_470 = vector.shape_cast %get3A_469 : vector<1x16xf32> to vector<16xf32>
    %get3A_471 = arith.constant 0 : i32
    %get3A_472 = arith.index_cast %get3A_471 : i32 to index
    %get3A_473 = arith.constant 112 : index
    %get3A_474 = tpu.vector_load %arg11[%get3A_472, %get3A_473] {strides = array<i32>} : memref<1x128xf32, #tpu.memory_space<vmem>>, vector<1x16xf32>,
    %get3A_475 = vector.shape_cast %get3A_474 : vector<1x16xf32> to vector<16xf32>
    %get3A_476 = arith.constant 0 : i32
    %get3A_477 = arith.index_cast %get3A_476 : i32 to index
    %get3A_478 = arith.constant 0 : index
    %get3A_479 = tpu.vector_load %arg12[%get3A_477, %get3A_478] {strides = array<i32>} : memref<1x128xf32, #tpu.memory_space<vmem>>, vector<1x16xf32>,
    %get3A_480 = vector.shape_cast %get3A_479 : vector<1x16xf32> to vector<16xf32>
    %get3A_481 = arith.constant 0 : i32
    %get3A_482 = arith.index_cast %get3A_481 : i32 to index
    %get3A_483 = arith.constant 16 : index
    %get3A_484 = tpu.vector_load %arg12[%get3A_482, %get3A_483] {strides = array<i32>} : memref<1x128xf32, #tpu.memory_space<vmem>>, vector<1x16xf32>,
    %get3A_485 = vector.shape_cast %get3A_484 : vector<1x16xf32> to vector<16xf32>
    %get3A_486 = arith.constant 0 : i32
    %get3A_487 = arith.index_cast %get3A_486 : i32 to index
    %get3A_488 = arith.constant 32 : index
    %get3A_489 = tpu.vector_load %arg12[%get3A_487, %get3A_488] {strides = array<i32>} : memref<1x128xf32, #tpu.memory_space<vmem>>, vector<1x16xf32>,
    %get3A_490 = vector.shape_cast %get3A_489 : vector<1x16xf32> to vector<16xf32>
    %get3A_491 = arith.constant 0 : i32
    %get3A_492 = arith.index_cast %get3A_491 : i32 to index
    %get3A_493 = arith.constant 48 : index
    %get3A_494 = tpu.vector_load %arg12[%get3A_492, %get3A_493] {strides = array<i32>} : memref<1x128xf32, #tpu.memory_space<vmem>>, vector<1x16xf32>,
    %get3A_495 = vector.shape_cast %get3A_494 : vector<1x16xf32> to vector<16xf32>
    %get3A_496 = arith.constant 0 : i32
    %get3A_497 = arith.index_cast %get3A_496 : i32 to index
    %get3A_498 = arith.constant 64 : index
    %get3A_499 = tpu.vector_load %arg12[%get3A_497, %get3A_498] {strides = array<i32>} : memref<1x128xf32, #tpu.memory_space<vmem>>, vector<1x16xf32>,
    %get3A_500 = vector.shape_cast %get3A_499 : vector<1x16xf32> to vector<16xf32>
    %get3A_501 = arith.constant 0 : i32
    %get3A_502 = arith.index_cast %get3A_501 : i32 to index
    %get3A_503 = arith.constant 80 : index
    %get3A_504 = tpu.vector_load %arg12[%get3A_502, %get3A_503] {strides = array<i32>} : memref<1x128xf32, #tpu.memory_space<vmem>>, vector<1x16xf32>,
    %get3A_505 = vector.shape_cast %get3A_504 : vector<1x16xf32> to vector<16xf32>
    %get3A_506 = arith.constant 0 : i32
    %get3A_507 = arith.index_cast %get3A_506 : i32 to index
    %get3A_508 = arith.constant 96 : index
    %get3A_509 = tpu.vector_load %arg12[%get3A_507, %get3A_508] {strides = array<i32>} : memref<1x128xf32, #tpu.memory_space<vmem>>, vector<1x16xf32>,
    %get3A_510 = vector.shape_cast %get3A_509 : vector<1x16xf32> to vector<16xf32>
    %get3A_511 = arith.constant 0 : i32
    %get3A_512 = arith.index_cast %get3A_511 : i32 to index
    %get3A_513 = arith.constant 112 : index
    %get3A_514 = tpu.vector_load %arg12[%get3A_512, %get3A_513] {strides = array<i32>} : memref<1x128xf32, #tpu.memory_space<vmem>>, vector<1x16xf32>,
    %get3A_515 = vector.shape_cast %get3A_514 : vector<1x16xf32> to vector<16xf32>
    %broadcast_in_dim3A_516 = arith.constant 0.000000e+00 : f32
    %broadcast_in_dim3A_517 = vector.broadcast %broadcast_in_dim3A_516 : f32 to vector<16xf32>
    %broadcast_in_dim3A_518 = arith.constant 0.000000e+00 : f32
    %broadcast_in_dim3A_519 = vector.broadcast %broadcast_in_dim3A_518 : f32 to vector<16xf32>
    %broadcast_in_dim3A_520 = arith.constant 0.000000e+00 : f32
    %broadcast_in_dim3A_521 = vector.broadcast %broadcast_in_dim3A_520 : f32 to vector<16xf32>
    %broadcast_in_dim3A_522 = arith.constant 0.000000e+00 : f32
    %broadcast_in_dim3A_523 = vector.broadcast %broadcast_in_dim3A_522 : f32 to vector<16xf32>
    %broadcast_in_dim3A_524 = arith.constant 0.000000e+00 : f32
    %broadcast_in_dim3A_525 = vector.broadcast %broadcast_in_dim3A_524 : f32 to vector<16xf32>
    %broadcast_in_dim3A_526 = arith.constant 0.000000e+00 : f32
    %broadcast_in_dim3A_527 = vector.broadcast %broadcast_in_dim3A_526 : f32 to vector<16xf32>
    %scan3A = arith.constant 0 : i32
    %scan3A_528 = arith.constant 16 : i32
    %scan3A_529 = arith.addi %scan3A, %scan3A_528 : i32
    %scan3A_530 = arith.constant 1 : i32
    %scan3A_531:6 = scf.for %scan3A_1162 = %scan3A to %scan3A_529 step %scan3A_530 iter_args(%scan3A_1163 = %broadcast_in_dim3A_517, %scan3A_1164 = %broadcast_in_dim3A_519, %scan3A_1165 = %broadcast_in_dim3A_521, %scan3A_1166 = %broadcast_in_dim3A_523, %scan3A_1167 = %broadcast_in_dim3A_525, %scan3A_1168 = %broadcast_in_dim3A_527) -> (vector<16xf32>, vector<16xf32>, vector<16xf32>, vector<16xf32>, vector<16xf32>, vector<16xf32>)  : i32 {
      %add3A_1169 = arith.constant 0 : i32
      %add3A_1170 = arith.addi %add3A_1169, %scan3A_1162 : i32
      %broadcast_in_dim3A_1171 = arith.constant 0.000000e+00 : f32
      %broadcast_in_dim3A_1172 = vector.broadcast %broadcast_in_dim3A_1171 : f32 to vector<16xf32>
      %get3A_1173 = arith.index_cast %add3A_1170 : i32 to index
      %get3A_1174 = arith.constant 0 : index
      %get3A_1175 = tpu.vector_load %arg9[%get3A_1173, %get3A_1174] {strides = array<i32>} : memref<32x128xf32, #tpu.memory_space<vmem>>, vector<1x16xf32>,
      %get3A_1176 = vector.shape_cast %get3A_1175 : vector<1x16xf32> to vector<16xf32>
      %get3A_1177 = arith.index_cast %add3A_1170 : i32 to index
      %get3A_1178 = arith.constant 0 : index
      %get3A_1179 = tpu.vector_load %arg10[%get3A_1177, %get3A_1178] {strides = array<i32>} : memref<32x128xf32, #tpu.memory_space<vmem>>, vector<1x16xf32>,
      %get3A_1180 = vector.shape_cast %get3A_1179 : vector<1x16xf32> to vector<16xf32>
      %mul3A_1181 = arith.mulf %get3A_1176, %get3A_440 : vector<16xf32>
      %add3A_1182 = arith.addf %broadcast_in_dim3A_1172, %mul3A_1181 : vector<16xf32>
      %mul3A_1183 = arith.mulf %get3A_1176, %get3A_480 : vector<16xf32>
      %add3A_1184 = arith.addf %broadcast_in_dim3A_1172, %mul3A_1183 : vector<16xf32>
      %mul3A_1185 = arith.mulf %get3A_1176, %get3A_1176 : vector<16xf32>
      %add3A_1186 = arith.addf %broadcast_in_dim3A_1172, %mul3A_1185 : vector<16xf32>
      %mul3A_1187 = arith.mulf %get3A_1180, %get3A_440 : vector<16xf32>
      %add3A_1188 = arith.addf %broadcast_in_dim3A_1172, %mul3A_1187 : vector<16xf32>
      %mul3A_1189 = arith.mulf %get3A_1180, %get3A_480 : vector<16xf32>
      %add3A_1190 = arith.addf %broadcast_in_dim3A_1172, %mul3A_1189 : vector<16xf32>
      %mul3A_1191 = arith.mulf %get3A_1180, %get3A_1180 : vector<16xf32>
      %add3A_1192 = arith.addf %broadcast_in_dim3A_1172, %mul3A_1191 : vector<16xf32>
      %get3A_1193 = arith.index_cast %add3A_1170 : i32 to index
      %get3A_1194 = arith.constant 16 : index
      %get3A_1195 = tpu.vector_load %arg9[%get3A_1193, %get3A_1194] {strides = array<i32>} : memref<32x128xf32, #tpu.memory_space<vmem>>, vector<1x16xf32>,
      %get3A_1196 = vector.shape_cast %get3A_1195 : vector<1x16xf32> to vector<16xf32>
      %get3A_1197 = arith.index_cast %add3A_1170 : i32 to index
      %get3A_1198 = arith.constant 16 : index
      %get3A_1199 = tpu.vector_load %arg10[%get3A_1197, %get3A_1198] {strides = array<i32>} : memref<32x128xf32, #tpu.memory_space<vmem>>, vector<1x16xf32>,
      %get3A_1200 = vector.shape_cast %get3A_1199 : vector<1x16xf32> to vector<16xf32>
      %mul3A_1201 = arith.mulf %get3A_1196, %get3A_445 : vector<16xf32>
      %add3A_1202 = arith.addf %add3A_1182, %mul3A_1201 : vector<16xf32>
      %mul3A_1203 = arith.mulf %get3A_1196, %get3A_485 : vector<16xf32>
      %add3A_1204 = arith.addf %add3A_1184, %mul3A_1203 : vector<16xf32>
      %mul3A_1205 = arith.mulf %get3A_1196, %get3A_1196 : vector<16xf32>
      %add3A_1206 = arith.addf %add3A_1186, %mul3A_1205 : vector<16xf32>
      %mul3A_1207 = arith.mulf %get3A_1200, %get3A_445 : vector<16xf32>
      %add3A_1208 = arith.addf %add3A_1188, %mul3A_1207 : vector<16xf32>
      %mul3A_1209 = arith.mulf %get3A_1200, %get3A_485 : vector<16xf32>
      %add3A_1210 = arith.addf %add3A_1190, %mul3A_1209 : vector<16xf32>
      %mul3A_1211 = arith.mulf %get3A_1200, %get3A_1200 : vector<16xf32>
      %add3A_1212 = arith.addf %add3A_1192, %mul3A_1211 : vector<16xf32>
      %get3A_1213 = arith.index_cast %add3A_1170 : i32 to index
      %get3A_1214 = arith.constant 32 : index
      %get3A_1215 = tpu.vector_load %arg9[%get3A_1213, %get3A_1214] {strides = array<i32>} : memref<32x128xf32, #tpu.memory_space<vmem>>, vector<1x16xf32>,
      %get3A_1216 = vector.shape_cast %get3A_1215 : vector<1x16xf32> to vector<16xf32>
      %get3A_1217 = arith.index_cast %add3A_1170 : i32 to index
      %get3A_1218 = arith.constant 32 : index
      %get3A_1219 = tpu.vector_load %arg10[%get3A_1217, %get3A_1218] {strides = array<i32>} : memref<32x128xf32, #tpu.memory_space<vmem>>, vector<1x16xf32>,
      %get3A_1220 = vector.shape_cast %get3A_1219 : vector<1x16xf32> to vector<16xf32>
      %mul3A_1221 = arith.mulf %get3A_1216, %get3A_450 : vector<16xf32>
      %add3A_1222 = arith.addf %add3A_1202, %mul3A_1221 : vector<16xf32>
      %mul3A_1223 = arith.mulf %get3A_1216, %get3A_490 : vector<16xf32>
      %add3A_1224 = arith.addf %add3A_1204, %mul3A_1223 : vector<16xf32>
      %mul3A_1225 = arith.mulf %get3A_1216, %get3A_1216 : vector<16xf32>
      %add3A_1226 = arith.addf %add3A_1206, %mul3A_1225 : vector<16xf32>
      %mul3A_1227 = arith.mulf %get3A_1220, %get3A_450 : vector<16xf32>
      %add3A_1228 = arith.addf %add3A_1208, %mul3A_1227 : vector<16xf32>
      %mul3A_1229 = arith.mulf %get3A_1220, %get3A_490 : vector<16xf32>
      %add3A_1230 = arith.addf %add3A_1210, %mul3A_1229 : vector<16xf32>
      %mul3A_1231 = arith.mulf %get3A_1220, %get3A_1220 : vector<16xf32>
      %add3A_1232 = arith.addf %add3A_1212, %mul3A_1231 : vector<16xf32>
      %get3A_1233 = arith.index_cast %add3A_1170 : i32 to index
      %get3A_1234 = arith.constant 48 : index
      %get3A_1235 = tpu.vector_load %arg9[%get3A_1233, %get3A_1234] {strides = array<i32>} : memref<32x128xf32, #tpu.memory_space<vmem>>, vector<1x16xf32>,
      %get3A_1236 = vector.shape_cast %get3A_1235 : vector<1x16xf32> to vector<16xf32>
      %get3A_1237 = arith.index_cast %add3A_1170 : i32 to index
      %get3A_1238 = arith.constant 48 : index
      %get3A_1239 = tpu.vector_load %arg10[%get3A_1237, %get3A_1238] {strides = array<i32>} : memref<32x128xf32, #tpu.memory_space<vmem>>, vector<1x16xf32>,
      %get3A_1240 = vector.shape_cast %get3A_1239 : vector<1x16xf32> to vector<16xf32>
      %mul3A_1241 = arith.mulf %get3A_1236, %get3A_455 : vector<16xf32>
      %add3A_1242 = arith.addf %add3A_1222, %mul3A_1241 : vector<16xf32>
      %mul3A_1243 = arith.mulf %get3A_1236, %get3A_495 : vector<16xf32>
      %add3A_1244 = arith.addf %add3A_1224, %mul3A_1243 : vector<16xf32>
      %mul3A_1245 = arith.mulf %get3A_1236, %get3A_1236 : vector<16xf32>
      %add3A_1246 = arith.addf %add3A_1226, %mul3A_1245 : vector<16xf32>
      %mul3A_1247 = arith.mulf %get3A_1240, %get3A_455 : vector<16xf32>
      %add3A_1248 = arith.addf %add3A_1228, %mul3A_1247 : vector<16xf32>
      %mul3A_1249 = arith.mulf %get3A_1240, %get3A_495 : vector<16xf32>
      %add3A_1250 = arith.addf %add3A_1230, %mul3A_1249 : vector<16xf32>
      %mul3A_1251 = arith.mulf %get3A_1240, %get3A_1240 : vector<16xf32>
      %add3A_1252 = arith.addf %add3A_1232, %mul3A_1251 : vector<16xf32>
      %get3A_1253 = arith.index_cast %add3A_1170 : i32 to index
      %get3A_1254 = arith.constant 64 : index
      %get3A_1255 = tpu.vector_load %arg9[%get3A_1253, %get3A_1254] {strides = array<i32>} : memref<32x128xf32, #tpu.memory_space<vmem>>, vector<1x16xf32>,
      %get3A_1256 = vector.shape_cast %get3A_1255 : vector<1x16xf32> to vector<16xf32>
      %get3A_1257 = arith.index_cast %add3A_1170 : i32 to index
      %get3A_1258 = arith.constant 64 : index
      %get3A_1259 = tpu.vector_load %arg10[%get3A_1257, %get3A_1258] {strides = array<i32>} : memref<32x128xf32, #tpu.memory_space<vmem>>, vector<1x16xf32>,
      %get3A_1260 = vector.shape_cast %get3A_1259 : vector<1x16xf32> to vector<16xf32>
      %mul3A_1261 = arith.mulf %get3A_1256, %get3A_460 : vector<16xf32>
      %add3A_1262 = arith.addf %add3A_1242, %mul3A_1261 : vector<16xf32>
      %mul3A_1263 = arith.mulf %get3A_1256, %get3A_500 : vector<16xf32>
      %add3A_1264 = arith.addf %add3A_1244, %mul3A_1263 : vector<16xf32>
      %mul3A_1265 = arith.mulf %get3A_1256, %get3A_1256 : vector<16xf32>
      %add3A_1266 = arith.addf %add3A_1246, %mul3A_1265 : vector<16xf32>
      %mul3A_1267 = arith.mulf %get3A_1260, %get3A_460 : vector<16xf32>
      %add3A_1268 = arith.addf %add3A_1248, %mul3A_1267 : vector<16xf32>
      %mul3A_1269 = arith.mulf %get3A_1260, %get3A_500 : vector<16xf32>
      %add3A_1270 = arith.addf %add3A_1250, %mul3A_1269 : vector<16xf32>
      %mul3A_1271 = arith.mulf %get3A_1260, %get3A_1260 : vector<16xf32>
      %add3A_1272 = arith.addf %add3A_1252, %mul3A_1271 : vector<16xf32>
      %get3A_1273 = arith.index_cast %add3A_1170 : i32 to index
      %get3A_1274 = arith.constant 80 : index
      %get3A_1275 = tpu.vector_load %arg9[%get3A_1273, %get3A_1274] {strides = array<i32>} : memref<32x128xf32, #tpu.memory_space<vmem>>, vector<1x16xf32>,
      %get3A_1276 = vector.shape_cast %get3A_1275 : vector<1x16xf32> to vector<16xf32>
      %get3A_1277 = arith.index_cast %add3A_1170 : i32 to index
      %get3A_1278 = arith.constant 80 : index
      %get3A_1279 = tpu.vector_load %arg10[%get3A_1277, %get3A_1278] {strides = array<i32>} : memref<32x128xf32, #tpu.memory_space<vmem>>, vector<1x16xf32>,
      %get3A_1280 = vector.shape_cast %get3A_1279 : vector<1x16xf32> to vector<16xf32>
      %mul3A_1281 = arith.mulf %get3A_1276, %get3A_465 : vector<16xf32>
      %add3A_1282 = arith.addf %add3A_1262, %mul3A_1281 : vector<16xf32>
      %mul3A_1283 = arith.mulf %get3A_1276, %get3A_505 : vector<16xf32>
      %add3A_1284 = arith.addf %add3A_1264, %mul3A_1283 : vector<16xf32>
      %mul3A_1285 = arith.mulf %get3A_1276, %get3A_1276 : vector<16xf32>
      %add3A_1286 = arith.addf %add3A_1266, %mul3A_1285 : vector<16xf32>
      %mul3A_1287 = arith.mulf %get3A_1280, %get3A_465 : vector<16xf32>
      %add3A_1288 = arith.addf %add3A_1268, %mul3A_1287 : vector<16xf32>
      %mul3A_1289 = arith.mulf %get3A_1280, %get3A_505 : vector<16xf32>
      %add3A_1290 = arith.addf %add3A_1270, %mul3A_1289 : vector<16xf32>
      %mul3A_1291 = arith.mulf %get3A_1280, %get3A_1280 : vector<16xf32>
      %add3A_1292 = arith.addf %add3A_1272, %mul3A_1291 : vector<16xf32>
      %get3A_1293 = arith.index_cast %add3A_1170 : i32 to index
      %get3A_1294 = arith.constant 96 : index
      %get3A_1295 = tpu.vector_load %arg9[%get3A_1293, %get3A_1294] {strides = array<i32>} : memref<32x128xf32, #tpu.memory_space<vmem>>, vector<1x16xf32>,
      %get3A_1296 = vector.shape_cast %get3A_1295 : vector<1x16xf32> to vector<16xf32>
      %get3A_1297 = arith.index_cast %add3A_1170 : i32 to index
      %get3A_1298 = arith.constant 96 : index
      %get3A_1299 = tpu.vector_load %arg10[%get3A_1297, %get3A_1298] {strides = array<i32>} : memref<32x128xf32, #tpu.memory_space<vmem>>, vector<1x16xf32>,
      %get3A_1300 = vector.shape_cast %get3A_1299 : vector<1x16xf32> to vector<16xf32>
      %mul3A_1301 = arith.mulf %get3A_1296, %get3A_470 : vector<16xf32>
      %add3A_1302 = arith.addf %add3A_1282, %mul3A_1301 : vector<16xf32>
      %mul3A_1303 = arith.mulf %get3A_1296, %get3A_510 : vector<16xf32>
      %add3A_1304 = arith.addf %add3A_1284, %mul3A_1303 : vector<16xf32>
      %mul3A_1305 = arith.mulf %get3A_1296, %get3A_1296 : vector<16xf32>
      %add3A_1306 = arith.addf %add3A_1286, %mul3A_1305 : vector<16xf32>
      %mul3A_1307 = arith.mulf %get3A_1300, %get3A_470 : vector<16xf32>
      %add3A_1308 = arith.addf %add3A_1288, %mul3A_1307 : vector<16xf32>
      %mul3A_1309 = arith.mulf %get3A_1300, %get3A_510 : vector<16xf32>
      %add3A_1310 = arith.addf %add3A_1290, %mul3A_1309 : vector<16xf32>
      %mul3A_1311 = arith.mulf %get3A_1300, %get3A_1300 : vector<16xf32>
      %add3A_1312 = arith.addf %add3A_1292, %mul3A_1311 : vector<16xf32>
      %get3A_1313 = arith.index_cast %add3A_1170 : i32 to index
      %get3A_1314 = arith.constant 112 : index
      %get3A_1315 = tpu.vector_load %arg9[%get3A_1313, %get3A_1314] {strides = array<i32>} : memref<32x128xf32, #tpu.memory_space<vmem>>, vector<1x16xf32>,
      %get3A_1316 = vector.shape_cast %get3A_1315 : vector<1x16xf32> to vector<16xf32>
      %get3A_1317 = arith.index_cast %add3A_1170 : i32 to index
      %get3A_1318 = arith.constant 112 : index
      %get3A_1319 = tpu.vector_load %arg10[%get3A_1317, %get3A_1318] {strides = array<i32>} : memref<32x128xf32, #tpu.memory_space<vmem>>, vector<1x16xf32>,
      %get3A_1320 = vector.shape_cast %get3A_1319 : vector<1x16xf32> to vector<16xf32>
      %mul3A_1321 = arith.mulf %get3A_1316, %get3A_475 : vector<16xf32>
      %add3A_1322 = arith.addf %add3A_1302, %mul3A_1321 : vector<16xf32>
      %mul3A_1323 = arith.mulf %get3A_1316, %get3A_515 : vector<16xf32>
      %add3A_1324 = arith.addf %add3A_1304, %mul3A_1323 : vector<16xf32>
      %mul3A_1325 = arith.mulf %get3A_1316, %get3A_1316 : vector<16xf32>
      %add3A_1326 = arith.addf %add3A_1306, %mul3A_1325 : vector<16xf32>
      %mul3A_1327 = arith.mulf %get3A_1320, %get3A_475 : vector<16xf32>
      %add3A_1328 = arith.addf %add3A_1308, %mul3A_1327 : vector<16xf32>
      %mul3A_1329 = arith.mulf %get3A_1320, %get3A_515 : vector<16xf32>
      %add3A_1330 = arith.addf %add3A_1310, %mul3A_1329 : vector<16xf32>
      %mul3A_1331 = arith.mulf %get3A_1320, %get3A_1320 : vector<16xf32>
      %add3A_1332 = arith.addf %add3A_1312, %mul3A_1331 : vector<16xf32>
      %eq3A_1333 = vector.broadcast %scan3A_1162 : i32 to vector<16xi32>
      %eq3A_1334 = arith.cmpi eq, %iota3A, %eq3A_1333 : vector<16xi32>
      %iota3A_1335 = tpu.iota {dimensions = array<i32: 0>} : vector<16xi32>
      %xor3A_1336 = arith.constant 8 : i32
      %xor3A_1337 = vector.broadcast %xor3A_1336 : i32 to vector<16xi32>
      %xor3A_1338 = arith.xori %iota3A_1335, %xor3A_1337 : vector<16xi32>
      %lt3A_1339 = arith.constant 0 : i32
      %lt3A_1340 = vector.broadcast %lt3A_1339 : i32 to vector<16xi32>
      %lt3A_1341 = arith.cmpi slt, %xor3A_1338, %lt3A_1340 : vector<16xi32>
      %add3A_1342 = arith.constant 16 : i32
      %add3A_1343 = vector.broadcast %add3A_1342 : i32 to vector<16xi32>
      %add3A_1344 = arith.addi %xor3A_1338, %add3A_1343 : vector<16xi32>
      %select_n3A_1345 = arith.select %lt3A_1341, %add3A_1344, %xor3A_1338 : vector<16xi1>, vector<16xi32>
      %broadcast_in_dim3A_1346 = vector.shape_cast %select_n3A_1345 : vector<16xi32> to vector<16x1xi32>
      %gather3A_1347 = vector.shape_cast %broadcast_in_dim3A_1346 : vector<16x1xi32> to vector<16xi32>
      %gather3A_1348 = tpu.dynamic_gather %add3A_1322[%gather3A_1347] in [0] : vector<16xf32>, vector<16xi32> -> vector<16xf32>
      %add3A_1349 = arith.addf %add3A_1322, %gather3A_1348 : vector<16xf32>
      %xor3A_1350 = arith.constant 4 : i32
      %xor3A_1351 = vector.broadcast %xor3A_1350 : i32 to vector<16xi32>
      %xor3A_1352 = arith.xori %iota3A_1335, %xor3A_1351 : vector<16xi32>
      %lt3A_1353 = arith.constant 0 : i32
      %lt3A_1354 = vector.broadcast %lt3A_1353 : i32 to vector<16xi32>
      %lt3A_1355 = arith.cmpi slt, %xor3A_1352, %lt3A_1354 : vector<16xi32>
      %add3A_1356 = arith.constant 16 : i32
      %add3A_1357 = vector.broadcast %add3A_1356 : i32 to vector<16xi32>
      %add3A_1358 = arith.addi %xor3A_1352, %add3A_1357 : vector<16xi32>
      %select_n3A_1359 = arith.select %lt3A_1355, %add3A_1358, %xor3A_1352 : vector<16xi1>, vector<16xi32>
      %broadcast_in_dim3A_1360 = vector.shape_cast %select_n3A_1359 : vector<16xi32> to vector<16x1xi32>
      %gather3A_1361 = vector.shape_cast %broadcast_in_dim3A_1360 : vector<16x1xi32> to vector<16xi32>
      %gather3A_1362 = tpu.dynamic_gather %add3A_1349[%gather3A_1361] in [0] : vector<16xf32>, vector<16xi32> -> vector<16xf32>
      %add3A_1363 = arith.addf %add3A_1349, %gather3A_1362 : vector<16xf32>
      %xor3A_1364 = arith.constant 2 : i32
      %xor3A_1365 = vector.broadcast %xor3A_1364 : i32 to vector<16xi32>
      %xor3A_1366 = arith.xori %iota3A_1335, %xor3A_1365 : vector<16xi32>
      %lt3A_1367 = arith.constant 0 : i32
      %lt3A_1368 = vector.broadcast %lt3A_1367 : i32 to vector<16xi32>
      %lt3A_1369 = arith.cmpi slt, %xor3A_1366, %lt3A_1368 : vector<16xi32>
      %add3A_1370 = arith.constant 16 : i32
      %add3A_1371 = vector.broadcast %add3A_1370 : i32 to vector<16xi32>
      %add3A_1372 = arith.addi %xor3A_1366, %add3A_1371 : vector<16xi32>
      %select_n3A_1373 = arith.select %lt3A_1369, %add3A_1372, %xor3A_1366 : vector<16xi1>, vector<16xi32>
      %broadcast_in_dim3A_1374 = vector.shape_cast %select_n3A_1373 : vector<16xi32> to vector<16x1xi32>
      %gather3A_1375 = vector.shape_cast %broadcast_in_dim3A_1374 : vector<16x1xi32> to vector<16xi32>
      %gather3A_1376 = tpu.dynamic_gather %add3A_1363[%gather3A_1375] in [0] : vector<16xf32>, vector<16xi32> -> vector<16xf32>
      %add3A_1377 = arith.addf %add3A_1363, %gather3A_1376 : vector<16xf32>
      %xor3A_1378 = arith.constant 1 : i32
      %xor3A_1379 = vector.broadcast %xor3A_1378 : i32 to vector<16xi32>
      %xor3A_1380 = arith.xori %iota3A_1335, %xor3A_1379 : vector<16xi32>
      %lt3A_1381 = arith.constant 0 : i32
      %lt3A_1382 = vector.broadcast %lt3A_1381 : i32 to vector<16xi32>
      %lt3A_1383 = arith.cmpi slt, %xor3A_1380, %lt3A_1382 : vector<16xi32>
      %add3A_1384 = arith.constant 16 : i32
      %add3A_1385 = vector.broadcast %add3A_1384 : i32 to vector<16xi32>
      %add3A_1386 = arith.addi %xor3A_1380, %add3A_1385 : vector<16xi32>
      %select_n3A_1387 = arith.select %lt3A_1383, %add3A_1386, %xor3A_1380 : vector<16xi1>, vector<16xi32>
      %broadcast_in_dim3A_1388 = vector.shape_cast %select_n3A_1387 : vector<16xi32> to vector<16x1xi32>
      %gather3A_1389 = vector.shape_cast %broadcast_in_dim3A_1388 : vector<16x1xi32> to vector<16xi32>
      %gather3A_1390 = tpu.dynamic_gather %add3A_1377[%gather3A_1389] in [0] : vector<16xf32>, vector<16xi32> -> vector<16xf32>
      %add3A_1391 = arith.addf %add3A_1377, %gather3A_1390 : vector<16xf32>
      %select_n3A_1392 = arith.select %eq3A_1334, %add3A_1391, %scan3A_1163 : vector<16xi1>, vector<16xf32>
      %iota3A_1393 = tpu.iota {dimensions = array<i32: 0>} : vector<16xi32>
      %xor3A_1394 = arith.constant 8 : i32
      %xor3A_1395 = vector.broadcast %xor3A_1394 : i32 to vector<16xi32>
      %xor3A_1396 = arith.xori %iota3A_1393, %xor3A_1395 : vector<16xi32>
      %lt3A_1397 = arith.constant 0 : i32
      %lt3A_1398 = vector.broadcast %lt3A_1397 : i32 to vector<16xi32>
      %lt3A_1399 = arith.cmpi slt, %xor3A_1396, %lt3A_1398 : vector<16xi32>
      %add3A_1400 = arith.constant 16 : i32
      %add3A_1401 = vector.broadcast %add3A_1400 : i32 to vector<16xi32>
      %add3A_1402 = arith.addi %xor3A_1396, %add3A_1401 : vector<16xi32>
      %select_n3A_1403 = arith.select %lt3A_1399, %add3A_1402, %xor3A_1396 : vector<16xi1>, vector<16xi32>
      %broadcast_in_dim3A_1404 = vector.shape_cast %select_n3A_1403 : vector<16xi32> to vector<16x1xi32>
      %gather3A_1405 = vector.shape_cast %broadcast_in_dim3A_1404 : vector<16x1xi32> to vector<16xi32>
      %gather3A_1406 = tpu.dynamic_gather %add3A_1324[%gather3A_1405] in [0] : vector<16xf32>, vector<16xi32> -> vector<16xf32>
      %add3A_1407 = arith.addf %add3A_1324, %gather3A_1406 : vector<16xf32>
      %xor3A_1408 = arith.constant 4 : i32
      %xor3A_1409 = vector.broadcast %xor3A_1408 : i32 to vector<16xi32>
      %xor3A_1410 = arith.xori %iota3A_1393, %xor3A_1409 : vector<16xi32>
      %lt3A_1411 = arith.constant 0 : i32
      %lt3A_1412 = vector.broadcast %lt3A_1411 : i32 to vector<16xi32>
      %lt3A_1413 = arith.cmpi slt, %xor3A_1410, %lt3A_1412 : vector<16xi32>
      %add3A_1414 = arith.constant 16 : i32
      %add3A_1415 = vector.broadcast %add3A_1414 : i32 to vector<16xi32>
      %add3A_1416 = arith.addi %xor3A_1410, %add3A_1415 : vector<16xi32>
      %select_n3A_1417 = arith.select %lt3A_1413, %add3A_1416, %xor3A_1410 : vector<16xi1>, vector<16xi32>
      %broadcast_in_dim3A_1418 = vector.shape_cast %select_n3A_1417 : vector<16xi32> to vector<16x1xi32>
      %gather3A_1419 = vector.shape_cast %broadcast_in_dim3A_1418 : vector<16x1xi32> to vector<16xi32>
      %gather3A_1420 = tpu.dynamic_gather %add3A_1407[%gather3A_1419] in [0] : vector<16xf32>, vector<16xi32> -> vector<16xf32>
      %add3A_1421 = arith.addf %add3A_1407, %gather3A_1420 : vector<16xf32>
      %xor3A_1422 = arith.constant 2 : i32
      %xor3A_1423 = vector.broadcast %xor3A_1422 : i32 to vector<16xi32>
      %xor3A_1424 = arith.xori %iota3A_1393, %xor3A_1423 : vector<16xi32>
      %lt3A_1425 = arith.constant 0 : i32
      %lt3A_1426 = vector.broadcast %lt3A_1425 : i32 to vector<16xi32>
      %lt3A_1427 = arith.cmpi slt, %xor3A_1424, %lt3A_1426 : vector<16xi32>
      %add3A_1428 = arith.constant 16 : i32
      %add3A_1429 = vector.broadcast %add3A_1428 : i32 to vector<16xi32>
      %add3A_1430 = arith.addi %xor3A_1424, %add3A_1429 : vector<16xi32>
      %select_n3A_1431 = arith.select %lt3A_1427, %add3A_1430, %xor3A_1424 : vector<16xi1>, vector<16xi32>
      %broadcast_in_dim3A_1432 = vector.shape_cast %select_n3A_1431 : vector<16xi32> to vector<16x1xi32>
      %gather3A_1433 = vector.shape_cast %broadcast_in_dim3A_1432 : vector<16x1xi32> to vector<16xi32>
      %gather3A_1434 = tpu.dynamic_gather %add3A_1421[%gather3A_1433] in [0] : vector<16xf32>, vector<16xi32> -> vector<16xf32>
      %add3A_1435 = arith.addf %add3A_1421, %gather3A_1434 : vector<16xf32>
      %xor3A_1436 = arith.constant 1 : i32
      %xor3A_1437 = vector.broadcast %xor3A_1436 : i32 to vector<16xi32>
      %xor3A_1438 = arith.xori %iota3A_1393, %xor3A_1437 : vector<16xi32>
      %lt3A_1439 = arith.constant 0 : i32
      %lt3A_1440 = vector.broadcast %lt3A_1439 : i32 to vector<16xi32>
      %lt3A_1441 = arith.cmpi slt, %xor3A_1438, %lt3A_1440 : vector<16xi32>
      %add3A_1442 = arith.constant 16 : i32
      %add3A_1443 = vector.broadcast %add3A_1442 : i32 to vector<16xi32>
      %add3A_1444 = arith.addi %xor3A_1438, %add3A_1443 : vector<16xi32>
      %select_n3A_1445 = arith.select %lt3A_1441, %add3A_1444, %xor3A_1438 : vector<16xi1>, vector<16xi32>
      %broadcast_in_dim3A_1446 = vector.shape_cast %select_n3A_1445 : vector<16xi32> to vector<16x1xi32>
      %gather3A_1447 = vector.shape_cast %broadcast_in_dim3A_1446 : vector<16x1xi32> to vector<16xi32>
      %gather3A_1448 = tpu.dynamic_gather %add3A_1435[%gather3A_1447] in [0] : vector<16xf32>, vector<16xi32> -> vector<16xf32>
      %add3A_1449 = arith.addf %add3A_1435, %gather3A_1448 : vector<16xf32>
      %select_n3A_1450 = arith.select %eq3A_1334, %add3A_1449, %scan3A_1164 : vector<16xi1>, vector<16xf32>
      %iota3A_1451 = tpu.iota {dimensions = array<i32: 0>} : vector<16xi32>
      %xor3A_1452 = arith.constant 8 : i32
      %xor3A_1453 = vector.broadcast %xor3A_1452 : i32 to vector<16xi32>
      %xor3A_1454 = arith.xori %iota3A_1451, %xor3A_1453 : vector<16xi32>
      %lt3A_1455 = arith.constant 0 : i32
      %lt3A_1456 = vector.broadcast %lt3A_1455 : i32 to vector<16xi32>
      %lt3A_1457 = arith.cmpi slt, %xor3A_1454, %lt3A_1456 : vector<16xi32>
      %add3A_1458 = arith.constant 16 : i32
      %add3A_1459 = vector.broadcast %add3A_1458 : i32 to vector<16xi32>
      %add3A_1460 = arith.addi %xor3A_1454, %add3A_1459 : vector<16xi32>
      %select_n3A_1461 = arith.select %lt3A_1457, %add3A_1460, %xor3A_1454 : vector<16xi1>, vector<16xi32>
      %broadcast_in_dim3A_1462 = vector.shape_cast %select_n3A_1461 : vector<16xi32> to vector<16x1xi32>
      %gather3A_1463 = vector.shape_cast %broadcast_in_dim3A_1462 : vector<16x1xi32> to vector<16xi32>
      %gather3A_1464 = tpu.dynamic_gather %add3A_1326[%gather3A_1463] in [0] : vector<16xf32>, vector<16xi32> -> vector<16xf32>
      %add3A_1465 = arith.addf %add3A_1326, %gather3A_1464 : vector<16xf32>
      %xor3A_1466 = arith.constant 4 : i32
      %xor3A_1467 = vector.broadcast %xor3A_1466 : i32 to vector<16xi32>
      %xor3A_1468 = arith.xori %iota3A_1451, %xor3A_1467 : vector<16xi32>
      %lt3A_1469 = arith.constant 0 : i32
      %lt3A_1470 = vector.broadcast %lt3A_1469 : i32 to vector<16xi32>
      %lt3A_1471 = arith.cmpi slt, %xor3A_1468, %lt3A_1470 : vector<16xi32>
      %add3A_1472 = arith.constant 16 : i32
      %add3A_1473 = vector.broadcast %add3A_1472 : i32 to vector<16xi32>
      %add3A_1474 = arith.addi %xor3A_1468, %add3A_1473 : vector<16xi32>
      %select_n3A_1475 = arith.select %lt3A_1471, %add3A_1474, %xor3A_1468 : vector<16xi1>, vector<16xi32>
      %broadcast_in_dim3A_1476 = vector.shape_cast %select_n3A_1475 : vector<16xi32> to vector<16x1xi32>
      %gather3A_1477 = vector.shape_cast %broadcast_in_dim3A_1476 : vector<16x1xi32> to vector<16xi32>
      %gather3A_1478 = tpu.dynamic_gather %add3A_1465[%gather3A_1477] in [0] : vector<16xf32>, vector<16xi32> -> vector<16xf32>
      %add3A_1479 = arith.addf %add3A_1465, %gather3A_1478 : vector<16xf32>
      %xor3A_1480 = arith.constant 2 : i32
      %xor3A_1481 = vector.broadcast %xor3A_1480 : i32 to vector<16xi32>
      %xor3A_1482 = arith.xori %iota3A_1451, %xor3A_1481 : vector<16xi32>
      %lt3A_1483 = arith.constant 0 : i32
      %lt3A_1484 = vector.broadcast %lt3A_1483 : i32 to vector<16xi32>
      %lt3A_1485 = arith.cmpi slt, %xor3A_1482, %lt3A_1484 : vector<16xi32>
      %add3A_1486 = arith.constant 16 : i32
      %add3A_1487 = vector.broadcast %add3A_1486 : i32 to vector<16xi32>
      %add3A_1488 = arith.addi %xor3A_1482, %add3A_1487 : vector<16xi32>
      %select_n3A_1489 = arith.select %lt3A_1485, %add3A_1488, %xor3A_1482 : vector<16xi1>, vector<16xi32>
      %broadcast_in_dim3A_1490 = vector.shape_cast %select_n3A_1489 : vector<16xi32> to vector<16x1xi32>
      %gather3A_1491 = vector.shape_cast %broadcast_in_dim3A_1490 : vector<16x1xi32> to vector<16xi32>
      %gather3A_1492 = tpu.dynamic_gather %add3A_1479[%gather3A_1491] in [0] : vector<16xf32>, vector<16xi32> -> vector<16xf32>
      %add3A_1493 = arith.addf %add3A_1479, %gather3A_1492 : vector<16xf32>
      %xor3A_1494 = arith.constant 1 : i32
      %xor3A_1495 = vector.broadcast %xor3A_1494 : i32 to vector<16xi32>
      %xor3A_1496 = arith.xori %iota3A_1451, %xor3A_1495 : vector<16xi32>
      %lt3A_1497 = arith.constant 0 : i32
      %lt3A_1498 = vector.broadcast %lt3A_1497 : i32 to vector<16xi32>
      %lt3A_1499 = arith.cmpi slt, %xor3A_1496, %lt3A_1498 : vector<16xi32>
      %add3A_1500 = arith.constant 16 : i32
      %add3A_1501 = vector.broadcast %add3A_1500 : i32 to vector<16xi32>
      %add3A_1502 = arith.addi %xor3A_1496, %add3A_1501 : vector<16xi32>
      %select_n3A_1503 = arith.select %lt3A_1499, %add3A_1502, %xor3A_1496 : vector<16xi1>, vector<16xi32>
      %broadcast_in_dim3A_1504 = vector.shape_cast %select_n3A_1503 : vector<16xi32> to vector<16x1xi32>
      %gather3A_1505 = vector.shape_cast %broadcast_in_dim3A_1504 : vector<16x1xi32> to vector<16xi32>
      %gather3A_1506 = tpu.dynamic_gather %add3A_1493[%gather3A_1505] in [0] : vector<16xf32>, vector<16xi32> -> vector<16xf32>
      %add3A_1507 = arith.addf %add3A_1493, %gather3A_1506 : vector<16xf32>
      %select_n3A_1508 = arith.select %eq3A_1334, %add3A_1507, %scan3A_1165 : vector<16xi1>, vector<16xf32>
      %iota3A_1509 = tpu.iota {dimensions = array<i32: 0>} : vector<16xi32>
      %xor3A_1510 = arith.constant 8 : i32
      %xor3A_1511 = vector.broadcast %xor3A_1510 : i32 to vector<16xi32>
      %xor3A_1512 = arith.xori %iota3A_1509, %xor3A_1511 : vector<16xi32>
      %lt3A_1513 = arith.constant 0 : i32
      %lt3A_1514 = vector.broadcast %lt3A_1513 : i32 to vector<16xi32>
      %lt3A_1515 = arith.cmpi slt, %xor3A_1512, %lt3A_1514 : vector<16xi32>
      %add3A_1516 = arith.constant 16 : i32
      %add3A_1517 = vector.broadcast %add3A_1516 : i32 to vector<16xi32>
      %add3A_1518 = arith.addi %xor3A_1512, %add3A_1517 : vector<16xi32>
      %select_n3A_1519 = arith.select %lt3A_1515, %add3A_1518, %xor3A_1512 : vector<16xi1>, vector<16xi32>
      %broadcast_in_dim3A_1520 = vector.shape_cast %select_n3A_1519 : vector<16xi32> to vector<16x1xi32>
      %gather3A_1521 = vector.shape_cast %broadcast_in_dim3A_1520 : vector<16x1xi32> to vector<16xi32>
      %gather3A_1522 = tpu.dynamic_gather %add3A_1328[%gather3A_1521] in [0] : vector<16xf32>, vector<16xi32> -> vector<16xf32>
      %add3A_1523 = arith.addf %add3A_1328, %gather3A_1522 : vector<16xf32>
      %xor3A_1524 = arith.constant 4 : i32
      %xor3A_1525 = vector.broadcast %xor3A_1524 : i32 to vector<16xi32>
      %xor3A_1526 = arith.xori %iota3A_1509, %xor3A_1525 : vector<16xi32>
      %lt3A_1527 = arith.constant 0 : i32
      %lt3A_1528 = vector.broadcast %lt3A_1527 : i32 to vector<16xi32>
      %lt3A_1529 = arith.cmpi slt, %xor3A_1526, %lt3A_1528 : vector<16xi32>
      %add3A_1530 = arith.constant 16 : i32
      %add3A_1531 = vector.broadcast %add3A_1530 : i32 to vector<16xi32>
      %add3A_1532 = arith.addi %xor3A_1526, %add3A_1531 : vector<16xi32>
      %select_n3A_1533 = arith.select %lt3A_1529, %add3A_1532, %xor3A_1526 : vector<16xi1>, vector<16xi32>
      %broadcast_in_dim3A_1534 = vector.shape_cast %select_n3A_1533 : vector<16xi32> to vector<16x1xi32>
      %gather3A_1535 = vector.shape_cast %broadcast_in_dim3A_1534 : vector<16x1xi32> to vector<16xi32>
      %gather3A_1536 = tpu.dynamic_gather %add3A_1523[%gather3A_1535] in [0] : vector<16xf32>, vector<16xi32> -> vector<16xf32>
      %add3A_1537 = arith.addf %add3A_1523, %gather3A_1536 : vector<16xf32>
      %xor3A_1538 = arith.constant 2 : i32
      %xor3A_1539 = vector.broadcast %xor3A_1538 : i32 to vector<16xi32>
      %xor3A_1540 = arith.xori %iota3A_1509, %xor3A_1539 : vector<16xi32>
      %lt3A_1541 = arith.constant 0 : i32
      %lt3A_1542 = vector.broadcast %lt3A_1541 : i32 to vector<16xi32>
      %lt3A_1543 = arith.cmpi slt, %xor3A_1540, %lt3A_1542 : vector<16xi32>
      %add3A_1544 = arith.constant 16 : i32
      %add3A_1545 = vector.broadcast %add3A_1544 : i32 to vector<16xi32>
      %add3A_1546 = arith.addi %xor3A_1540, %add3A_1545 : vector<16xi32>
      %select_n3A_1547 = arith.select %lt3A_1543, %add3A_1546, %xor3A_1540 : vector<16xi1>, vector<16xi32>
      %broadcast_in_dim3A_1548 = vector.shape_cast %select_n3A_1547 : vector<16xi32> to vector<16x1xi32>
      %gather3A_1549 = vector.shape_cast %broadcast_in_dim3A_1548 : vector<16x1xi32> to vector<16xi32>
      %gather3A_1550 = tpu.dynamic_gather %add3A_1537[%gather3A_1549] in [0] : vector<16xf32>, vector<16xi32> -> vector<16xf32>
      %add3A_1551 = arith.addf %add3A_1537, %gather3A_1550 : vector<16xf32>
      %xor3A_1552 = arith.constant 1 : i32
      %xor3A_1553 = vector.broadcast %xor3A_1552 : i32 to vector<16xi32>
      %xor3A_1554 = arith.xori %iota3A_1509, %xor3A_1553 : vector<16xi32>
      %lt3A_1555 = arith.constant 0 : i32
      %lt3A_1556 = vector.broadcast %lt3A_1555 : i32 to vector<16xi32>
      %lt3A_1557 = arith.cmpi slt, %xor3A_1554, %lt3A_1556 : vector<16xi32>
      %add3A_1558 = arith.constant 16 : i32
      %add3A_1559 = vector.broadcast %add3A_1558 : i32 to vector<16xi32>
      %add3A_1560 = arith.addi %xor3A_1554, %add3A_1559 : vector<16xi32>
      %select_n3A_1561 = arith.select %lt3A_1557, %add3A_1560, %xor3A_1554 : vector<16xi1>, vector<16xi32>
      %broadcast_in_dim3A_1562 = vector.shape_cast %select_n3A_1561 : vector<16xi32> to vector<16x1xi32>
      %gather3A_1563 = vector.shape_cast %broadcast_in_dim3A_1562 : vector<16x1xi32> to vector<16xi32>
      %gather3A_1564 = tpu.dynamic_gather %add3A_1551[%gather3A_1563] in [0] : vector<16xf32>, vector<16xi32> -> vector<16xf32>
      %add3A_1565 = arith.addf %add3A_1551, %gather3A_1564 : vector<16xf32>
      %select_n3A_1566 = arith.select %eq3A_1334, %add3A_1565, %scan3A_1166 : vector<16xi1>, vector<16xf32>
      %iota3A_1567 = tpu.iota {dimensions = array<i32: 0>} : vector<16xi32>
      %xor3A_1568 = arith.constant 8 : i32
      %xor3A_1569 = vector.broadcast %xor3A_1568 : i32 to vector<16xi32>
      %xor3A_1570 = arith.xori %iota3A_1567, %xor3A_1569 : vector<16xi32>
      %lt3A_1571 = arith.constant 0 : i32
      %lt3A_1572 = vector.broadcast %lt3A_1571 : i32 to vector<16xi32>
      %lt3A_1573 = arith.cmpi slt, %xor3A_1570, %lt3A_1572 : vector<16xi32>
      %add3A_1574 = arith.constant 16 : i32
      %add3A_1575 = vector.broadcast %add3A_1574 : i32 to vector<16xi32>
      %add3A_1576 = arith.addi %xor3A_1570, %add3A_1575 : vector<16xi32>
      %select_n3A_1577 = arith.select %lt3A_1573, %add3A_1576, %xor3A_1570 : vector<16xi1>, vector<16xi32>
      %broadcast_in_dim3A_1578 = vector.shape_cast %select_n3A_1577 : vector<16xi32> to vector<16x1xi32>
      %gather3A_1579 = vector.shape_cast %broadcast_in_dim3A_1578 : vector<16x1xi32> to vector<16xi32>
      %gather3A_1580 = tpu.dynamic_gather %add3A_1330[%gather3A_1579] in [0] : vector<16xf32>, vector<16xi32> -> vector<16xf32>
      %add3A_1581 = arith.addf %add3A_1330, %gather3A_1580 : vector<16xf32>
      %xor3A_1582 = arith.constant 4 : i32
      %xor3A_1583 = vector.broadcast %xor3A_1582 : i32 to vector<16xi32>
      %xor3A_1584 = arith.xori %iota3A_1567, %xor3A_1583 : vector<16xi32>
      %lt3A_1585 = arith.constant 0 : i32
      %lt3A_1586 = vector.broadcast %lt3A_1585 : i32 to vector<16xi32>
      %lt3A_1587 = arith.cmpi slt, %xor3A_1584, %lt3A_1586 : vector<16xi32>
      %add3A_1588 = arith.constant 16 : i32
      %add3A_1589 = vector.broadcast %add3A_1588 : i32 to vector<16xi32>
      %add3A_1590 = arith.addi %xor3A_1584, %add3A_1589 : vector<16xi32>
      %select_n3A_1591 = arith.select %lt3A_1587, %add3A_1590, %xor3A_1584 : vector<16xi1>, vector<16xi32>
      %broadcast_in_dim3A_1592 = vector.shape_cast %select_n3A_1591 : vector<16xi32> to vector<16x1xi32>
      %gather3A_1593 = vector.shape_cast %broadcast_in_dim3A_1592 : vector<16x1xi32> to vector<16xi32>
      %gather3A_1594 = tpu.dynamic_gather %add3A_1581[%gather3A_1593] in [0] : vector<16xf32>, vector<16xi32> -> vector<16xf32>
      %add3A_1595 = arith.addf %add3A_1581, %gather3A_1594 : vector<16xf32>
      %xor3A_1596 = arith.constant 2 : i32
      %xor3A_1597 = vector.broadcast %xor3A_1596 : i32 to vector<16xi32>
      %xor3A_1598 = arith.xori %iota3A_1567, %xor3A_1597 : vector<16xi32>
      %lt3A_1599 = arith.constant 0 : i32
      %lt3A_1600 = vector.broadcast %lt3A_1599 : i32 to vector<16xi32>
      %lt3A_1601 = arith.cmpi slt, %xor3A_1598, %lt3A_1600 : vector<16xi32>
      %add3A_1602 = arith.constant 16 : i32
      %add3A_1603 = vector.broadcast %add3A_1602 : i32 to vector<16xi32>
      %add3A_1604 = arith.addi %xor3A_1598, %add3A_1603 : vector<16xi32>
      %select_n3A_1605 = arith.select %lt3A_1601, %add3A_1604, %xor3A_1598 : vector<16xi1>, vector<16xi32>
      %broadcast_in_dim3A_1606 = vector.shape_cast %select_n3A_1605 : vector<16xi32> to vector<16x1xi32>
      %gather3A_1607 = vector.shape_cast %broadcast_in_dim3A_1606 : vector<16x1xi32> to vector<16xi32>
      %gather3A_1608 = tpu.dynamic_gather %add3A_1595[%gather3A_1607] in [0] : vector<16xf32>, vector<16xi32> -> vector<16xf32>
      %add3A_1609 = arith.addf %add3A_1595, %gather3A_1608 : vector<16xf32>
      %xor3A_1610 = arith.constant 1 : i32
      %xor3A_1611 = vector.broadcast %xor3A_1610 : i32 to vector<16xi32>
      %xor3A_1612 = arith.xori %iota3A_1567, %xor3A_1611 : vector<16xi32>
      %lt3A_1613 = arith.constant 0 : i32
      %lt3A_1614 = vector.broadcast %lt3A_1613 : i32 to vector<16xi32>
      %lt3A_1615 = arith.cmpi slt, %xor3A_1612, %lt3A_1614 : vector<16xi32>
      %add3A_1616 = arith.constant 16 : i32
      %add3A_1617 = vector.broadcast %add3A_1616 : i32 to vector<16xi32>
      %add3A_1618 = arith.addi %xor3A_1612, %add3A_1617 : vector<16xi32>
      %select_n3A_1619 = arith.select %lt3A_1615, %add3A_1618, %xor3A_1612 : vector<16xi1>, vector<16xi32>
      %broadcast_in_dim3A_1620 = vector.shape_cast %select_n3A_1619 : vector<16xi32> to vector<16x1xi32>
      %gather3A_1621 = vector.shape_cast %broadcast_in_dim3A_1620 : vector<16x1xi32> to vector<16xi32>
      %gather3A_1622 = tpu.dynamic_gather %add3A_1609[%gather3A_1621] in [0] : vector<16xf32>, vector<16xi32> -> vector<16xf32>
      %add3A_1623 = arith.addf %add3A_1609, %gather3A_1622 : vector<16xf32>
      %select_n3A_1624 = arith.select %eq3A_1334, %add3A_1623, %scan3A_1167 : vector<16xi1>, vector<16xf32>
      %iota3A_1625 = tpu.iota {dimensions = array<i32: 0>} : vector<16xi32>
      %xor3A_1626 = arith.constant 8 : i32
      %xor3A_1627 = vector.broadcast %xor3A_1626 : i32 to vector<16xi32>
      %xor3A_1628 = arith.xori %iota3A_1625, %xor3A_1627 : vector<16xi32>
      %lt3A_1629 = arith.constant 0 : i32
      %lt3A_1630 = vector.broadcast %lt3A_1629 : i32 to vector<16xi32>
      %lt3A_1631 = arith.cmpi slt, %xor3A_1628, %lt3A_1630 : vector<16xi32>
      %add3A_1632 = arith.constant 16 : i32
      %add3A_1633 = vector.broadcast %add3A_1632 : i32 to vector<16xi32>
      %add3A_1634 = arith.addi %xor3A_1628, %add3A_1633 : vector<16xi32>
      %select_n3A_1635 = arith.select %lt3A_1631, %add3A_1634, %xor3A_1628 : vector<16xi1>, vector<16xi32>
      %broadcast_in_dim3A_1636 = vector.shape_cast %select_n3A_1635 : vector<16xi32> to vector<16x1xi32>
      %gather3A_1637 = vector.shape_cast %broadcast_in_dim3A_1636 : vector<16x1xi32> to vector<16xi32>
      %gather3A_1638 = tpu.dynamic_gather %add3A_1332[%gather3A_1637] in [0] : vector<16xf32>, vector<16xi32> -> vector<16xf32>
      %add3A_1639 = arith.addf %add3A_1332, %gather3A_1638 : vector<16xf32>
      %xor3A_1640 = arith.constant 4 : i32
      %xor3A_1641 = vector.broadcast %xor3A_1640 : i32 to vector<16xi32>
      %xor3A_1642 = arith.xori %iota3A_1625, %xor3A_1641 : vector<16xi32>
      %lt3A_1643 = arith.constant 0 : i32
      %lt3A_1644 = vector.broadcast %lt3A_1643 : i32 to vector<16xi32>
      %lt3A_1645 = arith.cmpi slt, %xor3A_1642, %lt3A_1644 : vector<16xi32>
      %add3A_1646 = arith.constant 16 : i32
      %add3A_1647 = vector.broadcast %add3A_1646 : i32 to vector<16xi32>
      %add3A_1648 = arith.addi %xor3A_1642, %add3A_1647 : vector<16xi32>
      %select_n3A_1649 = arith.select %lt3A_1645, %add3A_1648, %xor3A_1642 : vector<16xi1>, vector<16xi32>
      %broadcast_in_dim3A_1650 = vector.shape_cast %select_n3A_1649 : vector<16xi32> to vector<16x1xi32>
      %gather3A_1651 = vector.shape_cast %broadcast_in_dim3A_1650 : vector<16x1xi32> to vector<16xi32>
      %gather3A_1652 = tpu.dynamic_gather %add3A_1639[%gather3A_1651] in [0] : vector<16xf32>, vector<16xi32> -> vector<16xf32>
      %add3A_1653 = arith.addf %add3A_1639, %gather3A_1652 : vector<16xf32>
      %xor3A_1654 = arith.constant 2 : i32
      %xor3A_1655 = vector.broadcast %xor3A_1654 : i32 to vector<16xi32>
      %xor3A_1656 = arith.xori %iota3A_1625, %xor3A_1655 : vector<16xi32>
      %lt3A_1657 = arith.constant 0 : i32
      %lt3A_1658 = vector.broadcast %lt3A_1657 : i32 to vector<16xi32>
      %lt3A_1659 = arith.cmpi slt, %xor3A_1656, %lt3A_1658 : vector<16xi32>
      %add3A_1660 = arith.constant 16 : i32
      %add3A_1661 = vector.broadcast %add3A_1660 : i32 to vector<16xi32>
      %add3A_1662 = arith.addi %xor3A_1656, %add3A_1661 : vector<16xi32>
      %select_n3A_1663 = arith.select %lt3A_1659, %add3A_1662, %xor3A_1656 : vector<16xi1>, vector<16xi32>
      %broadcast_in_dim3A_1664 = vector.shape_cast %select_n3A_1663 : vector<16xi32> to vector<16x1xi32>
      %gather3A_1665 = vector.shape_cast %broadcast_in_dim3A_1664 : vector<16x1xi32> to vector<16xi32>
      %gather3A_1666 = tpu.dynamic_gather %add3A_1653[%gather3A_1665] in [0] : vector<16xf32>, vector<16xi32> -> vector<16xf32>
      %add3A_1667 = arith.addf %add3A_1653, %gather3A_1666 : vector<16xf32>
      %xor3A_1668 = arith.constant 1 : i32
      %xor3A_1669 = vector.broadcast %xor3A_1668 : i32 to vector<16xi32>
      %xor3A_1670 = arith.xori %iota3A_1625, %xor3A_1669 : vector<16xi32>
      %lt3A_1671 = arith.constant 0 : i32
      %lt3A_1672 = vector.broadcast %lt3A_1671 : i32 to vector<16xi32>
      %lt3A_1673 = arith.cmpi slt, %xor3A_1670, %lt3A_1672 : vector<16xi32>
      %add3A_1674 = arith.constant 16 : i32
      %add3A_1675 = vector.broadcast %add3A_1674 : i32 to vector<16xi32>
      %add3A_1676 = arith.addi %xor3A_1670, %add3A_1675 : vector<16xi32>
      %select_n3A_1677 = arith.select %lt3A_1673, %add3A_1676, %xor3A_1670 : vector<16xi1>, vector<16xi32>
      %broadcast_in_dim3A_1678 = vector.shape_cast %select_n3A_1677 : vector<16xi32> to vector<16x1xi32>
      %gather3A_1679 = vector.shape_cast %broadcast_in_dim3A_1678 : vector<16x1xi32> to vector<16xi32>
      %gather3A_1680 = tpu.dynamic_gather %add3A_1667[%gather3A_1679] in [0] : vector<16xf32>, vector<16xi32> -> vector<16xf32>
      %add3A_1681 = arith.addf %add3A_1667, %gather3A_1680 : vector<16xf32>
      %select_n3A_1682 = arith.select %eq3A_1334, %add3A_1681, %scan3A_1168 : vector<16xi1>, vector<16xf32>
      scf.yield %select_n3A_1392, %select_n3A_1450, %select_n3A_1508, %select_n3A_1566, %select_n3A_1624, %select_n3A_1682 : vector<16xf32>, vector<16xf32>, vector<16xf32>, vector<16xf32>, vector<16xf32>, vector<16xf32>
    }
    %scan3A_532 = arith.constant 16 : i32
    %max3A_533 = arith.constant 1.000000e-30 : f32
    %max3A_534 = vector.broadcast %max3A_533 : f32 to vector<16xf32>
    %max3A_535 = arith.maximumf %scan3A_531#2, %max3A_534 : vector<16xf32>
    %bitcast_convert_type3A_536 = tpu.bitcast %max3A_535 : vector<16xf32> -> vector<16xi32>
    %shift_right_arithmetic3A_537 = arith.constant 1 : i32
    %shift_right_arithmetic3A_538 = vector.broadcast %shift_right_arithmetic3A_537 : i32 to vector<16xi32>
    %shift_right_arithmetic3A_539 = arith.shrsi %bitcast_convert_type3A_536, %shift_right_arithmetic3A_538 : vector<16xi32>
    %sub3A_540 = arith.constant 1597463007 : i32
    %sub3A_541 = vector.broadcast %sub3A_540 : i32 to vector<16xi32>
    %sub3A_542 = arith.subi %sub3A_541, %shift_right_arithmetic3A_539 : vector<16xi32>
    %bitcast_convert_type3A_543 = tpu.bitcast %sub3A_542 : vector<16xi32> -> vector<16xf32>
    %mul3A_544 = arith.constant 5.000000e-01 : f32
    %mul3A_545 = vector.broadcast %mul3A_544 : f32 to vector<16xf32>
    %mul3A_546 = arith.mulf %mul3A_545, %max3A_535 : vector<16xf32>
    %mul3A_547 = arith.mulf %mul3A_546, %bitcast_convert_type3A_543 : vector<16xf32>
    %mul3A_548 = arith.mulf %mul3A_547, %bitcast_convert_type3A_543 : vector<16xf32>
    %sub3A_549 = arith.constant 1.500000e+00 : f32
    %sub3A_550 = vector.broadcast %sub3A_549 : f32 to vector<16xf32>
    %sub3A_551 = arith.subf %sub3A_550, %mul3A_548 : vector<16xf32>
    %mul3A_552 = arith.mulf %bitcast_convert_type3A_543, %sub3A_551 : vector<16xf32>
    %mul3A_553 = arith.constant 5.000000e-01 : f32
    %mul3A_554 = vector.broadcast %mul3A_553 : f32 to vector<16xf32>
    %mul3A_555 = arith.mulf %mul3A_554, %max3A_535 : vector<16xf32>
    %mul3A_556 = arith.mulf %mul3A_555, %mul3A_552 : vector<16xf32>
    %mul3A_557 = arith.mulf %mul3A_556, %mul3A_552 : vector<16xf32>
    %sub3A_558 = arith.constant 1.500000e+00 : f32
    %sub3A_559 = vector.broadcast %sub3A_558 : f32 to vector<16xf32>
    %sub3A_560 = arith.subf %sub3A_559, %mul3A_557 : vector<16xf32>
    %mul3A_561 = arith.mulf %mul3A_552, %sub3A_560 : vector<16xf32>
    %mul3A_562 = arith.constant 5.000000e-01 : f32
    %mul3A_563 = vector.broadcast %mul3A_562 : f32 to vector<16xf32>
    %mul3A_564 = arith.mulf %mul3A_563, %max3A_535 : vector<16xf32>
    %mul3A_565 = arith.mulf %mul3A_564, %mul3A_561 : vector<16xf32>
    %mul3A_566 = arith.mulf %mul3A_565, %mul3A_561 : vector<16xf32>
    %sub3A_567 = arith.constant 1.500000e+00 : f32
    %sub3A_568 = vector.broadcast %sub3A_567 : f32 to vector<16xf32>
    %sub3A_569 = arith.subf %sub3A_568, %mul3A_566 : vector<16xf32>
    %mul3A_570 = arith.mulf %mul3A_561, %sub3A_569 : vector<16xf32>
    %mul3A_571 = arith.constant 5.000000e-01 : f32
    %mul3A_572 = vector.broadcast %mul3A_571 : f32 to vector<16xf32>
    %mul3A_573 = arith.mulf %mul3A_572, %max3A_535 : vector<16xf32>
    %mul3A_574 = arith.mulf %mul3A_573, %mul3A_570 : vector<16xf32>
    %mul3A_575 = arith.mulf %mul3A_574, %mul3A_570 : vector<16xf32>
    %sub3A_576 = arith.constant 1.500000e+00 : f32
    %sub3A_577 = vector.broadcast %sub3A_576 : f32 to vector<16xf32>
    %sub3A_578 = arith.subf %sub3A_577, %mul3A_575 : vector<16xf32>
    %mul3A_579 = arith.mulf %mul3A_570, %sub3A_578 : vector<16xf32>
    %min3A_580 = arith.constant 1.000000e+08 : f32
    %min3A_581 = vector.broadcast %min3A_580 : f32 to vector<16xf32>
    %min3A_582 = arith.minimumf %mul3A_579, %min3A_581 : vector<16xf32>
    %max3A_583 = arith.constant 1.000000e-30 : f32
    %max3A_584 = vector.broadcast %max3A_583 : f32 to vector<16xf32>
    %max3A_585 = arith.maximumf %scan3A_531#5, %max3A_584 : vector<16xf32>
    %bitcast_convert_type3A_586 = tpu.bitcast %max3A_585 : vector<16xf32> -> vector<16xi32>
    %shift_right_arithmetic3A_587 = arith.constant 1 : i32
    %shift_right_arithmetic3A_588 = vector.broadcast %shift_right_arithmetic3A_587 : i32 to vector<16xi32>
    %shift_right_arithmetic3A_589 = arith.shrsi %bitcast_convert_type3A_586, %shift_right_arithmetic3A_588 : vector<16xi32>
    %sub3A_590 = arith.constant 1597463007 : i32
    %sub3A_591 = vector.broadcast %sub3A_590 : i32 to vector<16xi32>
    %sub3A_592 = arith.subi %sub3A_591, %shift_right_arithmetic3A_589 : vector<16xi32>
    %bitcast_convert_type3A_593 = tpu.bitcast %sub3A_592 : vector<16xi32> -> vector<16xf32>
    %mul3A_594 = arith.constant 5.000000e-01 : f32
    %mul3A_595 = vector.broadcast %mul3A_594 : f32 to vector<16xf32>
    %mul3A_596 = arith.mulf %mul3A_595, %max3A_585 : vector<16xf32>
    %mul3A_597 = arith.mulf %mul3A_596, %bitcast_convert_type3A_593 : vector<16xf32>
    %mul3A_598 = arith.mulf %mul3A_597, %bitcast_convert_type3A_593 : vector<16xf32>
    %sub3A_599 = arith.constant 1.500000e+00 : f32
    %sub3A_600 = vector.broadcast %sub3A_599 : f32 to vector<16xf32>
    %sub3A_601 = arith.subf %sub3A_600, %mul3A_598 : vector<16xf32>
    %mul3A_602 = arith.mulf %bitcast_convert_type3A_593, %sub3A_601 : vector<16xf32>
    %mul3A_603 = arith.constant 5.000000e-01 : f32
    %mul3A_604 = vector.broadcast %mul3A_603 : f32 to vector<16xf32>
    %mul3A_605 = arith.mulf %mul3A_604, %max3A_585 : vector<16xf32>
    %mul3A_606 = arith.mulf %mul3A_605, %mul3A_602 : vector<16xf32>
    %mul3A_607 = arith.mulf %mul3A_606, %mul3A_602 : vector<16xf32>
    %sub3A_608 = arith.constant 1.500000e+00 : f32
    %sub3A_609 = vector.broadcast %sub3A_608 : f32 to vector<16xf32>
    %sub3A_610 = arith.subf %sub3A_609, %mul3A_607 : vector<16xf32>
    %mul3A_611 = arith.mulf %mul3A_602, %sub3A_610 : vector<16xf32>
    %mul3A_612 = arith.constant 5.000000e-01 : f32
    %mul3A_613 = vector.broadcast %mul3A_612 : f32 to vector<16xf32>
    %mul3A_614 = arith.mulf %mul3A_613, %max3A_585 : vector<16xf32>
    %mul3A_615 = arith.mulf %mul3A_614, %mul3A_611 : vector<16xf32>
    %mul3A_616 = arith.mulf %mul3A_615, %mul3A_611 : vector<16xf32>
    %sub3A_617 = arith.constant 1.500000e+00 : f32
    %sub3A_618 = vector.broadcast %sub3A_617 : f32 to vector<16xf32>
    %sub3A_619 = arith.subf %sub3A_618, %mul3A_616 : vector<16xf32>
    %mul3A_620 = arith.mulf %mul3A_611, %sub3A_619 : vector<16xf32>
    %mul3A_621 = arith.constant 5.000000e-01 : f32
    %mul3A_622 = vector.broadcast %mul3A_621 : f32 to vector<16xf32>
    %mul3A_623 = arith.mulf %mul3A_622, %max3A_585 : vector<16xf32>
    %mul3A_624 = arith.mulf %mul3A_623, %mul3A_620 : vector<16xf32>
    %mul3A_625 = arith.mulf %mul3A_624, %mul3A_620 : vector<16xf32>
    %sub3A_626 = arith.constant 1.500000e+00 : f32
    %sub3A_627 = vector.broadcast %sub3A_626 : f32 to vector<16xf32>
    %sub3A_628 = arith.subf %sub3A_627, %mul3A_625 : vector<16xf32>
    %mul3A_629 = arith.mulf %mul3A_620, %sub3A_628 : vector<16xf32>
    %min3A_630 = arith.constant 1.000000e+08 : f32
    %min3A_631 = vector.broadcast %min3A_630 : f32 to vector<16xf32>
    %min3A_632 = arith.minimumf %mul3A_629, %min3A_631 : vector<16xf32>
    %get3A_633 = arith.constant 0 : index
    %get3A_634 = tpu.vector_load %arg13[%get3A_633] {strides = array<i32>} : memref<32xi32, #tpu.memory_space<vmem>>, vector<16xi32>,
    %get3A_635 = vector.shape_cast %get3A_634 : vector<16xi32> to vector<16xi32>
    %get3A_636 = arith.constant 0 : index
    %get3A_637 = tpu.vector_load %arg7[%get3A_636] {strides = array<i32>} : memref<32xi32, #tpu.memory_space<vmem>>, vector<16xi32>,
    %get3A_638 = vector.shape_cast %get3A_637 : vector<16xi32> to vector<16xi32>
    %add3A_639 = arith.constant 0 : i32
    %add3A_640 = vector.broadcast %add3A_639 : i32 to vector<16xi32>
    %add3A_641 = arith.addi %iota3A, %add3A_640 : vector<16xi32>
    %add3A_642 = vector.broadcast %mul3A_0 : i32 to vector<16xi32>
    %add3A_643 = arith.addi %add3A_641, %add3A_642 : vector<16xi32>
    %eq3A = arith.cmpi eq, %get3A_635, %add3A_643 : vector<16xi32>
    %ne3A = arith.cmpi ne, %get3A_638, %get3A_23 : vector<16xi32>
    %and3A = arith.andi %eq3A, %ne3A : vector<16xi1>
    %jit3A = arith.constant 1.000000e+00 : f32
    %jit3A_644 = arith.constant 0.000000e+00 : f32
    %broadcast_in_dim3A_645 = vector.broadcast %jit3A : f32 to vector<16xf32>
    %broadcast_in_dim3A_646 = vector.broadcast %jit3A_644 : f32 to vector<16xf32>
    %select_n3A_647 = arith.select %and3A, %broadcast_in_dim3A_645, %broadcast_in_dim3A_646 : vector<16xi1>, vector<16xf32>
    %mul3A_648 = arith.mulf %scan3A_531#0, %min3A_582 : vector<16xf32>
    %mul3A_649 = arith.mulf %mul3A_648, %min3A_259 : vector<16xf32>
    %mul3A_650 = arith.mulf %select_n3A_647, %mul3A_649 : vector<16xf32>
    %add3A_651 = arith.addf %broadcast_in_dim3A_427, %mul3A_650 : vector<16xf32>
    %mul3A_652 = arith.mulf %scan3A_531#1, %min3A_582 : vector<16xf32>
    %mul3A_653 = arith.mulf %mul3A_652, %min3A_366 : vector<16xf32>
    %mul3A_654 = arith.mulf %select_n3A_647, %mul3A_653 : vector<16xf32>
    %add3A_655 = arith.addf %broadcast_in_dim3A_433, %mul3A_654 : vector<16xf32>
    %mul3A_656 = arith.mulf %scan3A_531#3, %min3A_632 : vector<16xf32>
    %mul3A_657 = arith.mulf %mul3A_656, %min3A_259 : vector<16xf32>
    %mul3A_658 = arith.mulf %select_n3A_647, %mul3A_657 : vector<16xf32>
    %add3A_659 = arith.addf %broadcast_in_dim3A_431, %mul3A_658 : vector<16xf32>
    %mul3A_660 = arith.mulf %scan3A_531#4, %min3A_632 : vector<16xf32>
    %mul3A_661 = arith.mulf %mul3A_660, %min3A_366 : vector<16xf32>
    %mul3A_662 = arith.mulf %select_n3A_647, %mul3A_661 : vector<16xf32>
    %add3A_663 = arith.addf %broadcast_in_dim3A_429, %mul3A_662 : vector<16xf32>
    %add3A_664 = arith.addf %broadcast_in_dim3A_435, %select_n3A_647 : vector<16xf32>
    %broadcast_in_dim3A_665 = arith.constant 0.000000e+00 : f32
    %broadcast_in_dim3A_666 = vector.broadcast %broadcast_in_dim3A_665 : f32 to vector<16xf32>
    %broadcast_in_dim3A_667 = arith.constant 0.000000e+00 : f32
    %broadcast_in_dim3A_668 = vector.broadcast %broadcast_in_dim3A_667 : f32 to vector<16xf32>
    %broadcast_in_dim3A_669 = arith.constant 0.000000e+00 : f32
    %broadcast_in_dim3A_670 = vector.broadcast %broadcast_in_dim3A_669 : f32 to vector<16xf32>
    %broadcast_in_dim3A_671 = arith.constant 0.000000e+00 : f32
    %broadcast_in_dim3A_672 = vector.broadcast %broadcast_in_dim3A_671 : f32 to vector<16xf32>
    %broadcast_in_dim3A_673 = arith.constant 0.000000e+00 : f32
    %broadcast_in_dim3A_674 = vector.broadcast %broadcast_in_dim3A_673 : f32 to vector<16xf32>
    %broadcast_in_dim3A_675 = arith.constant 0.000000e+00 : f32
    %broadcast_in_dim3A_676 = vector.broadcast %broadcast_in_dim3A_675 : f32 to vector<16xf32>
    %scan3A_677 = arith.constant 0 : i32
    %scan3A_678 = arith.constant 16 : i32
    %scan3A_679 = arith.addi %scan3A_677, %scan3A_678 : i32
    %scan3A_680 = arith.constant 1 : i32
    %scan3A_681:6 = scf.for %scan3A_1162 = %scan3A_677 to %scan3A_679 step %scan3A_680 iter_args(%scan3A_1163 = %broadcast_in_dim3A_666, %scan3A_1164 = %broadcast_in_dim3A_668, %scan3A_1165 = %broadcast_in_dim3A_670, %scan3A_1166 = %broadcast_in_dim3A_672, %scan3A_1167 = %broadcast_in_dim3A_674, %scan3A_1168 = %broadcast_in_dim3A_676) -> (vector<16xf32>, vector<16xf32>, vector<16xf32>, vector<16xf32>, vector<16xf32>, vector<16xf32>)  : i32 {
      %add3A_1169 = arith.constant 16 : i32
      %add3A_1170 = arith.addi %add3A_1169, %scan3A_1162 : i32
      %broadcast_in_dim3A_1171 = arith.constant 0.000000e+00 : f32
      %broadcast_in_dim3A_1172 = vector.broadcast %broadcast_in_dim3A_1171 : f32 to vector<16xf32>
      %get3A_1173 = arith.index_cast %add3A_1170 : i32 to index
      %get3A_1174 = arith.constant 0 : index
      %get3A_1175 = tpu.vector_load %arg9[%get3A_1173, %get3A_1174] {strides = array<i32>} : memref<32x128xf32, #tpu.memory_space<vmem>>, vector<1x16xf32>,
      %get3A_1176 = vector.shape_cast %get3A_1175 : vector<1x16xf32> to vector<16xf32>
      %get3A_1177 = arith.index_cast %add3A_1170 : i32 to index
      %get3A_1178 = arith.constant 0 : index
      %get3A_1179 = tpu.vector_load %arg10[%get3A_1177, %get3A_1178] {strides = array<i32>} : memref<32x128xf32, #tpu.memory_space<vmem>>, vector<1x16xf32>,
      %get3A_1180 = vector.shape_cast %get3A_1179 : vector<1x16xf32> to vector<16xf32>
      %mul3A_1181 = arith.mulf %get3A_1176, %get3A_440 : vector<16xf32>
      %add3A_1182 = arith.addf %broadcast_in_dim3A_1172, %mul3A_1181 : vector<16xf32>
      %mul3A_1183 = arith.mulf %get3A_1176, %get3A_480 : vector<16xf32>
      %add3A_1184 = arith.addf %broadcast_in_dim3A_1172, %mul3A_1183 : vector<16xf32>
      %mul3A_1185 = arith.mulf %get3A_1176, %get3A_1176 : vector<16xf32>
      %add3A_1186 = arith.addf %broadcast_in_dim3A_1172, %mul3A_1185 : vector<16xf32>
      %mul3A_1187 = arith.mulf %get3A_1180, %get3A_440 : vector<16xf32>
      %add3A_1188 = arith.addf %broadcast_in_dim3A_1172, %mul3A_1187 : vector<16xf32>
      %mul3A_1189 = arith.mulf %get3A_1180, %get3A_480 : vector<16xf32>
      %add3A_1190 = arith.addf %broadcast_in_dim3A_1172, %mul3A_1189 : vector<16xf32>
      %mul3A_1191 = arith.mulf %get3A_1180, %get3A_1180 : vector<16xf32>
      %add3A_1192 = arith.addf %broadcast_in_dim3A_1172, %mul3A_1191 : vector<16xf32>
      %get3A_1193 = arith.index_cast %add3A_1170 : i32 to index
      %get3A_1194 = arith.constant 16 : index
      %get3A_1195 = tpu.vector_load %arg9[%get3A_1193, %get3A_1194] {strides = array<i32>} : memref<32x128xf32, #tpu.memory_space<vmem>>, vector<1x16xf32>,
      %get3A_1196 = vector.shape_cast %get3A_1195 : vector<1x16xf32> to vector<16xf32>
      %get3A_1197 = arith.index_cast %add3A_1170 : i32 to index
      %get3A_1198 = arith.constant 16 : index
      %get3A_1199 = tpu.vector_load %arg10[%get3A_1197, %get3A_1198] {strides = array<i32>} : memref<32x128xf32, #tpu.memory_space<vmem>>, vector<1x16xf32>,
      %get3A_1200 = vector.shape_cast %get3A_1199 : vector<1x16xf32> to vector<16xf32>
      %mul3A_1201 = arith.mulf %get3A_1196, %get3A_445 : vector<16xf32>
      %add3A_1202 = arith.addf %add3A_1182, %mul3A_1201 : vector<16xf32>
      %mul3A_1203 = arith.mulf %get3A_1196, %get3A_485 : vector<16xf32>
      %add3A_1204 = arith.addf %add3A_1184, %mul3A_1203 : vector<16xf32>
      %mul3A_1205 = arith.mulf %get3A_1196, %get3A_1196 : vector<16xf32>
      %add3A_1206 = arith.addf %add3A_1186, %mul3A_1205 : vector<16xf32>
      %mul3A_1207 = arith.mulf %get3A_1200, %get3A_445 : vector<16xf32>
      %add3A_1208 = arith.addf %add3A_1188, %mul3A_1207 : vector<16xf32>
      %mul3A_1209 = arith.mulf %get3A_1200, %get3A_485 : vector<16xf32>
      %add3A_1210 = arith.addf %add3A_1190, %mul3A_1209 : vector<16xf32>
      %mul3A_1211 = arith.mulf %get3A_1200, %get3A_1200 : vector<16xf32>
      %add3A_1212 = arith.addf %add3A_1192, %mul3A_1211 : vector<16xf32>
      %get3A_1213 = arith.index_cast %add3A_1170 : i32 to index
      %get3A_1214 = arith.constant 32 : index
      %get3A_1215 = tpu.vector_load %arg9[%get3A_1213, %get3A_1214] {strides = array<i32>} : memref<32x128xf32, #tpu.memory_space<vmem>>, vector<1x16xf32>,
      %get3A_1216 = vector.shape_cast %get3A_1215 : vector<1x16xf32> to vector<16xf32>
      %get3A_1217 = arith.index_cast %add3A_1170 : i32 to index
      %get3A_1218 = arith.constant 32 : index
      %get3A_1219 = tpu.vector_load %arg10[%get3A_1217, %get3A_1218] {strides = array<i32>} : memref<32x128xf32, #tpu.memory_space<vmem>>, vector<1x16xf32>,
      %get3A_1220 = vector.shape_cast %get3A_1219 : vector<1x16xf32> to vector<16xf32>
      %mul3A_1221 = arith.mulf %get3A_1216, %get3A_450 : vector<16xf32>
      %add3A_1222 = arith.addf %add3A_1202, %mul3A_1221 : vector<16xf32>
      %mul3A_1223 = arith.mulf %get3A_1216, %get3A_490 : vector<16xf32>
      %add3A_1224 = arith.addf %add3A_1204, %mul3A_1223 : vector<16xf32>
      %mul3A_1225 = arith.mulf %get3A_1216, %get3A_1216 : vector<16xf32>
      %add3A_1226 = arith.addf %add3A_1206, %mul3A_1225 : vector<16xf32>
      %mul3A_1227 = arith.mulf %get3A_1220, %get3A_450 : vector<16xf32>
      %add3A_1228 = arith.addf %add3A_1208, %mul3A_1227 : vector<16xf32>
      %mul3A_1229 = arith.mulf %get3A_1220, %get3A_490 : vector<16xf32>
      %add3A_1230 = arith.addf %add3A_1210, %mul3A_1229 : vector<16xf32>
      %mul3A_1231 = arith.mulf %get3A_1220, %get3A_1220 : vector<16xf32>
      %add3A_1232 = arith.addf %add3A_1212, %mul3A_1231 : vector<16xf32>
      %get3A_1233 = arith.index_cast %add3A_1170 : i32 to index
      %get3A_1234 = arith.constant 48 : index
      %get3A_1235 = tpu.vector_load %arg9[%get3A_1233, %get3A_1234] {strides = array<i32>} : memref<32x128xf32, #tpu.memory_space<vmem>>, vector<1x16xf32>,
      %get3A_1236 = vector.shape_cast %get3A_1235 : vector<1x16xf32> to vector<16xf32>
      %get3A_1237 = arith.index_cast %add3A_1170 : i32 to index
      %get3A_1238 = arith.constant 48 : index
      %get3A_1239 = tpu.vector_load %arg10[%get3A_1237, %get3A_1238] {strides = array<i32>} : memref<32x128xf32, #tpu.memory_space<vmem>>, vector<1x16xf32>,
      %get3A_1240 = vector.shape_cast %get3A_1239 : vector<1x16xf32> to vector<16xf32>
      %mul3A_1241 = arith.mulf %get3A_1236, %get3A_455 : vector<16xf32>
      %add3A_1242 = arith.addf %add3A_1222, %mul3A_1241 : vector<16xf32>
      %mul3A_1243 = arith.mulf %get3A_1236, %get3A_495 : vector<16xf32>
      %add3A_1244 = arith.addf %add3A_1224, %mul3A_1243 : vector<16xf32>
      %mul3A_1245 = arith.mulf %get3A_1236, %get3A_1236 : vector<16xf32>
      %add3A_1246 = arith.addf %add3A_1226, %mul3A_1245 : vector<16xf32>
      %mul3A_1247 = arith.mulf %get3A_1240, %get3A_455 : vector<16xf32>
      %add3A_1248 = arith.addf %add3A_1228, %mul3A_1247 : vector<16xf32>
      %mul3A_1249 = arith.mulf %get3A_1240, %get3A_495 : vector<16xf32>
      %add3A_1250 = arith.addf %add3A_1230, %mul3A_1249 : vector<16xf32>
      %mul3A_1251 = arith.mulf %get3A_1240, %get3A_1240 : vector<16xf32>
      %add3A_1252 = arith.addf %add3A_1232, %mul3A_1251 : vector<16xf32>
      %get3A_1253 = arith.index_cast %add3A_1170 : i32 to index
      %get3A_1254 = arith.constant 64 : index
      %get3A_1255 = tpu.vector_load %arg9[%get3A_1253, %get3A_1254] {strides = array<i32>} : memref<32x128xf32, #tpu.memory_space<vmem>>, vector<1x16xf32>,
      %get3A_1256 = vector.shape_cast %get3A_1255 : vector<1x16xf32> to vector<16xf32>
      %get3A_1257 = arith.index_cast %add3A_1170 : i32 to index
      %get3A_1258 = arith.constant 64 : index
      %get3A_1259 = tpu.vector_load %arg10[%get3A_1257, %get3A_1258] {strides = array<i32>} : memref<32x128xf32, #tpu.memory_space<vmem>>, vector<1x16xf32>,
      %get3A_1260 = vector.shape_cast %get3A_1259 : vector<1x16xf32> to vector<16xf32>
      %mul3A_1261 = arith.mulf %get3A_1256, %get3A_460 : vector<16xf32>
      %add3A_1262 = arith.addf %add3A_1242, %mul3A_1261 : vector<16xf32>
      %mul3A_1263 = arith.mulf %get3A_1256, %get3A_500 : vector<16xf32>
      %add3A_1264 = arith.addf %add3A_1244, %mul3A_1263 : vector<16xf32>
      %mul3A_1265 = arith.mulf %get3A_1256, %get3A_1256 : vector<16xf32>
      %add3A_1266 = arith.addf %add3A_1246, %mul3A_1265 : vector<16xf32>
      %mul3A_1267 = arith.mulf %get3A_1260, %get3A_460 : vector<16xf32>
      %add3A_1268 = arith.addf %add3A_1248, %mul3A_1267 : vector<16xf32>
      %mul3A_1269 = arith.mulf %get3A_1260, %get3A_500 : vector<16xf32>
      %add3A_1270 = arith.addf %add3A_1250, %mul3A_1269 : vector<16xf32>
      %mul3A_1271 = arith.mulf %get3A_1260, %get3A_1260 : vector<16xf32>
      %add3A_1272 = arith.addf %add3A_1252, %mul3A_1271 : vector<16xf32>
      %get3A_1273 = arith.index_cast %add3A_1170 : i32 to index
      %get3A_1274 = arith.constant 80 : index
      %get3A_1275 = tpu.vector_load %arg9[%get3A_1273, %get3A_1274] {strides = array<i32>} : memref<32x128xf32, #tpu.memory_space<vmem>>, vector<1x16xf32>,
      %get3A_1276 = vector.shape_cast %get3A_1275 : vector<1x16xf32> to vector<16xf32>
      %get3A_1277 = arith.index_cast %add3A_1170 : i32 to index
      %get3A_1278 = arith.constant 80 : index
      %get3A_1279 = tpu.vector_load %arg10[%get3A_1277, %get3A_1278] {strides = array<i32>} : memref<32x128xf32, #tpu.memory_space<vmem>>, vector<1x16xf32>,
      %get3A_1280 = vector.shape_cast %get3A_1279 : vector<1x16xf32> to vector<16xf32>
      %mul3A_1281 = arith.mulf %get3A_1276, %get3A_465 : vector<16xf32>
      %add3A_1282 = arith.addf %add3A_1262, %mul3A_1281 : vector<16xf32>
      %mul3A_1283 = arith.mulf %get3A_1276, %get3A_505 : vector<16xf32>
      %add3A_1284 = arith.addf %add3A_1264, %mul3A_1283 : vector<16xf32>
      %mul3A_1285 = arith.mulf %get3A_1276, %get3A_1276 : vector<16xf32>
      %add3A_1286 = arith.addf %add3A_1266, %mul3A_1285 : vector<16xf32>
      %mul3A_1287 = arith.mulf %get3A_1280, %get3A_465 : vector<16xf32>
      %add3A_1288 = arith.addf %add3A_1268, %mul3A_1287 : vector<16xf32>
      %mul3A_1289 = arith.mulf %get3A_1280, %get3A_505 : vector<16xf32>
      %add3A_1290 = arith.addf %add3A_1270, %mul3A_1289 : vector<16xf32>
      %mul3A_1291 = arith.mulf %get3A_1280, %get3A_1280 : vector<16xf32>
      %add3A_1292 = arith.addf %add3A_1272, %mul3A_1291 : vector<16xf32>
      %get3A_1293 = arith.index_cast %add3A_1170 : i32 to index
      %get3A_1294 = arith.constant 96 : index
      %get3A_1295 = tpu.vector_load %arg9[%get3A_1293, %get3A_1294] {strides = array<i32>} : memref<32x128xf32, #tpu.memory_space<vmem>>, vector<1x16xf32>,
      %get3A_1296 = vector.shape_cast %get3A_1295 : vector<1x16xf32> to vector<16xf32>
      %get3A_1297 = arith.index_cast %add3A_1170 : i32 to index
      %get3A_1298 = arith.constant 96 : index
      %get3A_1299 = tpu.vector_load %arg10[%get3A_1297, %get3A_1298] {strides = array<i32>} : memref<32x128xf32, #tpu.memory_space<vmem>>, vector<1x16xf32>,
      %get3A_1300 = vector.shape_cast %get3A_1299 : vector<1x16xf32> to vector<16xf32>
      %mul3A_1301 = arith.mulf %get3A_1296, %get3A_470 : vector<16xf32>
      %add3A_1302 = arith.addf %add3A_1282, %mul3A_1301 : vector<16xf32>
      %mul3A_1303 = arith.mulf %get3A_1296, %get3A_510 : vector<16xf32>
      %add3A_1304 = arith.addf %add3A_1284, %mul3A_1303 : vector<16xf32>
      %mul3A_1305 = arith.mulf %get3A_1296, %get3A_1296 : vector<16xf32>
      %add3A_1306 = arith.addf %add3A_1286, %mul3A_1305 : vector<16xf32>
      %mul3A_1307 = arith.mulf %get3A_1300, %get3A_470 : vector<16xf32>
      %add3A_1308 = arith.addf %add3A_1288, %mul3A_1307 : vector<16xf32>
      %mul3A_1309 = arith.mulf %get3A_1300, %get3A_510 : vector<16xf32>
      %add3A_1310 = arith.addf %add3A_1290, %mul3A_1309 : vector<16xf32>
      %mul3A_1311 = arith.mulf %get3A_1300, %get3A_1300 : vector<16xf32>
      %add3A_1312 = arith.addf %add3A_1292, %mul3A_1311 : vector<16xf32>
      %get3A_1313 = arith.index_cast %add3A_1170 : i32 to index
      %get3A_1314 = arith.constant 112 : index
      %get3A_1315 = tpu.vector_load %arg9[%get3A_1313, %get3A_1314] {strides = array<i32>} : memref<32x128xf32, #tpu.memory_space<vmem>>, vector<1x16xf32>,
      %get3A_1316 = vector.shape_cast %get3A_1315 : vector<1x16xf32> to vector<16xf32>
      %get3A_1317 = arith.index_cast %add3A_1170 : i32 to index
      %get3A_1318 = arith.constant 112 : index
      %get3A_1319 = tpu.vector_load %arg10[%get3A_1317, %get3A_1318] {strides = array<i32>} : memref<32x128xf32, #tpu.memory_space<vmem>>, vector<1x16xf32>,
      %get3A_1320 = vector.shape_cast %get3A_1319 : vector<1x16xf32> to vector<16xf32>
      %mul3A_1321 = arith.mulf %get3A_1316, %get3A_475 : vector<16xf32>
      %add3A_1322 = arith.addf %add3A_1302, %mul3A_1321 : vector<16xf32>
      %mul3A_1323 = arith.mulf %get3A_1316, %get3A_515 : vector<16xf32>
      %add3A_1324 = arith.addf %add3A_1304, %mul3A_1323 : vector<16xf32>
      %mul3A_1325 = arith.mulf %get3A_1316, %get3A_1316 : vector<16xf32>
      %add3A_1326 = arith.addf %add3A_1306, %mul3A_1325 : vector<16xf32>
      %mul3A_1327 = arith.mulf %get3A_1320, %get3A_475 : vector<16xf32>
      %add3A_1328 = arith.addf %add3A_1308, %mul3A_1327 : vector<16xf32>
      %mul3A_1329 = arith.mulf %get3A_1320, %get3A_515 : vector<16xf32>
      %add3A_1330 = arith.addf %add3A_1310, %mul3A_1329 : vector<16xf32>
      %mul3A_1331 = arith.mulf %get3A_1320, %get3A_1320 : vector<16xf32>
      %add3A_1332 = arith.addf %add3A_1312, %mul3A_1331 : vector<16xf32>
      %eq3A_1333 = vector.broadcast %scan3A_1162 : i32 to vector<16xi32>
      %eq3A_1334 = arith.cmpi eq, %iota3A, %eq3A_1333 : vector<16xi32>
      %iota3A_1335 = tpu.iota {dimensions = array<i32: 0>} : vector<16xi32>
      %xor3A_1336 = arith.constant 8 : i32
      %xor3A_1337 = vector.broadcast %xor3A_1336 : i32 to vector<16xi32>
      %xor3A_1338 = arith.xori %iota3A_1335, %xor3A_1337 : vector<16xi32>
      %lt3A_1339 = arith.constant 0 : i32
      %lt3A_1340 = vector.broadcast %lt3A_1339 : i32 to vector<16xi32>
      %lt3A_1341 = arith.cmpi slt, %xor3A_1338, %lt3A_1340 : vector<16xi32>
      %add3A_1342 = arith.constant 16 : i32
      %add3A_1343 = vector.broadcast %add3A_1342 : i32 to vector<16xi32>
      %add3A_1344 = arith.addi %xor3A_1338, %add3A_1343 : vector<16xi32>
      %select_n3A_1345 = arith.select %lt3A_1341, %add3A_1344, %xor3A_1338 : vector<16xi1>, vector<16xi32>
      %broadcast_in_dim3A_1346 = vector.shape_cast %select_n3A_1345 : vector<16xi32> to vector<16x1xi32>
      %gather3A_1347 = vector.shape_cast %broadcast_in_dim3A_1346 : vector<16x1xi32> to vector<16xi32>
      %gather3A_1348 = tpu.dynamic_gather %add3A_1322[%gather3A_1347] in [0] : vector<16xf32>, vector<16xi32> -> vector<16xf32>
      %add3A_1349 = arith.addf %add3A_1322, %gather3A_1348 : vector<16xf32>
      %xor3A_1350 = arith.constant 4 : i32
      %xor3A_1351 = vector.broadcast %xor3A_1350 : i32 to vector<16xi32>
      %xor3A_1352 = arith.xori %iota3A_1335, %xor3A_1351 : vector<16xi32>
      %lt3A_1353 = arith.constant 0 : i32
      %lt3A_1354 = vector.broadcast %lt3A_1353 : i32 to vector<16xi32>
      %lt3A_1355 = arith.cmpi slt, %xor3A_1352, %lt3A_1354 : vector<16xi32>
      %add3A_1356 = arith.constant 16 : i32
      %add3A_1357 = vector.broadcast %add3A_1356 : i32 to vector<16xi32>
      %add3A_1358 = arith.addi %xor3A_1352, %add3A_1357 : vector<16xi32>
      %select_n3A_1359 = arith.select %lt3A_1355, %add3A_1358, %xor3A_1352 : vector<16xi1>, vector<16xi32>
      %broadcast_in_dim3A_1360 = vector.shape_cast %select_n3A_1359 : vector<16xi32> to vector<16x1xi32>
      %gather3A_1361 = vector.shape_cast %broadcast_in_dim3A_1360 : vector<16x1xi32> to vector<16xi32>
      %gather3A_1362 = tpu.dynamic_gather %add3A_1349[%gather3A_1361] in [0] : vector<16xf32>, vector<16xi32> -> vector<16xf32>
      %add3A_1363 = arith.addf %add3A_1349, %gather3A_1362 : vector<16xf32>
      %xor3A_1364 = arith.constant 2 : i32
      %xor3A_1365 = vector.broadcast %xor3A_1364 : i32 to vector<16xi32>
      %xor3A_1366 = arith.xori %iota3A_1335, %xor3A_1365 : vector<16xi32>
      %lt3A_1367 = arith.constant 0 : i32
      %lt3A_1368 = vector.broadcast %lt3A_1367 : i32 to vector<16xi32>
      %lt3A_1369 = arith.cmpi slt, %xor3A_1366, %lt3A_1368 : vector<16xi32>
      %add3A_1370 = arith.constant 16 : i32
      %add3A_1371 = vector.broadcast %add3A_1370 : i32 to vector<16xi32>
      %add3A_1372 = arith.addi %xor3A_1366, %add3A_1371 : vector<16xi32>
      %select_n3A_1373 = arith.select %lt3A_1369, %add3A_1372, %xor3A_1366 : vector<16xi1>, vector<16xi32>
      %broadcast_in_dim3A_1374 = vector.shape_cast %select_n3A_1373 : vector<16xi32> to vector<16x1xi32>
      %gather3A_1375 = vector.shape_cast %broadcast_in_dim3A_1374 : vector<16x1xi32> to vector<16xi32>
      %gather3A_1376 = tpu.dynamic_gather %add3A_1363[%gather3A_1375] in [0] : vector<16xf32>, vector<16xi32> -> vector<16xf32>
      %add3A_1377 = arith.addf %add3A_1363, %gather3A_1376 : vector<16xf32>
      %xor3A_1378 = arith.constant 1 : i32
      %xor3A_1379 = vector.broadcast %xor3A_1378 : i32 to vector<16xi32>
      %xor3A_1380 = arith.xori %iota3A_1335, %xor3A_1379 : vector<16xi32>
      %lt3A_1381 = arith.constant 0 : i32
      %lt3A_1382 = vector.broadcast %lt3A_1381 : i32 to vector<16xi32>
      %lt3A_1383 = arith.cmpi slt, %xor3A_1380, %lt3A_1382 : vector<16xi32>
      %add3A_1384 = arith.constant 16 : i32
      %add3A_1385 = vector.broadcast %add3A_1384 : i32 to vector<16xi32>
      %add3A_1386 = arith.addi %xor3A_1380, %add3A_1385 : vector<16xi32>
      %select_n3A_1387 = arith.select %lt3A_1383, %add3A_1386, %xor3A_1380 : vector<16xi1>, vector<16xi32>
      %broadcast_in_dim3A_1388 = vector.shape_cast %select_n3A_1387 : vector<16xi32> to vector<16x1xi32>
      %gather3A_1389 = vector.shape_cast %broadcast_in_dim3A_1388 : vector<16x1xi32> to vector<16xi32>
      %gather3A_1390 = tpu.dynamic_gather %add3A_1377[%gather3A_1389] in [0] : vector<16xf32>, vector<16xi32> -> vector<16xf32>
      %add3A_1391 = arith.addf %add3A_1377, %gather3A_1390 : vector<16xf32>
      %select_n3A_1392 = arith.select %eq3A_1334, %add3A_1391, %scan3A_1163 : vector<16xi1>, vector<16xf32>
      %iota3A_1393 = tpu.iota {dimensions = array<i32: 0>} : vector<16xi32>
      %xor3A_1394 = arith.constant 8 : i32
      %xor3A_1395 = vector.broadcast %xor3A_1394 : i32 to vector<16xi32>
      %xor3A_1396 = arith.xori %iota3A_1393, %xor3A_1395 : vector<16xi32>
      %lt3A_1397 = arith.constant 0 : i32
      %lt3A_1398 = vector.broadcast %lt3A_1397 : i32 to vector<16xi32>
      %lt3A_1399 = arith.cmpi slt, %xor3A_1396, %lt3A_1398 : vector<16xi32>
      %add3A_1400 = arith.constant 16 : i32
      %add3A_1401 = vector.broadcast %add3A_1400 : i32 to vector<16xi32>
      %add3A_1402 = arith.addi %xor3A_1396, %add3A_1401 : vector<16xi32>
      %select_n3A_1403 = arith.select %lt3A_1399, %add3A_1402, %xor3A_1396 : vector<16xi1>, vector<16xi32>
      %broadcast_in_dim3A_1404 = vector.shape_cast %select_n3A_1403 : vector<16xi32> to vector<16x1xi32>
      %gather3A_1405 = vector.shape_cast %broadcast_in_dim3A_1404 : vector<16x1xi32> to vector<16xi32>
      %gather3A_1406 = tpu.dynamic_gather %add3A_1324[%gather3A_1405] in [0] : vector<16xf32>, vector<16xi32> -> vector<16xf32>
      %add3A_1407 = arith.addf %add3A_1324, %gather3A_1406 : vector<16xf32>
      %xor3A_1408 = arith.constant 4 : i32
      %xor3A_1409 = vector.broadcast %xor3A_1408 : i32 to vector<16xi32>
      %xor3A_1410 = arith.xori %iota3A_1393, %xor3A_1409 : vector<16xi32>
      %lt3A_1411 = arith.constant 0 : i32
      %lt3A_1412 = vector.broadcast %lt3A_1411 : i32 to vector<16xi32>
      %lt3A_1413 = arith.cmpi slt, %xor3A_1410, %lt3A_1412 : vector<16xi32>
      %add3A_1414 = arith.constant 16 : i32
      %add3A_1415 = vector.broadcast %add3A_1414 : i32 to vector<16xi32>
      %add3A_1416 = arith.addi %xor3A_1410, %add3A_1415 : vector<16xi32>
      %select_n3A_1417 = arith.select %lt3A_1413, %add3A_1416, %xor3A_1410 : vector<16xi1>, vector<16xi32>
      %broadcast_in_dim3A_1418 = vector.shape_cast %select_n3A_1417 : vector<16xi32> to vector<16x1xi32>
      %gather3A_1419 = vector.shape_cast %broadcast_in_dim3A_1418 : vector<16x1xi32> to vector<16xi32>
      %gather3A_1420 = tpu.dynamic_gather %add3A_1407[%gather3A_1419] in [0] : vector<16xf32>, vector<16xi32> -> vector<16xf32>
      %add3A_1421 = arith.addf %add3A_1407, %gather3A_1420 : vector<16xf32>
      %xor3A_1422 = arith.constant 2 : i32
      %xor3A_1423 = vector.broadcast %xor3A_1422 : i32 to vector<16xi32>
      %xor3A_1424 = arith.xori %iota3A_1393, %xor3A_1423 : vector<16xi32>
      %lt3A_1425 = arith.constant 0 : i32
      %lt3A_1426 = vector.broadcast %lt3A_1425 : i32 to vector<16xi32>
      %lt3A_1427 = arith.cmpi slt, %xor3A_1424, %lt3A_1426 : vector<16xi32>
      %add3A_1428 = arith.constant 16 : i32
      %add3A_1429 = vector.broadcast %add3A_1428 : i32 to vector<16xi32>
      %add3A_1430 = arith.addi %xor3A_1424, %add3A_1429 : vector<16xi32>
      %select_n3A_1431 = arith.select %lt3A_1427, %add3A_1430, %xor3A_1424 : vector<16xi1>, vector<16xi32>
      %broadcast_in_dim3A_1432 = vector.shape_cast %select_n3A_1431 : vector<16xi32> to vector<16x1xi32>
      %gather3A_1433 = vector.shape_cast %broadcast_in_dim3A_1432 : vector<16x1xi32> to vector<16xi32>
      %gather3A_1434 = tpu.dynamic_gather %add3A_1421[%gather3A_1433] in [0] : vector<16xf32>, vector<16xi32> -> vector<16xf32>
      %add3A_1435 = arith.addf %add3A_1421, %gather3A_1434 : vector<16xf32>
      %xor3A_1436 = arith.constant 1 : i32
      %xor3A_1437 = vector.broadcast %xor3A_1436 : i32 to vector<16xi32>
      %xor3A_1438 = arith.xori %iota3A_1393, %xor3A_1437 : vector<16xi32>
      %lt3A_1439 = arith.constant 0 : i32
      %lt3A_1440 = vector.broadcast %lt3A_1439 : i32 to vector<16xi32>
      %lt3A_1441 = arith.cmpi slt, %xor3A_1438, %lt3A_1440 : vector<16xi32>
      %add3A_1442 = arith.constant 16 : i32
      %add3A_1443 = vector.broadcast %add3A_1442 : i32 to vector<16xi32>
      %add3A_1444 = arith.addi %xor3A_1438, %add3A_1443 : vector<16xi32>
      %select_n3A_1445 = arith.select %lt3A_1441, %add3A_1444, %xor3A_1438 : vector<16xi1>, vector<16xi32>
      %broadcast_in_dim3A_1446 = vector.shape_cast %select_n3A_1445 : vector<16xi32> to vector<16x1xi32>
      %gather3A_1447 = vector.shape_cast %broadcast_in_dim3A_1446 : vector<16x1xi32> to vector<16xi32>
      %gather3A_1448 = tpu.dynamic_gather %add3A_1435[%gather3A_1447] in [0] : vector<16xf32>, vector<16xi32> -> vector<16xf32>
      %add3A_1449 = arith.addf %add3A_1435, %gather3A_1448 : vector<16xf32>
      %select_n3A_1450 = arith.select %eq3A_1334, %add3A_1449, %scan3A_1164 : vector<16xi1>, vector<16xf32>
      %iota3A_1451 = tpu.iota {dimensions = array<i32: 0>} : vector<16xi32>
      %xor3A_1452 = arith.constant 8 : i32
      %xor3A_1453 = vector.broadcast %xor3A_1452 : i32 to vector<16xi32>
      %xor3A_1454 = arith.xori %iota3A_1451, %xor3A_1453 : vector<16xi32>
      %lt3A_1455 = arith.constant 0 : i32
      %lt3A_1456 = vector.broadcast %lt3A_1455 : i32 to vector<16xi32>
      %lt3A_1457 = arith.cmpi slt, %xor3A_1454, %lt3A_1456 : vector<16xi32>
      %add3A_1458 = arith.constant 16 : i32
      %add3A_1459 = vector.broadcast %add3A_1458 : i32 to vector<16xi32>
      %add3A_1460 = arith.addi %xor3A_1454, %add3A_1459 : vector<16xi32>
      %select_n3A_1461 = arith.select %lt3A_1457, %add3A_1460, %xor3A_1454 : vector<16xi1>, vector<16xi32>
      %broadcast_in_dim3A_1462 = vector.shape_cast %select_n3A_1461 : vector<16xi32> to vector<16x1xi32>
      %gather3A_1463 = vector.shape_cast %broadcast_in_dim3A_1462 : vector<16x1xi32> to vector<16xi32>
      %gather3A_1464 = tpu.dynamic_gather %add3A_1326[%gather3A_1463] in [0] : vector<16xf32>, vector<16xi32> -> vector<16xf32>
      %add3A_1465 = arith.addf %add3A_1326, %gather3A_1464 : vector<16xf32>
      %xor3A_1466 = arith.constant 4 : i32
      %xor3A_1467 = vector.broadcast %xor3A_1466 : i32 to vector<16xi32>
      %xor3A_1468 = arith.xori %iota3A_1451, %xor3A_1467 : vector<16xi32>
      %lt3A_1469 = arith.constant 0 : i32
      %lt3A_1470 = vector.broadcast %lt3A_1469 : i32 to vector<16xi32>
      %lt3A_1471 = arith.cmpi slt, %xor3A_1468, %lt3A_1470 : vector<16xi32>
      %add3A_1472 = arith.constant 16 : i32
      %add3A_1473 = vector.broadcast %add3A_1472 : i32 to vector<16xi32>
      %add3A_1474 = arith.addi %xor3A_1468, %add3A_1473 : vector<16xi32>
      %select_n3A_1475 = arith.select %lt3A_1471, %add3A_1474, %xor3A_1468 : vector<16xi1>, vector<16xi32>
      %broadcast_in_dim3A_1476 = vector.shape_cast %select_n3A_1475 : vector<16xi32> to vector<16x1xi32>
      %gather3A_1477 = vector.shape_cast %broadcast_in_dim3A_1476 : vector<16x1xi32> to vector<16xi32>
      %gather3A_1478 = tpu.dynamic_gather %add3A_1465[%gather3A_1477] in [0] : vector<16xf32>, vector<16xi32> -> vector<16xf32>
      %add3A_1479 = arith.addf %add3A_1465, %gather3A_1478 : vector<16xf32>
      %xor3A_1480 = arith.constant 2 : i32
      %xor3A_1481 = vector.broadcast %xor3A_1480 : i32 to vector<16xi32>
      %xor3A_1482 = arith.xori %iota3A_1451, %xor3A_1481 : vector<16xi32>
      %lt3A_1483 = arith.constant 0 : i32
      %lt3A_1484 = vector.broadcast %lt3A_1483 : i32 to vector<16xi32>
      %lt3A_1485 = arith.cmpi slt, %xor3A_1482, %lt3A_1484 : vector<16xi32>
      %add3A_1486 = arith.constant 16 : i32
      %add3A_1487 = vector.broadcast %add3A_1486 : i32 to vector<16xi32>
      %add3A_1488 = arith.addi %xor3A_1482, %add3A_1487 : vector<16xi32>
      %select_n3A_1489 = arith.select %lt3A_1485, %add3A_1488, %xor3A_1482 : vector<16xi1>, vector<16xi32>
      %broadcast_in_dim3A_1490 = vector.shape_cast %select_n3A_1489 : vector<16xi32> to vector<16x1xi32>
      %gather3A_1491 = vector.shape_cast %broadcast_in_dim3A_1490 : vector<16x1xi32> to vector<16xi32>
      %gather3A_1492 = tpu.dynamic_gather %add3A_1479[%gather3A_1491] in [0] : vector<16xf32>, vector<16xi32> -> vector<16xf32>
      %add3A_1493 = arith.addf %add3A_1479, %gather3A_1492 : vector<16xf32>
      %xor3A_1494 = arith.constant 1 : i32
      %xor3A_1495 = vector.broadcast %xor3A_1494 : i32 to vector<16xi32>
      %xor3A_1496 = arith.xori %iota3A_1451, %xor3A_1495 : vector<16xi32>
      %lt3A_1497 = arith.constant 0 : i32
      %lt3A_1498 = vector.broadcast %lt3A_1497 : i32 to vector<16xi32>
      %lt3A_1499 = arith.cmpi slt, %xor3A_1496, %lt3A_1498 : vector<16xi32>
      %add3A_1500 = arith.constant 16 : i32
      %add3A_1501 = vector.broadcast %add3A_1500 : i32 to vector<16xi32>
      %add3A_1502 = arith.addi %xor3A_1496, %add3A_1501 : vector<16xi32>
      %select_n3A_1503 = arith.select %lt3A_1499, %add3A_1502, %xor3A_1496 : vector<16xi1>, vector<16xi32>
      %broadcast_in_dim3A_1504 = vector.shape_cast %select_n3A_1503 : vector<16xi32> to vector<16x1xi32>
      %gather3A_1505 = vector.shape_cast %broadcast_in_dim3A_1504 : vector<16x1xi32> to vector<16xi32>
      %gather3A_1506 = tpu.dynamic_gather %add3A_1493[%gather3A_1505] in [0] : vector<16xf32>, vector<16xi32> -> vector<16xf32>
      %add3A_1507 = arith.addf %add3A_1493, %gather3A_1506 : vector<16xf32>
      %select_n3A_1508 = arith.select %eq3A_1334, %add3A_1507, %scan3A_1165 : vector<16xi1>, vector<16xf32>
      %iota3A_1509 = tpu.iota {dimensions = array<i32: 0>} : vector<16xi32>
      %xor3A_1510 = arith.constant 8 : i32
      %xor3A_1511 = vector.broadcast %xor3A_1510 : i32 to vector<16xi32>
      %xor3A_1512 = arith.xori %iota3A_1509, %xor3A_1511 : vector<16xi32>
      %lt3A_1513 = arith.constant 0 : i32
      %lt3A_1514 = vector.broadcast %lt3A_1513 : i32 to vector<16xi32>
      %lt3A_1515 = arith.cmpi slt, %xor3A_1512, %lt3A_1514 : vector<16xi32>
      %add3A_1516 = arith.constant 16 : i32
      %add3A_1517 = vector.broadcast %add3A_1516 : i32 to vector<16xi32>
      %add3A_1518 = arith.addi %xor3A_1512, %add3A_1517 : vector<16xi32>
      %select_n3A_1519 = arith.select %lt3A_1515, %add3A_1518, %xor3A_1512 : vector<16xi1>, vector<16xi32>
      %broadcast_in_dim3A_1520 = vector.shape_cast %select_n3A_1519 : vector<16xi32> to vector<16x1xi32>
      %gather3A_1521 = vector.shape_cast %broadcast_in_dim3A_1520 : vector<16x1xi32> to vector<16xi32>
      %gather3A_1522 = tpu.dynamic_gather %add3A_1328[%gather3A_1521] in [0] : vector<16xf32>, vector<16xi32> -> vector<16xf32>
      %add3A_1523 = arith.addf %add3A_1328, %gather3A_1522 : vector<16xf32>
      %xor3A_1524 = arith.constant 4 : i32
      %xor3A_1525 = vector.broadcast %xor3A_1524 : i32 to vector<16xi32>
      %xor3A_1526 = arith.xori %iota3A_1509, %xor3A_1525 : vector<16xi32>
      %lt3A_1527 = arith.constant 0 : i32
      %lt3A_1528 = vector.broadcast %lt3A_1527 : i32 to vector<16xi32>
      %lt3A_1529 = arith.cmpi slt, %xor3A_1526, %lt3A_1528 : vector<16xi32>
      %add3A_1530 = arith.constant 16 : i32
      %add3A_1531 = vector.broadcast %add3A_1530 : i32 to vector<16xi32>
      %add3A_1532 = arith.addi %xor3A_1526, %add3A_1531 : vector<16xi32>
      %select_n3A_1533 = arith.select %lt3A_1529, %add3A_1532, %xor3A_1526 : vector<16xi1>, vector<16xi32>
      %broadcast_in_dim3A_1534 = vector.shape_cast %select_n3A_1533 : vector<16xi32> to vector<16x1xi32>
      %gather3A_1535 = vector.shape_cast %broadcast_in_dim3A_1534 : vector<16x1xi32> to vector<16xi32>
      %gather3A_1536 = tpu.dynamic_gather %add3A_1523[%gather3A_1535] in [0] : vector<16xf32>, vector<16xi32> -> vector<16xf32>
      %add3A_1537 = arith.addf %add3A_1523, %gather3A_1536 : vector<16xf32>
      %xor3A_1538 = arith.constant 2 : i32
      %xor3A_1539 = vector.broadcast %xor3A_1538 : i32 to vector<16xi32>
      %xor3A_1540 = arith.xori %iota3A_1509, %xor3A_1539 : vector<16xi32>
      %lt3A_1541 = arith.constant 0 : i32
      %lt3A_1542 = vector.broadcast %lt3A_1541 : i32 to vector<16xi32>
      %lt3A_1543 = arith.cmpi slt, %xor3A_1540, %lt3A_1542 : vector<16xi32>
      %add3A_1544 = arith.constant 16 : i32
      %add3A_1545 = vector.broadcast %add3A_1544 : i32 to vector<16xi32>
      %add3A_1546 = arith.addi %xor3A_1540, %add3A_1545 : vector<16xi32>
      %select_n3A_1547 = arith.select %lt3A_1543, %add3A_1546, %xor3A_1540 : vector<16xi1>, vector<16xi32>
      %broadcast_in_dim3A_1548 = vector.shape_cast %select_n3A_1547 : vector<16xi32> to vector<16x1xi32>
      %gather3A_1549 = vector.shape_cast %broadcast_in_dim3A_1548 : vector<16x1xi32> to vector<16xi32>
      %gather3A_1550 = tpu.dynamic_gather %add3A_1537[%gather3A_1549] in [0] : vector<16xf32>, vector<16xi32> -> vector<16xf32>
      %add3A_1551 = arith.addf %add3A_1537, %gather3A_1550 : vector<16xf32>
      %xor3A_1552 = arith.constant 1 : i32
      %xor3A_1553 = vector.broadcast %xor3A_1552 : i32 to vector<16xi32>
      %xor3A_1554 = arith.xori %iota3A_1509, %xor3A_1553 : vector<16xi32>
      %lt3A_1555 = arith.constant 0 : i32
      %lt3A_1556 = vector.broadcast %lt3A_1555 : i32 to vector<16xi32>
      %lt3A_1557 = arith.cmpi slt, %xor3A_1554, %lt3A_1556 : vector<16xi32>
      %add3A_1558 = arith.constant 16 : i32
      %add3A_1559 = vector.broadcast %add3A_1558 : i32 to vector<16xi32>
      %add3A_1560 = arith.addi %xor3A_1554, %add3A_1559 : vector<16xi32>
      %select_n3A_1561 = arith.select %lt3A_1557, %add3A_1560, %xor3A_1554 : vector<16xi1>, vector<16xi32>
      %broadcast_in_dim3A_1562 = vector.shape_cast %select_n3A_1561 : vector<16xi32> to vector<16x1xi32>
      %gather3A_1563 = vector.shape_cast %broadcast_in_dim3A_1562 : vector<16x1xi32> to vector<16xi32>
      %gather3A_1564 = tpu.dynamic_gather %add3A_1551[%gather3A_1563] in [0] : vector<16xf32>, vector<16xi32> -> vector<16xf32>
      %add3A_1565 = arith.addf %add3A_1551, %gather3A_1564 : vector<16xf32>
      %select_n3A_1566 = arith.select %eq3A_1334, %add3A_1565, %scan3A_1166 : vector<16xi1>, vector<16xf32>
      %iota3A_1567 = tpu.iota {dimensions = array<i32: 0>} : vector<16xi32>
      %xor3A_1568 = arith.constant 8 : i32
      %xor3A_1569 = vector.broadcast %xor3A_1568 : i32 to vector<16xi32>
      %xor3A_1570 = arith.xori %iota3A_1567, %xor3A_1569 : vector<16xi32>
      %lt3A_1571 = arith.constant 0 : i32
      %lt3A_1572 = vector.broadcast %lt3A_1571 : i32 to vector<16xi32>
      %lt3A_1573 = arith.cmpi slt, %xor3A_1570, %lt3A_1572 : vector<16xi32>
      %add3A_1574 = arith.constant 16 : i32
      %add3A_1575 = vector.broadcast %add3A_1574 : i32 to vector<16xi32>
      %add3A_1576 = arith.addi %xor3A_1570, %add3A_1575 : vector<16xi32>
      %select_n3A_1577 = arith.select %lt3A_1573, %add3A_1576, %xor3A_1570 : vector<16xi1>, vector<16xi32>
      %broadcast_in_dim3A_1578 = vector.shape_cast %select_n3A_1577 : vector<16xi32> to vector<16x1xi32>
      %gather3A_1579 = vector.shape_cast %broadcast_in_dim3A_1578 : vector<16x1xi32> to vector<16xi32>
      %gather3A_1580 = tpu.dynamic_gather %add3A_1330[%gather3A_1579] in [0] : vector<16xf32>, vector<16xi32> -> vector<16xf32>
      %add3A_1581 = arith.addf %add3A_1330, %gather3A_1580 : vector<16xf32>
      %xor3A_1582 = arith.constant 4 : i32
      %xor3A_1583 = vector.broadcast %xor3A_1582 : i32 to vector<16xi32>
      %xor3A_1584 = arith.xori %iota3A_1567, %xor3A_1583 : vector<16xi32>
      %lt3A_1585 = arith.constant 0 : i32
      %lt3A_1586 = vector.broadcast %lt3A_1585 : i32 to vector<16xi32>
      %lt3A_1587 = arith.cmpi slt, %xor3A_1584, %lt3A_1586 : vector<16xi32>
      %add3A_1588 = arith.constant 16 : i32
      %add3A_1589 = vector.broadcast %add3A_1588 : i32 to vector<16xi32>
      %add3A_1590 = arith.addi %xor3A_1584, %add3A_1589 : vector<16xi32>
      %select_n3A_1591 = arith.select %lt3A_1587, %add3A_1590, %xor3A_1584 : vector<16xi1>, vector<16xi32>
      %broadcast_in_dim3A_1592 = vector.shape_cast %select_n3A_1591 : vector<16xi32> to vector<16x1xi32>
      %gather3A_1593 = vector.shape_cast %broadcast_in_dim3A_1592 : vector<16x1xi32> to vector<16xi32>
      %gather3A_1594 = tpu.dynamic_gather %add3A_1581[%gather3A_1593] in [0] : vector<16xf32>, vector<16xi32> -> vector<16xf32>
      %add3A_1595 = arith.addf %add3A_1581, %gather3A_1594 : vector<16xf32>
      %xor3A_1596 = arith.constant 2 : i32
      %xor3A_1597 = vector.broadcast %xor3A_1596 : i32 to vector<16xi32>
      %xor3A_1598 = arith.xori %iota3A_1567, %xor3A_1597 : vector<16xi32>
      %lt3A_1599 = arith.constant 0 : i32
      %lt3A_1600 = vector.broadcast %lt3A_1599 : i32 to vector<16xi32>
      %lt3A_1601 = arith.cmpi slt, %xor3A_1598, %lt3A_1600 : vector<16xi32>
      %add3A_1602 = arith.constant 16 : i32
      %add3A_1603 = vector.broadcast %add3A_1602 : i32 to vector<16xi32>
      %add3A_1604 = arith.addi %xor3A_1598, %add3A_1603 : vector<16xi32>
      %select_n3A_1605 = arith.select %lt3A_1601, %add3A_1604, %xor3A_1598 : vector<16xi1>, vector<16xi32>
      %broadcast_in_dim3A_1606 = vector.shape_cast %select_n3A_1605 : vector<16xi32> to vector<16x1xi32>
      %gather3A_1607 = vector.shape_cast %broadcast_in_dim3A_1606 : vector<16x1xi32> to vector<16xi32>
      %gather3A_1608 = tpu.dynamic_gather %add3A_1595[%gather3A_1607] in [0] : vector<16xf32>, vector<16xi32> -> vector<16xf32>
      %add3A_1609 = arith.addf %add3A_1595, %gather3A_1608 : vector<16xf32>
      %xor3A_1610 = arith.constant 1 : i32
      %xor3A_1611 = vector.broadcast %xor3A_1610 : i32 to vector<16xi32>
      %xor3A_1612 = arith.xori %iota3A_1567, %xor3A_1611 : vector<16xi32>
      %lt3A_1613 = arith.constant 0 : i32
      %lt3A_1614 = vector.broadcast %lt3A_1613 : i32 to vector<16xi32>
      %lt3A_1615 = arith.cmpi slt, %xor3A_1612, %lt3A_1614 : vector<16xi32>
      %add3A_1616 = arith.constant 16 : i32
      %add3A_1617 = vector.broadcast %add3A_1616 : i32 to vector<16xi32>
      %add3A_1618 = arith.addi %xor3A_1612, %add3A_1617 : vector<16xi32>
      %select_n3A_1619 = arith.select %lt3A_1615, %add3A_1618, %xor3A_1612 : vector<16xi1>, vector<16xi32>
      %broadcast_in_dim3A_1620 = vector.shape_cast %select_n3A_1619 : vector<16xi32> to vector<16x1xi32>
      %gather3A_1621 = vector.shape_cast %broadcast_in_dim3A_1620 : vector<16x1xi32> to vector<16xi32>
      %gather3A_1622 = tpu.dynamic_gather %add3A_1609[%gather3A_1621] in [0] : vector<16xf32>, vector<16xi32> -> vector<16xf32>
      %add3A_1623 = arith.addf %add3A_1609, %gather3A_1622 : vector<16xf32>
      %select_n3A_1624 = arith.select %eq3A_1334, %add3A_1623, %scan3A_1167 : vector<16xi1>, vector<16xf32>
      %iota3A_1625 = tpu.iota {dimensions = array<i32: 0>} : vector<16xi32>
      %xor3A_1626 = arith.constant 8 : i32
      %xor3A_1627 = vector.broadcast %xor3A_1626 : i32 to vector<16xi32>
      %xor3A_1628 = arith.xori %iota3A_1625, %xor3A_1627 : vector<16xi32>
      %lt3A_1629 = arith.constant 0 : i32
      %lt3A_1630 = vector.broadcast %lt3A_1629 : i32 to vector<16xi32>
      %lt3A_1631 = arith.cmpi slt, %xor3A_1628, %lt3A_1630 : vector<16xi32>
      %add3A_1632 = arith.constant 16 : i32
      %add3A_1633 = vector.broadcast %add3A_1632 : i32 to vector<16xi32>
      %add3A_1634 = arith.addi %xor3A_1628, %add3A_1633 : vector<16xi32>
      %select_n3A_1635 = arith.select %lt3A_1631, %add3A_1634, %xor3A_1628 : vector<16xi1>, vector<16xi32>
      %broadcast_in_dim3A_1636 = vector.shape_cast %select_n3A_1635 : vector<16xi32> to vector<16x1xi32>
      %gather3A_1637 = vector.shape_cast %broadcast_in_dim3A_1636 : vector<16x1xi32> to vector<16xi32>
      %gather3A_1638 = tpu.dynamic_gather %add3A_1332[%gather3A_1637] in [0] : vector<16xf32>, vector<16xi32> -> vector<16xf32>
      %add3A_1639 = arith.addf %add3A_1332, %gather3A_1638 : vector<16xf32>
      %xor3A_1640 = arith.constant 4 : i32
      %xor3A_1641 = vector.broadcast %xor3A_1640 : i32 to vector<16xi32>
      %xor3A_1642 = arith.xori %iota3A_1625, %xor3A_1641 : vector<16xi32>
      %lt3A_1643 = arith.constant 0 : i32
      %lt3A_1644 = vector.broadcast %lt3A_1643 : i32 to vector<16xi32>
      %lt3A_1645 = arith.cmpi slt, %xor3A_1642, %lt3A_1644 : vector<16xi32>
      %add3A_1646 = arith.constant 16 : i32
      %add3A_1647 = vector.broadcast %add3A_1646 : i32 to vector<16xi32>
      %add3A_1648 = arith.addi %xor3A_1642, %add3A_1647 : vector<16xi32>
      %select_n3A_1649 = arith.select %lt3A_1645, %add3A_1648, %xor3A_1642 : vector<16xi1>, vector<16xi32>
      %broadcast_in_dim3A_1650 = vector.shape_cast %select_n3A_1649 : vector<16xi32> to vector<16x1xi32>
      %gather3A_1651 = vector.shape_cast %broadcast_in_dim3A_1650 : vector<16x1xi32> to vector<16xi32>
      %gather3A_1652 = tpu.dynamic_gather %add3A_1639[%gather3A_1651] in [0] : vector<16xf32>, vector<16xi32> -> vector<16xf32>
      %add3A_1653 = arith.addf %add3A_1639, %gather3A_1652 : vector<16xf32>
      %xor3A_1654 = arith.constant 2 : i32
      %xor3A_1655 = vector.broadcast %xor3A_1654 : i32 to vector<16xi32>
      %xor3A_1656 = arith.xori %iota3A_1625, %xor3A_1655 : vector<16xi32>
      %lt3A_1657 = arith.constant 0 : i32
      %lt3A_1658 = vector.broadcast %lt3A_1657 : i32 to vector<16xi32>
      %lt3A_1659 = arith.cmpi slt, %xor3A_1656, %lt3A_1658 : vector<16xi32>
      %add3A_1660 = arith.constant 16 : i32
      %add3A_1661 = vector.broadcast %add3A_1660 : i32 to vector<16xi32>
      %add3A_1662 = arith.addi %xor3A_1656, %add3A_1661 : vector<16xi32>
      %select_n3A_1663 = arith.select %lt3A_1659, %add3A_1662, %xor3A_1656 : vector<16xi1>, vector<16xi32>
      %broadcast_in_dim3A_1664 = vector.shape_cast %select_n3A_1663 : vector<16xi32> to vector<16x1xi32>
      %gather3A_1665 = vector.shape_cast %broadcast_in_dim3A_1664 : vector<16x1xi32> to vector<16xi32>
      %gather3A_1666 = tpu.dynamic_gather %add3A_1653[%gather3A_1665] in [0] : vector<16xf32>, vector<16xi32> -> vector<16xf32>
      %add3A_1667 = arith.addf %add3A_1653, %gather3A_1666 : vector<16xf32>
      %xor3A_1668 = arith.constant 1 : i32
      %xor3A_1669 = vector.broadcast %xor3A_1668 : i32 to vector<16xi32>
      %xor3A_1670 = arith.xori %iota3A_1625, %xor3A_1669 : vector<16xi32>
      %lt3A_1671 = arith.constant 0 : i32
      %lt3A_1672 = vector.broadcast %lt3A_1671 : i32 to vector<16xi32>
      %lt3A_1673 = arith.cmpi slt, %xor3A_1670, %lt3A_1672 : vector<16xi32>
      %add3A_1674 = arith.constant 16 : i32
      %add3A_1675 = vector.broadcast %add3A_1674 : i32 to vector<16xi32>
      %add3A_1676 = arith.addi %xor3A_1670, %add3A_1675 : vector<16xi32>
      %select_n3A_1677 = arith.select %lt3A_1673, %add3A_1676, %xor3A_1670 : vector<16xi1>, vector<16xi32>
      %broadcast_in_dim3A_1678 = vector.shape_cast %select_n3A_1677 : vector<16xi32> to vector<16x1xi32>
      %gather3A_1679 = vector.shape_cast %broadcast_in_dim3A_1678 : vector<16x1xi32> to vector<16xi32>
      %gather3A_1680 = tpu.dynamic_gather %add3A_1667[%gather3A_1679] in [0] : vector<16xf32>, vector<16xi32> -> vector<16xf32>
      %add3A_1681 = arith.addf %add3A_1667, %gather3A_1680 : vector<16xf32>
      %select_n3A_1682 = arith.select %eq3A_1334, %add3A_1681, %scan3A_1168 : vector<16xi1>, vector<16xf32>
      scf.yield %select_n3A_1392, %select_n3A_1450, %select_n3A_1508, %select_n3A_1566, %select_n3A_1624, %select_n3A_1682 : vector<16xf32>, vector<16xf32>, vector<16xf32>, vector<16xf32>, vector<16xf32>, vector<16xf32>
    }
    %scan3A_682 = arith.constant 16 : i32
    %max3A_683 = arith.constant 1.000000e-30 : f32
    %max3A_684 = vector.broadcast %max3A_683 : f32 to vector<16xf32>
    %max3A_685 = arith.maximumf %scan3A_681#2, %max3A_684 : vector<16xf32>
    %bitcast_convert_type3A_686 = tpu.bitcast %max3A_685 : vector<16xf32> -> vector<16xi32>
    %shift_right_arithmetic3A_687 = arith.constant 1 : i32
    %shift_right_arithmetic3A_688 = vector.broadcast %shift_right_arithmetic3A_687 : i32 to vector<16xi32>
    %shift_right_arithmetic3A_689 = arith.shrsi %bitcast_convert_type3A_686, %shift_right_arithmetic3A_688 : vector<16xi32>
    %sub3A_690 = arith.constant 1597463007 : i32
    %sub3A_691 = vector.broadcast %sub3A_690 : i32 to vector<16xi32>
    %sub3A_692 = arith.subi %sub3A_691, %shift_right_arithmetic3A_689 : vector<16xi32>
    %bitcast_convert_type3A_693 = tpu.bitcast %sub3A_692 : vector<16xi32> -> vector<16xf32>
    %mul3A_694 = arith.constant 5.000000e-01 : f32
    %mul3A_695 = vector.broadcast %mul3A_694 : f32 to vector<16xf32>
    %mul3A_696 = arith.mulf %mul3A_695, %max3A_685 : vector<16xf32>
    %mul3A_697 = arith.mulf %mul3A_696, %bitcast_convert_type3A_693 : vector<16xf32>
    %mul3A_698 = arith.mulf %mul3A_697, %bitcast_convert_type3A_693 : vector<16xf32>
    %sub3A_699 = arith.constant 1.500000e+00 : f32
    %sub3A_700 = vector.broadcast %sub3A_699 : f32 to vector<16xf32>
    %sub3A_701 = arith.subf %sub3A_700, %mul3A_698 : vector<16xf32>
    %mul3A_702 = arith.mulf %bitcast_convert_type3A_693, %sub3A_701 : vector<16xf32>
    %mul3A_703 = arith.constant 5.000000e-01 : f32
    %mul3A_704 = vector.broadcast %mul3A_703 : f32 to vector<16xf32>
    %mul3A_705 = arith.mulf %mul3A_704, %max3A_685 : vector<16xf32>
    %mul3A_706 = arith.mulf %mul3A_705, %mul3A_702 : vector<16xf32>
    %mul3A_707 = arith.mulf %mul3A_706, %mul3A_702 : vector<16xf32>
    %sub3A_708 = arith.constant 1.500000e+00 : f32
    %sub3A_709 = vector.broadcast %sub3A_708 : f32 to vector<16xf32>
    %sub3A_710 = arith.subf %sub3A_709, %mul3A_707 : vector<16xf32>
    %mul3A_711 = arith.mulf %mul3A_702, %sub3A_710 : vector<16xf32>
    %mul3A_712 = arith.constant 5.000000e-01 : f32
    %mul3A_713 = vector.broadcast %mul3A_712 : f32 to vector<16xf32>
    %mul3A_714 = arith.mulf %mul3A_713, %max3A_685 : vector<16xf32>
    %mul3A_715 = arith.mulf %mul3A_714, %mul3A_711 : vector<16xf32>
    %mul3A_716 = arith.mulf %mul3A_715, %mul3A_711 : vector<16xf32>
    %sub3A_717 = arith.constant 1.500000e+00 : f32
    %sub3A_718 = vector.broadcast %sub3A_717 : f32 to vector<16xf32>
    %sub3A_719 = arith.subf %sub3A_718, %mul3A_716 : vector<16xf32>
    %mul3A_720 = arith.mulf %mul3A_711, %sub3A_719 : vector<16xf32>
    %mul3A_721 = arith.constant 5.000000e-01 : f32
    %mul3A_722 = vector.broadcast %mul3A_721 : f32 to vector<16xf32>
    %mul3A_723 = arith.mulf %mul3A_722, %max3A_685 : vector<16xf32>
    %mul3A_724 = arith.mulf %mul3A_723, %mul3A_720 : vector<16xf32>
    %mul3A_725 = arith.mulf %mul3A_724, %mul3A_720 : vector<16xf32>
    %sub3A_726 = arith.constant 1.500000e+00 : f32
    %sub3A_727 = vector.broadcast %sub3A_726 : f32 to vector<16xf32>
    %sub3A_728 = arith.subf %sub3A_727, %mul3A_725 : vector<16xf32>
    %mul3A_729 = arith.mulf %mul3A_720, %sub3A_728 : vector<16xf32>
    %min3A_730 = arith.constant 1.000000e+08 : f32
    %min3A_731 = vector.broadcast %min3A_730 : f32 to vector<16xf32>
    %min3A_732 = arith.minimumf %mul3A_729, %min3A_731 : vector<16xf32>
    %max3A_733 = arith.constant 1.000000e-30 : f32
    %max3A_734 = vector.broadcast %max3A_733 : f32 to vector<16xf32>
    %max3A_735 = arith.maximumf %scan3A_681#5, %max3A_734 : vector<16xf32>
    %bitcast_convert_type3A_736 = tpu.bitcast %max3A_735 : vector<16xf32> -> vector<16xi32>
    %shift_right_arithmetic3A_737 = arith.constant 1 : i32
    %shift_right_arithmetic3A_738 = vector.broadcast %shift_right_arithmetic3A_737 : i32 to vector<16xi32>
    %shift_right_arithmetic3A_739 = arith.shrsi %bitcast_convert_type3A_736, %shift_right_arithmetic3A_738 : vector<16xi32>
    %sub3A_740 = arith.constant 1597463007 : i32
    %sub3A_741 = vector.broadcast %sub3A_740 : i32 to vector<16xi32>
    %sub3A_742 = arith.subi %sub3A_741, %shift_right_arithmetic3A_739 : vector<16xi32>
    %bitcast_convert_type3A_743 = tpu.bitcast %sub3A_742 : vector<16xi32> -> vector<16xf32>
    %mul3A_744 = arith.constant 5.000000e-01 : f32
    %mul3A_745 = vector.broadcast %mul3A_744 : f32 to vector<16xf32>
    %mul3A_746 = arith.mulf %mul3A_745, %max3A_735 : vector<16xf32>
    %mul3A_747 = arith.mulf %mul3A_746, %bitcast_convert_type3A_743 : vector<16xf32>
    %mul3A_748 = arith.mulf %mul3A_747, %bitcast_convert_type3A_743 : vector<16xf32>
    %sub3A_749 = arith.constant 1.500000e+00 : f32
    %sub3A_750 = vector.broadcast %sub3A_749 : f32 to vector<16xf32>
    %sub3A_751 = arith.subf %sub3A_750, %mul3A_748 : vector<16xf32>
    %mul3A_752 = arith.mulf %bitcast_convert_type3A_743, %sub3A_751 : vector<16xf32>
    %mul3A_753 = arith.constant 5.000000e-01 : f32
    %mul3A_754 = vector.broadcast %mul3A_753 : f32 to vector<16xf32>
    %mul3A_755 = arith.mulf %mul3A_754, %max3A_735 : vector<16xf32>
    %mul3A_756 = arith.mulf %mul3A_755, %mul3A_752 : vector<16xf32>
    %mul3A_757 = arith.mulf %mul3A_756, %mul3A_752 : vector<16xf32>
    %sub3A_758 = arith.constant 1.500000e+00 : f32
    %sub3A_759 = vector.broadcast %sub3A_758 : f32 to vector<16xf32>
    %sub3A_760 = arith.subf %sub3A_759, %mul3A_757 : vector<16xf32>
    %mul3A_761 = arith.mulf %mul3A_752, %sub3A_760 : vector<16xf32>
    %mul3A_762 = arith.constant 5.000000e-01 : f32
    %mul3A_763 = vector.broadcast %mul3A_762 : f32 to vector<16xf32>
    %mul3A_764 = arith.mulf %mul3A_763, %max3A_735 : vector<16xf32>
    %mul3A_765 = arith.mulf %mul3A_764, %mul3A_761 : vector<16xf32>
    %mul3A_766 = arith.mulf %mul3A_765, %mul3A_761 : vector<16xf32>
    %sub3A_767 = arith.constant 1.500000e+00 : f32
    %sub3A_768 = vector.broadcast %sub3A_767 : f32 to vector<16xf32>
    %sub3A_769 = arith.subf %sub3A_768, %mul3A_766 : vector<16xf32>
    %mul3A_770 = arith.mulf %mul3A_761, %sub3A_769 : vector<16xf32>
    %mul3A_771 = arith.constant 5.000000e-01 : f32
    %mul3A_772 = vector.broadcast %mul3A_771 : f32 to vector<16xf32>
    %mul3A_773 = arith.mulf %mul3A_772, %max3A_735 : vector<16xf32>
    %mul3A_774 = arith.mulf %mul3A_773, %mul3A_770 : vector<16xf32>
    %mul3A_775 = arith.mulf %mul3A_774, %mul3A_770 : vector<16xf32>
    %sub3A_776 = arith.constant 1.500000e+00 : f32
    %sub3A_777 = vector.broadcast %sub3A_776 : f32 to vector<16xf32>
    %sub3A_778 = arith.subf %sub3A_777, %mul3A_775 : vector<16xf32>
    %mul3A_779 = arith.mulf %mul3A_770, %sub3A_778 : vector<16xf32>
    %min3A_780 = arith.constant 1.000000e+08 : f32
    %min3A_781 = vector.broadcast %min3A_780 : f32 to vector<16xf32>
    %min3A_782 = arith.minimumf %mul3A_779, %min3A_781 : vector<16xf32>
    %get3A_783 = arith.constant 16 : index
    %get3A_784 = tpu.vector_load %arg13[%get3A_783] {strides = array<i32>} : memref<32xi32, #tpu.memory_space<vmem>>, vector<16xi32>,
    %get3A_785 = vector.shape_cast %get3A_784 : vector<16xi32> to vector<16xi32>
    %get3A_786 = arith.constant 16 : index
    %get3A_787 = tpu.vector_load %arg7[%get3A_786] {strides = array<i32>} : memref<32xi32, #tpu.memory_space<vmem>>, vector<16xi32>,
    %get3A_788 = vector.shape_cast %get3A_787 : vector<16xi32> to vector<16xi32>
    %add3A_789 = arith.constant 16 : i32
    %add3A_790 = vector.broadcast %add3A_789 : i32 to vector<16xi32>
    %add3A_791 = arith.addi %iota3A, %add3A_790 : vector<16xi32>
    %add3A_792 = vector.broadcast %mul3A_0 : i32 to vector<16xi32>
    %add3A_793 = arith.addi %add3A_791, %add3A_792 : vector<16xi32>
    %eq3A_794 = arith.cmpi eq, %get3A_785, %add3A_793 : vector<16xi32>
    %ne3A_795 = arith.cmpi ne, %get3A_788, %get3A_23 : vector<16xi32>
    %and3A_796 = arith.andi %eq3A_794, %ne3A_795 : vector<16xi1>
    %jit3A_797 = arith.constant 1.000000e+00 : f32
    %jit3A_798 = arith.constant 0.000000e+00 : f32
    %broadcast_in_dim3A_799 = vector.broadcast %jit3A_797 : f32 to vector<16xf32>
    %broadcast_in_dim3A_800 = vector.broadcast %jit3A_798 : f32 to vector<16xf32>
    %select_n3A_801 = arith.select %and3A_796, %broadcast_in_dim3A_799, %broadcast_in_dim3A_800 : vector<16xi1>, vector<16xf32>
    %mul3A_802 = arith.mulf %scan3A_681#0, %min3A_732 : vector<16xf32>
    %mul3A_803 = arith.mulf %mul3A_802, %min3A_259 : vector<16xf32>
    %mul3A_804 = arith.mulf %select_n3A_801, %mul3A_803 : vector<16xf32>
    %add3A_805 = arith.addf %add3A_651, %mul3A_804 : vector<16xf32>
    %mul3A_806 = arith.mulf %scan3A_681#1, %min3A_732 : vector<16xf32>
    %mul3A_807 = arith.mulf %mul3A_806, %min3A_366 : vector<16xf32>
    %mul3A_808 = arith.mulf %select_n3A_801, %mul3A_807 : vector<16xf32>
    %add3A_809 = arith.addf %add3A_655, %mul3A_808 : vector<16xf32>
    %mul3A_810 = arith.mulf %scan3A_681#3, %min3A_782 : vector<16xf32>
    %mul3A_811 = arith.mulf %mul3A_810, %min3A_259 : vector<16xf32>
    %mul3A_812 = arith.mulf %select_n3A_801, %mul3A_811 : vector<16xf32>
    %add3A_813 = arith.addf %add3A_659, %mul3A_812 : vector<16xf32>
    %mul3A_814 = arith.mulf %scan3A_681#4, %min3A_782 : vector<16xf32>
    %mul3A_815 = arith.mulf %mul3A_814, %min3A_366 : vector<16xf32>
    %mul3A_816 = arith.mulf %select_n3A_801, %mul3A_815 : vector<16xf32>
    %add3A_817 = arith.addf %add3A_663, %mul3A_816 : vector<16xf32>
    %add3A_818 = arith.addf %add3A_664, %select_n3A_801 : vector<16xf32>
    %eq3A_819 = arith.constant 0 : i32
    %eq3A_820 = arith.cmpi eq, %arg1, %eq3A_819 : i32
    %jit3A_821 = arith.constant 1.000000e+00 : f32
    %jit3A_822 = arith.constant 0.000000e+00 : f32
    %select_n3A_823 = arith.select %eq3A_820, %jit3A_821, %jit3A_822 : f32
    %eq3A_824 = arith.constant 0 : i32
    %eq3A_825 = vector.broadcast %eq3A_824 : i32 to vector<16xi32>
    %eq3A_826 = arith.cmpi eq, %iota3A, %eq3A_825 : vector<16xi32>
    %iota3A_827 = tpu.iota {dimensions = array<i32: 0>} : vector<16xi32>
    %xor3A_828 = arith.constant 8 : i32
    %xor3A_829 = vector.broadcast %xor3A_828 : i32 to vector<16xi32>
    %xor3A_830 = arith.xori %iota3A_827, %xor3A_829 : vector<16xi32>
    %lt3A_831 = arith.constant 0 : i32
    %lt3A_832 = vector.broadcast %lt3A_831 : i32 to vector<16xi32>
    %lt3A_833 = arith.cmpi slt, %xor3A_830, %lt3A_832 : vector<16xi32>
    %add3A_834 = arith.constant 16 : i32
    %add3A_835 = vector.broadcast %add3A_834 : i32 to vector<16xi32>
    %add3A_836 = arith.addi %xor3A_830, %add3A_835 : vector<16xi32>
    %select_n3A_837 = arith.select %lt3A_833, %add3A_836, %xor3A_830 : vector<16xi1>, vector<16xi32>
    %broadcast_in_dim3A_838 = vector.shape_cast %select_n3A_837 : vector<16xi32> to vector<16x1xi32>
    %gather3A_839 = vector.shape_cast %broadcast_in_dim3A_838 : vector<16x1xi32> to vector<16xi32>
    %gather3A_840 = tpu.dynamic_gather %add3A_805[%gather3A_839] in [0] : vector<16xf32>, vector<16xi32> -> vector<16xf32>
    %add3A_841 = arith.addf %add3A_805, %gather3A_840 : vector<16xf32>
    %xor3A_842 = arith.constant 4 : i32
    %xor3A_843 = vector.broadcast %xor3A_842 : i32 to vector<16xi32>
    %xor3A_844 = arith.xori %iota3A_827, %xor3A_843 : vector<16xi32>
    %lt3A_845 = arith.constant 0 : i32
    %lt3A_846 = vector.broadcast %lt3A_845 : i32 to vector<16xi32>
    %lt3A_847 = arith.cmpi slt, %xor3A_844, %lt3A_846 : vector<16xi32>
    %add3A_848 = arith.constant 16 : i32
    %add3A_849 = vector.broadcast %add3A_848 : i32 to vector<16xi32>
    %add3A_850 = arith.addi %xor3A_844, %add3A_849 : vector<16xi32>
    %select_n3A_851 = arith.select %lt3A_847, %add3A_850, %xor3A_844 : vector<16xi1>, vector<16xi32>
    %broadcast_in_dim3A_852 = vector.shape_cast %select_n3A_851 : vector<16xi32> to vector<16x1xi32>
    %gather3A_853 = vector.shape_cast %broadcast_in_dim3A_852 : vector<16x1xi32> to vector<16xi32>
    %gather3A_854 = tpu.dynamic_gather %add3A_841[%gather3A_853] in [0] : vector<16xf32>, vector<16xi32> -> vector<16xf32>
    %add3A_855 = arith.addf %add3A_841, %gather3A_854 : vector<16xf32>
    %xor3A_856 = arith.constant 2 : i32
    %xor3A_857 = vector.broadcast %xor3A_856 : i32 to vector<16xi32>
    %xor3A_858 = arith.xori %iota3A_827, %xor3A_857 : vector<16xi32>
    %lt3A_859 = arith.constant 0 : i32
    %lt3A_860 = vector.broadcast %lt3A_859 : i32 to vector<16xi32>
    %lt3A_861 = arith.cmpi slt, %xor3A_858, %lt3A_860 : vector<16xi32>
    %add3A_862 = arith.constant 16 : i32
    %add3A_863 = vector.broadcast %add3A_862 : i32 to vector<16xi32>
    %add3A_864 = arith.addi %xor3A_858, %add3A_863 : vector<16xi32>
    %select_n3A_865 = arith.select %lt3A_861, %add3A_864, %xor3A_858 : vector<16xi1>, vector<16xi32>
    %broadcast_in_dim3A_866 = vector.shape_cast %select_n3A_865 : vector<16xi32> to vector<16x1xi32>
    %gather3A_867 = vector.shape_cast %broadcast_in_dim3A_866 : vector<16x1xi32> to vector<16xi32>
    %gather3A_868 = tpu.dynamic_gather %add3A_855[%gather3A_867] in [0] : vector<16xf32>, vector<16xi32> -> vector<16xf32>
    %add3A_869 = arith.addf %add3A_855, %gather3A_868 : vector<16xf32>
    %xor3A_870 = arith.constant 1 : i32
    %xor3A_871 = vector.broadcast %xor3A_870 : i32 to vector<16xi32>
    %xor3A_872 = arith.xori %iota3A_827, %xor3A_871 : vector<16xi32>
    %lt3A_873 = arith.constant 0 : i32
    %lt3A_874 = vector.broadcast %lt3A_873 : i32 to vector<16xi32>
    %lt3A_875 = arith.cmpi slt, %xor3A_872, %lt3A_874 : vector<16xi32>
    %add3A_876 = arith.constant 16 : i32
    %add3A_877 = vector.broadcast %add3A_876 : i32 to vector<16xi32>
    %add3A_878 = arith.addi %xor3A_872, %add3A_877 : vector<16xi32>
    %select_n3A_879 = arith.select %lt3A_875, %add3A_878, %xor3A_872 : vector<16xi1>, vector<16xi32>
    %broadcast_in_dim3A_880 = vector.shape_cast %select_n3A_879 : vector<16xi32> to vector<16x1xi32>
    %gather3A_881 = vector.shape_cast %broadcast_in_dim3A_880 : vector<16x1xi32> to vector<16xi32>
    %gather3A_882 = tpu.dynamic_gather %add3A_869[%gather3A_881] in [0] : vector<16xf32>, vector<16xi32> -> vector<16xf32>
    %add3A_883 = arith.addf %add3A_869, %gather3A_882 : vector<16xf32>
    %jit3A_884 = arith.constant 0.000000e+00 : f32
    %broadcast_in_dim3A_885 = vector.broadcast %jit3A_884 : f32 to vector<16xf32>
    %select_n3A_886 = arith.select %eq3A_826, %add3A_883, %broadcast_in_dim3A_885 : vector<16xi1>, vector<16xf32>
    %eq3A_887 = arith.constant 1 : i32
    %eq3A_888 = vector.broadcast %eq3A_887 : i32 to vector<16xi32>
    %eq3A_889 = arith.cmpi eq, %iota3A, %eq3A_888 : vector<16xi32>
    %iota3A_890 = tpu.iota {dimensions = array<i32: 0>} : vector<16xi32>
    %xor3A_891 = arith.constant 8 : i32
    %xor3A_892 = vector.broadcast %xor3A_891 : i32 to vector<16xi32>
    %xor3A_893 = arith.xori %iota3A_890, %xor3A_892 : vector<16xi32>
    %lt3A_894 = arith.constant 0 : i32
    %lt3A_895 = vector.broadcast %lt3A_894 : i32 to vector<16xi32>
    %lt3A_896 = arith.cmpi slt, %xor3A_893, %lt3A_895 : vector<16xi32>
    %add3A_897 = arith.constant 16 : i32
    %add3A_898 = vector.broadcast %add3A_897 : i32 to vector<16xi32>
    %add3A_899 = arith.addi %xor3A_893, %add3A_898 : vector<16xi32>
    %select_n3A_900 = arith.select %lt3A_896, %add3A_899, %xor3A_893 : vector<16xi1>, vector<16xi32>
    %broadcast_in_dim3A_901 = vector.shape_cast %select_n3A_900 : vector<16xi32> to vector<16x1xi32>
    %gather3A_902 = vector.shape_cast %broadcast_in_dim3A_901 : vector<16x1xi32> to vector<16xi32>
    %gather3A_903 = tpu.dynamic_gather %add3A_817[%gather3A_902] in [0] : vector<16xf32>, vector<16xi32> -> vector<16xf32>
    %add3A_904 = arith.addf %add3A_817, %gather3A_903 : vector<16xf32>
    %xor3A_905 = arith.constant 4 : i32
    %xor3A_906 = vector.broadcast %xor3A_905 : i32 to vector<16xi32>
    %xor3A_907 = arith.xori %iota3A_890, %xor3A_906 : vector<16xi32>
    %lt3A_908 = arith.constant 0 : i32
    %lt3A_909 = vector.broadcast %lt3A_908 : i32 to vector<16xi32>
    %lt3A_910 = arith.cmpi slt, %xor3A_907, %lt3A_909 : vector<16xi32>
    %add3A_911 = arith.constant 16 : i32
    %add3A_912 = vector.broadcast %add3A_911 : i32 to vector<16xi32>
    %add3A_913 = arith.addi %xor3A_907, %add3A_912 : vector<16xi32>
    %select_n3A_914 = arith.select %lt3A_910, %add3A_913, %xor3A_907 : vector<16xi1>, vector<16xi32>
    %broadcast_in_dim3A_915 = vector.shape_cast %select_n3A_914 : vector<16xi32> to vector<16x1xi32>
    %gather3A_916 = vector.shape_cast %broadcast_in_dim3A_915 : vector<16x1xi32> to vector<16xi32>
    %gather3A_917 = tpu.dynamic_gather %add3A_904[%gather3A_916] in [0] : vector<16xf32>, vector<16xi32> -> vector<16xf32>
    %add3A_918 = arith.addf %add3A_904, %gather3A_917 : vector<16xf32>
    %xor3A_919 = arith.constant 2 : i32
    %xor3A_920 = vector.broadcast %xor3A_919 : i32 to vector<16xi32>
    %xor3A_921 = arith.xori %iota3A_890, %xor3A_920 : vector<16xi32>
    %lt3A_922 = arith.constant 0 : i32
    %lt3A_923 = vector.broadcast %lt3A_922 : i32 to vector<16xi32>
    %lt3A_924 = arith.cmpi slt, %xor3A_921, %lt3A_923 : vector<16xi32>
    %add3A_925 = arith.constant 16 : i32
    %add3A_926 = vector.broadcast %add3A_925 : i32 to vector<16xi32>
    %add3A_927 = arith.addi %xor3A_921, %add3A_926 : vector<16xi32>
    %select_n3A_928 = arith.select %lt3A_924, %add3A_927, %xor3A_921 : vector<16xi1>, vector<16xi32>
    %broadcast_in_dim3A_929 = vector.shape_cast %select_n3A_928 : vector<16xi32> to vector<16x1xi32>
    %gather3A_930 = vector.shape_cast %broadcast_in_dim3A_929 : vector<16x1xi32> to vector<16xi32>
    %gather3A_931 = tpu.dynamic_gather %add3A_918[%gather3A_930] in [0] : vector<16xf32>, vector<16xi32> -> vector<16xf32>
    %add3A_932 = arith.addf %add3A_918, %gather3A_931 : vector<16xf32>
    %xor3A_933 = arith.constant 1 : i32
    %xor3A_934 = vector.broadcast %xor3A_933 : i32 to vector<16xi32>
    %xor3A_935 = arith.xori %iota3A_890, %xor3A_934 : vector<16xi32>
    %lt3A_936 = arith.constant 0 : i32
    %lt3A_937 = vector.broadcast %lt3A_936 : i32 to vector<16xi32>
    %lt3A_938 = arith.cmpi slt, %xor3A_935, %lt3A_937 : vector<16xi32>
    %add3A_939 = arith.constant 16 : i32
    %add3A_940 = vector.broadcast %add3A_939 : i32 to vector<16xi32>
    %add3A_941 = arith.addi %xor3A_935, %add3A_940 : vector<16xi32>
    %select_n3A_942 = arith.select %lt3A_938, %add3A_941, %xor3A_935 : vector<16xi1>, vector<16xi32>
    %broadcast_in_dim3A_943 = vector.shape_cast %select_n3A_942 : vector<16xi32> to vector<16x1xi32>
    %gather3A_944 = vector.shape_cast %broadcast_in_dim3A_943 : vector<16x1xi32> to vector<16xi32>
    %gather3A_945 = tpu.dynamic_gather %add3A_932[%gather3A_944] in [0] : vector<16xf32>, vector<16xi32> -> vector<16xf32>
    %add3A_946 = arith.addf %add3A_932, %gather3A_945 : vector<16xf32>
    %jit3A_947 = arith.constant 0.000000e+00 : f32
    %broadcast_in_dim3A_948 = vector.broadcast %jit3A_947 : f32 to vector<16xf32>
    %select_n3A_949 = arith.select %eq3A_889, %add3A_946, %broadcast_in_dim3A_948 : vector<16xi1>, vector<16xf32>
    %add3A_950 = arith.addf %select_n3A_886, %select_n3A_949 : vector<16xf32>
    %eq3A_951 = arith.constant 2 : i32
    %eq3A_952 = vector.broadcast %eq3A_951 : i32 to vector<16xi32>
    %eq3A_953 = arith.cmpi eq, %iota3A, %eq3A_952 : vector<16xi32>
    %iota3A_954 = tpu.iota {dimensions = array<i32: 0>} : vector<16xi32>
    %xor3A_955 = arith.constant 8 : i32
    %xor3A_956 = vector.broadcast %xor3A_955 : i32 to vector<16xi32>
    %xor3A_957 = arith.xori %iota3A_954, %xor3A_956 : vector<16xi32>
    %lt3A_958 = arith.constant 0 : i32
    %lt3A_959 = vector.broadcast %lt3A_958 : i32 to vector<16xi32>
    %lt3A_960 = arith.cmpi slt, %xor3A_957, %lt3A_959 : vector<16xi32>
    %add3A_961 = arith.constant 16 : i32
    %add3A_962 = vector.broadcast %add3A_961 : i32 to vector<16xi32>
    %add3A_963 = arith.addi %xor3A_957, %add3A_962 : vector<16xi32>
    %select_n3A_964 = arith.select %lt3A_960, %add3A_963, %xor3A_957 : vector<16xi1>, vector<16xi32>
    %broadcast_in_dim3A_965 = vector.shape_cast %select_n3A_964 : vector<16xi32> to vector<16x1xi32>
    %gather3A_966 = vector.shape_cast %broadcast_in_dim3A_965 : vector<16x1xi32> to vector<16xi32>
    %gather3A_967 = tpu.dynamic_gather %add3A_813[%gather3A_966] in [0] : vector<16xf32>, vector<16xi32> -> vector<16xf32>
    %add3A_968 = arith.addf %add3A_813, %gather3A_967 : vector<16xf32>
    %xor3A_969 = arith.constant 4 : i32
    %xor3A_970 = vector.broadcast %xor3A_969 : i32 to vector<16xi32>
    %xor3A_971 = arith.xori %iota3A_954, %xor3A_970 : vector<16xi32>
    %lt3A_972 = arith.constant 0 : i32
    %lt3A_973 = vector.broadcast %lt3A_972 : i32 to vector<16xi32>
    %lt3A_974 = arith.cmpi slt, %xor3A_971, %lt3A_973 : vector<16xi32>
    %add3A_975 = arith.constant 16 : i32
    %add3A_976 = vector.broadcast %add3A_975 : i32 to vector<16xi32>
    %add3A_977 = arith.addi %xor3A_971, %add3A_976 : vector<16xi32>
    %select_n3A_978 = arith.select %lt3A_974, %add3A_977, %xor3A_971 : vector<16xi1>, vector<16xi32>
    %broadcast_in_dim3A_979 = vector.shape_cast %select_n3A_978 : vector<16xi32> to vector<16x1xi32>
    %gather3A_980 = vector.shape_cast %broadcast_in_dim3A_979 : vector<16x1xi32> to vector<16xi32>
    %gather3A_981 = tpu.dynamic_gather %add3A_968[%gather3A_980] in [0] : vector<16xf32>, vector<16xi32> -> vector<16xf32>
    %add3A_982 = arith.addf %add3A_968, %gather3A_981 : vector<16xf32>
    %xor3A_983 = arith.constant 2 : i32
    %xor3A_984 = vector.broadcast %xor3A_983 : i32 to vector<16xi32>
    %xor3A_985 = arith.xori %iota3A_954, %xor3A_984 : vector<16xi32>
    %lt3A_986 = arith.constant 0 : i32
    %lt3A_987 = vector.broadcast %lt3A_986 : i32 to vector<16xi32>
    %lt3A_988 = arith.cmpi slt, %xor3A_985, %lt3A_987 : vector<16xi32>
    %add3A_989 = arith.constant 16 : i32
    %add3A_990 = vector.broadcast %add3A_989 : i32 to vector<16xi32>
    %add3A_991 = arith.addi %xor3A_985, %add3A_990 : vector<16xi32>
    %select_n3A_992 = arith.select %lt3A_988, %add3A_991, %xor3A_985 : vector<16xi1>, vector<16xi32>
    %broadcast_in_dim3A_993 = vector.shape_cast %select_n3A_992 : vector<16xi32> to vector<16x1xi32>
    %gather3A_994 = vector.shape_cast %broadcast_in_dim3A_993 : vector<16x1xi32> to vector<16xi32>
    %gather3A_995 = tpu.dynamic_gather %add3A_982[%gather3A_994] in [0] : vector<16xf32>, vector<16xi32> -> vector<16xf32>
    %add3A_996 = arith.addf %add3A_982, %gather3A_995 : vector<16xf32>
    %xor3A_997 = arith.constant 1 : i32
    %xor3A_998 = vector.broadcast %xor3A_997 : i32 to vector<16xi32>
    %xor3A_999 = arith.xori %iota3A_954, %xor3A_998 : vector<16xi32>
    %lt3A_1000 = arith.constant 0 : i32
    %lt3A_1001 = vector.broadcast %lt3A_1000 : i32 to vector<16xi32>
    %lt3A_1002 = arith.cmpi slt, %xor3A_999, %lt3A_1001 : vector<16xi32>
    %add3A_1003 = arith.constant 16 : i32
    %add3A_1004 = vector.broadcast %add3A_1003 : i32 to vector<16xi32>
    %add3A_1005 = arith.addi %xor3A_999, %add3A_1004 : vector<16xi32>
    %select_n3A_1006 = arith.select %lt3A_1002, %add3A_1005, %xor3A_999 : vector<16xi1>, vector<16xi32>
    %broadcast_in_dim3A_1007 = vector.shape_cast %select_n3A_1006 : vector<16xi32> to vector<16x1xi32>
    %gather3A_1008 = vector.shape_cast %broadcast_in_dim3A_1007 : vector<16x1xi32> to vector<16xi32>
    %gather3A_1009 = tpu.dynamic_gather %add3A_996[%gather3A_1008] in [0] : vector<16xf32>, vector<16xi32> -> vector<16xf32>
    %add3A_1010 = arith.addf %add3A_996, %gather3A_1009 : vector<16xf32>
    %jit3A_1011 = arith.constant 0.000000e+00 : f32
    %broadcast_in_dim3A_1012 = vector.broadcast %jit3A_1011 : f32 to vector<16xf32>
    %select_n3A_1013 = arith.select %eq3A_953, %add3A_1010, %broadcast_in_dim3A_1012 : vector<16xi1>, vector<16xf32>
    %add3A_1014 = arith.addf %add3A_950, %select_n3A_1013 : vector<16xf32>
    %eq3A_1015 = arith.constant 3 : i32
    %eq3A_1016 = vector.broadcast %eq3A_1015 : i32 to vector<16xi32>
    %eq3A_1017 = arith.cmpi eq, %iota3A, %eq3A_1016 : vector<16xi32>
    %iota3A_1018 = tpu.iota {dimensions = array<i32: 0>} : vector<16xi32>
    %xor3A_1019 = arith.constant 8 : i32
    %xor3A_1020 = vector.broadcast %xor3A_1019 : i32 to vector<16xi32>
    %xor3A_1021 = arith.xori %iota3A_1018, %xor3A_1020 : vector<16xi32>
    %lt3A_1022 = arith.constant 0 : i32
    %lt3A_1023 = vector.broadcast %lt3A_1022 : i32 to vector<16xi32>
    %lt3A_1024 = arith.cmpi slt, %xor3A_1021, %lt3A_1023 : vector<16xi32>
    %add3A_1025 = arith.constant 16 : i32
    %add3A_1026 = vector.broadcast %add3A_1025 : i32 to vector<16xi32>
    %add3A_1027 = arith.addi %xor3A_1021, %add3A_1026 : vector<16xi32>
    %select_n3A_1028 = arith.select %lt3A_1024, %add3A_1027, %xor3A_1021 : vector<16xi1>, vector<16xi32>
    %broadcast_in_dim3A_1029 = vector.shape_cast %select_n3A_1028 : vector<16xi32> to vector<16x1xi32>
    %gather3A_1030 = vector.shape_cast %broadcast_in_dim3A_1029 : vector<16x1xi32> to vector<16xi32>
    %gather3A_1031 = tpu.dynamic_gather %add3A_809[%gather3A_1030] in [0] : vector<16xf32>, vector<16xi32> -> vector<16xf32>
    %add3A_1032 = arith.addf %add3A_809, %gather3A_1031 : vector<16xf32>
    %xor3A_1033 = arith.constant 4 : i32
    %xor3A_1034 = vector.broadcast %xor3A_1033 : i32 to vector<16xi32>
    %xor3A_1035 = arith.xori %iota3A_1018, %xor3A_1034 : vector<16xi32>
    %lt3A_1036 = arith.constant 0 : i32
    %lt3A_1037 = vector.broadcast %lt3A_1036 : i32 to vector<16xi32>
    %lt3A_1038 = arith.cmpi slt, %xor3A_1035, %lt3A_1037 : vector<16xi32>
    %add3A_1039 = arith.constant 16 : i32
    %add3A_1040 = vector.broadcast %add3A_1039 : i32 to vector<16xi32>
    %add3A_1041 = arith.addi %xor3A_1035, %add3A_1040 : vector<16xi32>
    %select_n3A_1042 = arith.select %lt3A_1038, %add3A_1041, %xor3A_1035 : vector<16xi1>, vector<16xi32>
    %broadcast_in_dim3A_1043 = vector.shape_cast %select_n3A_1042 : vector<16xi32> to vector<16x1xi32>
    %gather3A_1044 = vector.shape_cast %broadcast_in_dim3A_1043 : vector<16x1xi32> to vector<16xi32>
    %gather3A_1045 = tpu.dynamic_gather %add3A_1032[%gather3A_1044] in [0] : vector<16xf32>, vector<16xi32> -> vector<16xf32>
    %add3A_1046 = arith.addf %add3A_1032, %gather3A_1045 : vector<16xf32>
    %xor3A_1047 = arith.constant 2 : i32
    %xor3A_1048 = vector.broadcast %xor3A_1047 : i32 to vector<16xi32>
    %xor3A_1049 = arith.xori %iota3A_1018, %xor3A_1048 : vector<16xi32>
    %lt3A_1050 = arith.constant 0 : i32
    %lt3A_1051 = vector.broadcast %lt3A_1050 : i32 to vector<16xi32>
    %lt3A_1052 = arith.cmpi slt, %xor3A_1049, %lt3A_1051 : vector<16xi32>
    %add3A_1053 = arith.constant 16 : i32
    %add3A_1054 = vector.broadcast %add3A_1053 : i32 to vector<16xi32>
    %add3A_1055 = arith.addi %xor3A_1049, %add3A_1054 : vector<16xi32>
    %select_n3A_1056 = arith.select %lt3A_1052, %add3A_1055, %xor3A_1049 : vector<16xi1>, vector<16xi32>
    %broadcast_in_dim3A_1057 = vector.shape_cast %select_n3A_1056 : vector<16xi32> to vector<16x1xi32>
    %gather3A_1058 = vector.shape_cast %broadcast_in_dim3A_1057 : vector<16x1xi32> to vector<16xi32>
    %gather3A_1059 = tpu.dynamic_gather %add3A_1046[%gather3A_1058] in [0] : vector<16xf32>, vector<16xi32> -> vector<16xf32>
    %add3A_1060 = arith.addf %add3A_1046, %gather3A_1059 : vector<16xf32>
    %xor3A_1061 = arith.constant 1 : i32
    %xor3A_1062 = vector.broadcast %xor3A_1061 : i32 to vector<16xi32>
    %xor3A_1063 = arith.xori %iota3A_1018, %xor3A_1062 : vector<16xi32>
    %lt3A_1064 = arith.constant 0 : i32
    %lt3A_1065 = vector.broadcast %lt3A_1064 : i32 to vector<16xi32>
    %lt3A_1066 = arith.cmpi slt, %xor3A_1063, %lt3A_1065 : vector<16xi32>
    %add3A_1067 = arith.constant 16 : i32
    %add3A_1068 = vector.broadcast %add3A_1067 : i32 to vector<16xi32>
    %add3A_1069 = arith.addi %xor3A_1063, %add3A_1068 : vector<16xi32>
    %select_n3A_1070 = arith.select %lt3A_1066, %add3A_1069, %xor3A_1063 : vector<16xi1>, vector<16xi32>
    %broadcast_in_dim3A_1071 = vector.shape_cast %select_n3A_1070 : vector<16xi32> to vector<16x1xi32>
    %gather3A_1072 = vector.shape_cast %broadcast_in_dim3A_1071 : vector<16x1xi32> to vector<16xi32>
    %gather3A_1073 = tpu.dynamic_gather %add3A_1060[%gather3A_1072] in [0] : vector<16xf32>, vector<16xi32> -> vector<16xf32>
    %add3A_1074 = arith.addf %add3A_1060, %gather3A_1073 : vector<16xf32>
    %jit3A_1075 = arith.constant 0.000000e+00 : f32
    %broadcast_in_dim3A_1076 = vector.broadcast %jit3A_1075 : f32 to vector<16xf32>
    %select_n3A_1077 = arith.select %eq3A_1017, %add3A_1074, %broadcast_in_dim3A_1076 : vector<16xi1>, vector<16xf32>
    %add3A_1078 = arith.addf %add3A_1014, %select_n3A_1077 : vector<16xf32>
    %eq3A_1079 = arith.constant 4 : i32
    %eq3A_1080 = vector.broadcast %eq3A_1079 : i32 to vector<16xi32>
    %eq3A_1081 = arith.cmpi eq, %iota3A, %eq3A_1080 : vector<16xi32>
    %iota3A_1082 = tpu.iota {dimensions = array<i32: 0>} : vector<16xi32>
    %xor3A_1083 = arith.constant 8 : i32
    %xor3A_1084 = vector.broadcast %xor3A_1083 : i32 to vector<16xi32>
    %xor3A_1085 = arith.xori %iota3A_1082, %xor3A_1084 : vector<16xi32>
    %lt3A_1086 = arith.constant 0 : i32
    %lt3A_1087 = vector.broadcast %lt3A_1086 : i32 to vector<16xi32>
    %lt3A_1088 = arith.cmpi slt, %xor3A_1085, %lt3A_1087 : vector<16xi32>
    %add3A_1089 = arith.constant 16 : i32
    %add3A_1090 = vector.broadcast %add3A_1089 : i32 to vector<16xi32>
    %add3A_1091 = arith.addi %xor3A_1085, %add3A_1090 : vector<16xi32>
    %select_n3A_1092 = arith.select %lt3A_1088, %add3A_1091, %xor3A_1085 : vector<16xi1>, vector<16xi32>
    %broadcast_in_dim3A_1093 = vector.shape_cast %select_n3A_1092 : vector<16xi32> to vector<16x1xi32>
    %gather3A_1094 = vector.shape_cast %broadcast_in_dim3A_1093 : vector<16x1xi32> to vector<16xi32>
    %gather3A_1095 = tpu.dynamic_gather %add3A_818[%gather3A_1094] in [0] : vector<16xf32>, vector<16xi32> -> vector<16xf32>
    %add3A_1096 = arith.addf %add3A_818, %gather3A_1095 : vector<16xf32>
    %xor3A_1097 = arith.constant 4 : i32
    %xor3A_1098 = vector.broadcast %xor3A_1097 : i32 to vector<16xi32>
    %xor3A_1099 = arith.xori %iota3A_1082, %xor3A_1098 : vector<16xi32>
    %lt3A_1100 = arith.constant 0 : i32
    %lt3A_1101 = vector.broadcast %lt3A_1100 : i32 to vector<16xi32>
    %lt3A_1102 = arith.cmpi slt, %xor3A_1099, %lt3A_1101 : vector<16xi32>
    %add3A_1103 = arith.constant 16 : i32
    %add3A_1104 = vector.broadcast %add3A_1103 : i32 to vector<16xi32>
    %add3A_1105 = arith.addi %xor3A_1099, %add3A_1104 : vector<16xi32>
    %select_n3A_1106 = arith.select %lt3A_1102, %add3A_1105, %xor3A_1099 : vector<16xi1>, vector<16xi32>
    %broadcast_in_dim3A_1107 = vector.shape_cast %select_n3A_1106 : vector<16xi32> to vector<16x1xi32>
    %gather3A_1108 = vector.shape_cast %broadcast_in_dim3A_1107 : vector<16x1xi32> to vector<16xi32>
    %gather3A_1109 = tpu.dynamic_gather %add3A_1096[%gather3A_1108] in [0] : vector<16xf32>, vector<16xi32> -> vector<16xf32>
    %add3A_1110 = arith.addf %add3A_1096, %gather3A_1109 : vector<16xf32>
    %xor3A_1111 = arith.constant 2 : i32
    %xor3A_1112 = vector.broadcast %xor3A_1111 : i32 to vector<16xi32>
    %xor3A_1113 = arith.xori %iota3A_1082, %xor3A_1112 : vector<16xi32>
    %lt3A_1114 = arith.constant 0 : i32
    %lt3A_1115 = vector.broadcast %lt3A_1114 : i32 to vector<16xi32>
    %lt3A_1116 = arith.cmpi slt, %xor3A_1113, %lt3A_1115 : vector<16xi32>
    %add3A_1117 = arith.constant 16 : i32
    %add3A_1118 = vector.broadcast %add3A_1117 : i32 to vector<16xi32>
    %add3A_1119 = arith.addi %xor3A_1113, %add3A_1118 : vector<16xi32>
    %select_n3A_1120 = arith.select %lt3A_1116, %add3A_1119, %xor3A_1113 : vector<16xi1>, vector<16xi32>
    %broadcast_in_dim3A_1121 = vector.shape_cast %select_n3A_1120 : vector<16xi32> to vector<16x1xi32>
    %gather3A_1122 = vector.shape_cast %broadcast_in_dim3A_1121 : vector<16x1xi32> to vector<16xi32>
    %gather3A_1123 = tpu.dynamic_gather %add3A_1110[%gather3A_1122] in [0] : vector<16xf32>, vector<16xi32> -> vector<16xf32>
    %add3A_1124 = arith.addf %add3A_1110, %gather3A_1123 : vector<16xf32>
    %xor3A_1125 = arith.constant 1 : i32
    %xor3A_1126 = vector.broadcast %xor3A_1125 : i32 to vector<16xi32>
    %xor3A_1127 = arith.xori %iota3A_1082, %xor3A_1126 : vector<16xi32>
    %lt3A_1128 = arith.constant 0 : i32
    %lt3A_1129 = vector.broadcast %lt3A_1128 : i32 to vector<16xi32>
    %lt3A_1130 = arith.cmpi slt, %xor3A_1127, %lt3A_1129 : vector<16xi32>
    %add3A_1131 = arith.constant 16 : i32
    %add3A_1132 = vector.broadcast %add3A_1131 : i32 to vector<16xi32>
    %add3A_1133 = arith.addi %xor3A_1127, %add3A_1132 : vector<16xi32>
    %select_n3A_1134 = arith.select %lt3A_1130, %add3A_1133, %xor3A_1127 : vector<16xi1>, vector<16xi32>
    %broadcast_in_dim3A_1135 = vector.shape_cast %select_n3A_1134 : vector<16xi32> to vector<16x1xi32>
    %gather3A_1136 = vector.shape_cast %broadcast_in_dim3A_1135 : vector<16x1xi32> to vector<16xi32>
    %gather3A_1137 = tpu.dynamic_gather %add3A_1124[%gather3A_1136] in [0] : vector<16xf32>, vector<16xi32> -> vector<16xf32>
    %add3A_1138 = arith.addf %add3A_1124, %gather3A_1137 : vector<16xf32>
    %jit3A_1139 = arith.constant 0.000000e+00 : f32
    %broadcast_in_dim3A_1140 = vector.broadcast %jit3A_1139 : f32 to vector<16xf32>
    %select_n3A_1141 = arith.select %eq3A_1081, %add3A_1138, %broadcast_in_dim3A_1140 : vector<16xi1>, vector<16xf32>
    %add3A_1142 = arith.addf %add3A_1078, %select_n3A_1141 : vector<16xf32>
    %eq3A_1143 = arith.constant 5 : i32
    %eq3A_1144 = vector.broadcast %eq3A_1143 : i32 to vector<16xi32>
    %eq3A_1145 = arith.cmpi eq, %iota3A, %eq3A_1144 : vector<16xi32>
    %mul3A_1146 = vector.broadcast %select_n3A_823 : f32 to vector<16xf32>
    %mul3A_1147 = arith.mulf %mul3A_425, %mul3A_1146 : vector<16xf32>
    %jit3A_1148 = arith.constant 0.000000e+00 : f32
    %broadcast_in_dim3A_1149 = vector.broadcast %jit3A_1148 : f32 to vector<16xf32>
    %select_n3A_1150 = arith.select %eq3A_1145, %mul3A_1147, %broadcast_in_dim3A_1149 : vector<16xi1>, vector<16xf32>
    %add3A_1151 = arith.addf %add3A_1142, %select_n3A_1150 : vector<16xf32>
    %swap3A_1152 = arith.constant 0 : i32
    %swap3A_1153 = arith.index_cast %swap3A_1152 : i32 to index
    %swap3A_1154 = arith.constant 0 : index
    %swap3A_1155 = tpu.vector_load %arg14[%swap3A_1153, %swap3A_1154] {strides = array<i32>} : memref<1x16xf32, #tpu.memory_space<vmem>>, vector<1x16xf32>,
    %swap3A_1156 = vector.shape_cast %swap3A_1155 : vector<1x16xf32> to vector<16xf32>
    %swap3A_1157 = vector.shape_cast %add3A_1151 : vector<16xf32> to vector<1x16xf32>
    tpu.vector_store %arg14[%swap3A_1153, %swap3A_1154], %swap3A_1157 {strides = array<i32>} : memref<1x16xf32, #tpu.memory_space<vmem>>, vector<1x16xf32>,
    "tpu.region"() ({
      %run_scoped3A = tpu.sem_alloc : memref<!tpu.dma_semaphore, #tpu.memory_space<semaphore_mem>>
      %dma_start3A_1162 = arith.constant 0 : i32
      %dma_start3A_1163 = tpu.memref_slice %arg18[%arg1, %dma_start3A_1162] : memref<16x16xf32, #tpu.memory_space<vmem_shared>> -> memref<1x16xf32, #tpu.memory_space<vmem_shared>>
      %dma_start3A_1164 = arith.constant 0 : i32
      %dma_start3A_1165 = tpu.memref_slice %arg18[%arg1, %dma_start3A_1164] : memref<16x16xf32, #tpu.memory_space<vmem_shared>> -> memref<1x16xf32, #tpu.memory_space<vmem_shared>>
      tpu.enqueue_dma source(%arg14 : memref<1x16xf32, #tpu.memory_space<vmem>>) target(%dma_start3A_1165 : memref<1x16xf32, #tpu.memory_space<vmem_shared>>) target_semaphore(%run_scoped3A : memref<!tpu.dma_semaphore, #tpu.memory_space<semaphore_mem>>)
      %dma_wait3A_1166 = arith.constant 0 : i32
      %dma_wait3A_1167 = tpu.memref_slice %arg18[%arg1, %dma_wait3A_1166] : memref<16x16xf32, #tpu.memory_space<vmem_shared>> -> memref<1x16xf32, #tpu.memory_space<vmem_shared>>
      %dma_wait3A_1168 = arith.constant 0 : i32
      %dma_wait3A_1169 = tpu.memref_slice %arg18[%arg1, %dma_wait3A_1168] : memref<16x16xf32, #tpu.memory_space<vmem_shared>> -> memref<1x16xf32, #tpu.memory_space<vmem_shared>>
      tpu.wait_dma2 semaphore(%run_scoped3A : memref<!tpu.dma_semaphore, #tpu.memory_space<semaphore_mem>>) src(%arg14 : memref<1x16xf32, #tpu.memory_space<vmem>>) dst(%dma_wait3A_1169 : memref<1x16xf32, #tpu.memory_space<vmem_shared>>)
      tpu.yield
    }) : () -> ()
    %barrier3A_1158 = arith.constant 0 : index
    tpu.barrier barrier_id(%barrier3A_1158)
    %eq3A_1159 = arith.constant 0 : i32
    %eq3A_1160 = arith.cmpi eq, %arg1, %eq3A_1159 : i32
    %convert_element_type3A = arith.extui %eq3A_1160 : i1 to i32
    %cond3A = arith.constant 0 : i32
    %cond3A_1161 = arith.cmpi ne, %convert_element_type3A, %cond3A : i32
    scf.if %cond3A_1161 {
      "tpu.region"() ({
        %run_scoped3A = tpu.sem_alloc : memref<!tpu.dma_semaphore, #tpu.memory_space<semaphore_mem>>
        tpu.enqueue_dma source(%arg18 : memref<16x16xf32, #tpu.memory_space<vmem_shared>>) target(%arg15 : memref<16x16xf32, #tpu.memory_space<vmem>>) target_semaphore(%run_scoped3A : memref<!tpu.dma_semaphore, #tpu.memory_space<semaphore_mem>>)
        tpu.wait_dma2 semaphore(%run_scoped3A : memref<!tpu.dma_semaphore, #tpu.memory_space<semaphore_mem>>) src(%arg18 : memref<16x16xf32, #tpu.memory_space<vmem_shared>>) dst(%arg15 : memref<16x16xf32, #tpu.memory_space<vmem>>)
        tpu.yield
      }) : () -> ()
      %get3A_1162 = arith.constant 0 : i32
      %get3A_1163 = arith.index_cast %get3A_1162 : i32 to index
      %get3A_1164 = arith.constant 0 : index
      %get3A_1165 = tpu.vector_load %arg15[%get3A_1163, %get3A_1164] {strides = array<i32>} : memref<16x16xf32, #tpu.memory_space<vmem>>, vector<1x16xf32>,
      %get3A_1166 = vector.shape_cast %get3A_1165 : vector<1x16xf32> to vector<16xf32>
      %get3A_1167 = arith.constant 1 : i32
      %get3A_1168 = arith.index_cast %get3A_1167 : i32 to index
      %get3A_1169 = arith.constant 0 : index
      %get3A_1170 = tpu.vector_load %arg15[%get3A_1168, %get3A_1169] {strides = array<i32>} : memref<16x16xf32, #tpu.memory_space<vmem>>, vector<1x16xf32>,
      %get3A_1171 = vector.shape_cast %get3A_1170 : vector<1x16xf32> to vector<16xf32>
      %add3A_1172 = arith.addf %get3A_1166, %get3A_1171 : vector<16xf32>
      %get3A_1173 = arith.constant 2 : i32
      %get3A_1174 = arith.index_cast %get3A_1173 : i32 to index
      %get3A_1175 = arith.constant 0 : index
      %get3A_1176 = tpu.vector_load %arg15[%get3A_1174, %get3A_1175] {strides = array<i32>} : memref<16x16xf32, #tpu.memory_space<vmem>>, vector<1x16xf32>,
      %get3A_1177 = vector.shape_cast %get3A_1176 : vector<1x16xf32> to vector<16xf32>
      %add3A_1178 = arith.addf %add3A_1172, %get3A_1177 : vector<16xf32>
      %get3A_1179 = arith.constant 3 : i32
      %get3A_1180 = arith.index_cast %get3A_1179 : i32 to index
      %get3A_1181 = arith.constant 0 : index
      %get3A_1182 = tpu.vector_load %arg15[%get3A_1180, %get3A_1181] {strides = array<i32>} : memref<16x16xf32, #tpu.memory_space<vmem>>, vector<1x16xf32>,
      %get3A_1183 = vector.shape_cast %get3A_1182 : vector<1x16xf32> to vector<16xf32>
      %add3A_1184 = arith.addf %add3A_1178, %get3A_1183 : vector<16xf32>
      %get3A_1185 = arith.constant 4 : i32
      %get3A_1186 = arith.index_cast %get3A_1185 : i32 to index
      %get3A_1187 = arith.constant 0 : index
      %get3A_1188 = tpu.vector_load %arg15[%get3A_1186, %get3A_1187] {strides = array<i32>} : memref<16x16xf32, #tpu.memory_space<vmem>>, vector<1x16xf32>,
      %get3A_1189 = vector.shape_cast %get3A_1188 : vector<1x16xf32> to vector<16xf32>
      %add3A_1190 = arith.addf %add3A_1184, %get3A_1189 : vector<16xf32>
      %get3A_1191 = arith.constant 5 : i32
      %get3A_1192 = arith.index_cast %get3A_1191 : i32 to index
      %get3A_1193 = arith.constant 0 : index
      %get3A_1194 = tpu.vector_load %arg15[%get3A_1192, %get3A_1193] {strides = array<i32>} : memref<16x16xf32, #tpu.memory_space<vmem>>, vector<1x16xf32>,
      %get3A_1195 = vector.shape_cast %get3A_1194 : vector<1x16xf32> to vector<16xf32>
      %add3A_1196 = arith.addf %add3A_1190, %get3A_1195 : vector<16xf32>
      %get3A_1197 = arith.constant 6 : i32
      %get3A_1198 = arith.index_cast %get3A_1197 : i32 to index
      %get3A_1199 = arith.constant 0 : index
      %get3A_1200 = tpu.vector_load %arg15[%get3A_1198, %get3A_1199] {strides = array<i32>} : memref<16x16xf32, #tpu.memory_space<vmem>>, vector<1x16xf32>,
      %get3A_1201 = vector.shape_cast %get3A_1200 : vector<1x16xf32> to vector<16xf32>
      %add3A_1202 = arith.addf %add3A_1196, %get3A_1201 : vector<16xf32>
      %get3A_1203 = arith.constant 7 : i32
      %get3A_1204 = arith.index_cast %get3A_1203 : i32 to index
      %get3A_1205 = arith.constant 0 : index
      %get3A_1206 = tpu.vector_load %arg15[%get3A_1204, %get3A_1205] {strides = array<i32>} : memref<16x16xf32, #tpu.memory_space<vmem>>, vector<1x16xf32>,
      %get3A_1207 = vector.shape_cast %get3A_1206 : vector<1x16xf32> to vector<16xf32>
      %add3A_1208 = arith.addf %add3A_1202, %get3A_1207 : vector<16xf32>
      %get3A_1209 = arith.constant 8 : i32
      %get3A_1210 = arith.index_cast %get3A_1209 : i32 to index
      %get3A_1211 = arith.constant 0 : index
      %get3A_1212 = tpu.vector_load %arg15[%get3A_1210, %get3A_1211] {strides = array<i32>} : memref<16x16xf32, #tpu.memory_space<vmem>>, vector<1x16xf32>,
      %get3A_1213 = vector.shape_cast %get3A_1212 : vector<1x16xf32> to vector<16xf32>
      %add3A_1214 = arith.addf %add3A_1208, %get3A_1213 : vector<16xf32>
      %get3A_1215 = arith.constant 9 : i32
      %get3A_1216 = arith.index_cast %get3A_1215 : i32 to index
      %get3A_1217 = arith.constant 0 : index
      %get3A_1218 = tpu.vector_load %arg15[%get3A_1216, %get3A_1217] {strides = array<i32>} : memref<16x16xf32, #tpu.memory_space<vmem>>, vector<1x16xf32>,
      %get3A_1219 = vector.shape_cast %get3A_1218 : vector<1x16xf32> to vector<16xf32>
      %add3A_1220 = arith.addf %add3A_1214, %get3A_1219 : vector<16xf32>
      %get3A_1221 = arith.constant 10 : i32
      %get3A_1222 = arith.index_cast %get3A_1221 : i32 to index
      %get3A_1223 = arith.constant 0 : index
      %get3A_1224 = tpu.vector_load %arg15[%get3A_1222, %get3A_1223] {strides = array<i32>} : memref<16x16xf32, #tpu.memory_space<vmem>>, vector<1x16xf32>,
      %get3A_1225 = vector.shape_cast %get3A_1224 : vector<1x16xf32> to vector<16xf32>
      %add3A_1226 = arith.addf %add3A_1220, %get3A_1225 : vector<16xf32>
      %get3A_1227 = arith.constant 11 : i32
      %get3A_1228 = arith.index_cast %get3A_1227 : i32 to index
      %get3A_1229 = arith.constant 0 : index
      %get3A_1230 = tpu.vector_load %arg15[%get3A_1228, %get3A_1229] {strides = array<i32>} : memref<16x16xf32, #tpu.memory_space<vmem>>, vector<1x16xf32>,
      %get3A_1231 = vector.shape_cast %get3A_1230 : vector<1x16xf32> to vector<16xf32>
      %add3A_1232 = arith.addf %add3A_1226, %get3A_1231 : vector<16xf32>
      %get3A_1233 = arith.constant 12 : i32
      %get3A_1234 = arith.index_cast %get3A_1233 : i32 to index
      %get3A_1235 = arith.constant 0 : index
      %get3A_1236 = tpu.vector_load %arg15[%get3A_1234, %get3A_1235] {strides = array<i32>} : memref<16x16xf32, #tpu.memory_space<vmem>>, vector<1x16xf32>,
      %get3A_1237 = vector.shape_cast %get3A_1236 : vector<1x16xf32> to vector<16xf32>
      %add3A_1238 = arith.addf %add3A_1232, %get3A_1237 : vector<16xf32>
      %get3A_1239 = arith.constant 13 : i32
      %get3A_1240 = arith.index_cast %get3A_1239 : i32 to index
      %get3A_1241 = arith.constant 0 : index
      %get3A_1242 = tpu.vector_load %arg15[%get3A_1240, %get3A_1241] {strides = array<i32>} : memref<16x16xf32, #tpu.memory_space<vmem>>, vector<1x16xf32>,
      %get3A_1243 = vector.shape_cast %get3A_1242 : vector<1x16xf32> to vector<16xf32>
      %add3A_1244 = arith.addf %add3A_1238, %get3A_1243 : vector<16xf32>
      %get3A_1245 = arith.constant 14 : i32
      %get3A_1246 = arith.index_cast %get3A_1245 : i32 to index
      %get3A_1247 = arith.constant 0 : index
      %get3A_1248 = tpu.vector_load %arg15[%get3A_1246, %get3A_1247] {strides = array<i32>} : memref<16x16xf32, #tpu.memory_space<vmem>>, vector<1x16xf32>,
      %get3A_1249 = vector.shape_cast %get3A_1248 : vector<1x16xf32> to vector<16xf32>
      %add3A_1250 = arith.addf %add3A_1244, %get3A_1249 : vector<16xf32>
      %get3A_1251 = arith.constant 15 : i32
      %get3A_1252 = arith.index_cast %get3A_1251 : i32 to index
      %get3A_1253 = arith.constant 0 : index
      %get3A_1254 = tpu.vector_load %arg15[%get3A_1252, %get3A_1253] {strides = array<i32>} : memref<16x16xf32, #tpu.memory_space<vmem>>, vector<1x16xf32>,
      %get3A_1255 = vector.shape_cast %get3A_1254 : vector<1x16xf32> to vector<16xf32>
      %add3A_1256 = arith.addf %add3A_1250, %get3A_1255 : vector<16xf32>
      %swap3A_1257 = arith.constant 0 : i32
      %swap3A_1258 = arith.index_cast %swap3A_1257 : i32 to index
      %swap3A_1259 = arith.constant 0 : index
      %swap3A_1260 = tpu.vector_load %arg14[%swap3A_1258, %swap3A_1259] {strides = array<i32>} : memref<1x16xf32, #tpu.memory_space<vmem>>, vector<1x16xf32>,
      %swap3A_1261 = vector.shape_cast %swap3A_1260 : vector<1x16xf32> to vector<16xf32>
      %swap3A_1262 = vector.shape_cast %add3A_1256 : vector<16xf32> to vector<1x16xf32>
      tpu.vector_store %arg14[%swap3A_1258, %swap3A_1259], %swap3A_1262 {strides = array<i32>} : memref<1x16xf32, #tpu.memory_space<vmem>>, vector<1x16xf32>,
      "tpu.region"() ({
        %run_scoped3A = tpu.sem_alloc : memref<!tpu.dma_semaphore, #tpu.memory_space<semaphore_mem>>
        %dma_start3A_1263 = arith.constant 0 : i32
        %dma_start3A_1264 = tpu.memref_slice %arg6[%arg0, %dma_start3A_1263] : memref<1x16xf32, #tpu.memory_space<hbm>> -> memref<1x16xf32, #tpu.memory_space<hbm>>
        %dma_start3A_1265 = arith.constant 0 : i32
        %dma_start3A_1266 = tpu.memref_slice %arg6[%arg0, %dma_start3A_1265] : memref<1x16xf32, #tpu.memory_space<hbm>> -> memref<1x16xf32, #tpu.memory_space<hbm>>
        tpu.enqueue_dma source(%arg14 : memref<1x16xf32, #tpu.memory_space<vmem>>) target(%dma_start3A_1266 : memref<1x16xf32, #tpu.memory_space<hbm>>) target_semaphore(%run_scoped3A : memref<!tpu.dma_semaphore, #tpu.memory_space<semaphore_mem>>)
        %dma_wait3A_1267 = arith.constant 0 : i32
        %dma_wait3A_1268 = tpu.memref_slice %arg6[%arg0, %dma_wait3A_1267] : memref<1x16xf32, #tpu.memory_space<hbm>> -> memref<1x16xf32, #tpu.memory_space<hbm>>
        %dma_wait3A_1269 = arith.constant 0 : i32
        %dma_wait3A_1270 = tpu.memref_slice %arg6[%arg0, %dma_wait3A_1269] : memref<1x16xf32, #tpu.memory_space<hbm>> -> memref<1x16xf32, #tpu.memory_space<hbm>>
        tpu.wait_dma2 semaphore(%run_scoped3A : memref<!tpu.dma_semaphore, #tpu.memory_space<semaphore_mem>>) src(%arg14 : memref<1x16xf32, #tpu.memory_space<vmem>>) dst(%dma_wait3A_1270 : memref<1x16xf32, #tpu.memory_space<hbm>>)
        tpu.yield
      }) : () -> ()
    } else {
    }
    return
  }
}

module attributes {stable_mosaic.version = 14 : i64} {
  func.func @_tc_body(%arg0: i32, %arg1: memref<1xi32, #tpu.memory_space<smem>>, %arg2: memref<8x128xf32, #tpu.memory_space<vmem>>, %arg3: memref<8x128xf32, #tpu.memory_space<vmem>>, %arg4: memref<10000x128xf32, #tpu.memory_space<vmem>>, %arg5: memref<10000x128xf32, #tpu.memory_space<vmem>>, %arg6: memref<8x2xf32, #tpu.memory_space<vmem>>, %arg7: memref<8x1xf32, #tpu.memory_space<vmem>>, %arg8: memref<8x1xf32, #tpu.memory_space<vmem>>) attributes {dimension_semantics = [#tpu.dimension_semantics<arbitrary>], iteration_bounds = array<i64: 10>, scalar_prefetch = 1 : i64, scratch_operands = 2 : i64, tpu.core_type = #tpu.core_type<tc>, window_params = [{transform_indices = @transform_0, window_bounds = array<i64: 8, 128>}, {transform_indices = @transform_1, window_bounds = array<i64: 8, 128>}, {transform_indices = @transform_2, window_bounds = array<i64: 10000, 128>}, {transform_indices = @transform_3, window_bounds = array<i64: 10000, 128>}, {pipeline_mode = #tpu.pipeline_mode<synchronous>, transform_indices = @transform_4, window_bounds = array<i64: 8, 2>}]} {
    %get3A = arith.constant 0 : index
    %get3A_0 = memref.load %arg1[%get3A] : memref<1xi32, #tpu.memory_space<smem>>
    %jit3A = arith.constant 8 : i32
    %eq3A = arith.constant 0 : i32
    %eq3A_1 = arith.cmpi eq, %jit3A, %eq3A : i32
    %jit3A_2 = arith.constant 1 : i32
    %select_n3A = arith.select %eq3A_1, %jit3A_2, %jit3A : i32
    %rem3A = arith.remsi %get3A_0, %select_n3A : i32
    %ne3A = arith.constant 0 : i32
    %ne3A_3 = arith.cmpi ne, %rem3A, %ne3A : i32
    %lt3A = arith.constant 0 : i32
    %lt3A_4 = arith.cmpi slt, %rem3A, %lt3A : i32
    %lt3A_5 = arith.constant 0 : i32
    %lt3A_6 = arith.cmpi slt, %select_n3A, %lt3A_5 : i32
    %ne3A_7 = arith.xori %lt3A_4, %lt3A_6 : i1
    %and3A = arith.andi %ne3A_7, %ne3A_3 : i1
    %add3A = arith.addi %rem3A, %select_n3A : i32
    %select_n3A_8 = arith.select %and3A, %add3A, %rem3A : i32
    %get3A_9 = arith.index_cast %select_n3A_8 : i32 to index
    %get3A_10 = arith.constant 0 : index
    %get3A_11 = vector.load %arg2[%get3A_9, %get3A_10] : memref<8x128xf32, #tpu.memory_space<vmem>>, vector<1x128xf32>
    %get3A_12 = arith.index_cast %select_n3A_8 : i32 to index
    %get3A_13 = arith.constant 0 : index
    %get3A_14 = vector.load %arg3[%get3A_12, %get3A_13] : memref<8x128xf32, #tpu.memory_space<vmem>>, vector<1x128xf32>
    %mul3A = arith.mulf %get3A_11, %get3A_11 : vector<1x128xf32>
    %reduce_sum3A = vector.shape_cast %mul3A : vector<1x128xf32> to vector<1x1x128xf32>
    %reduce_sum3A_15 = arith.constant dense<0.000000e+00> : vector<1xf32>
    %reduce_sum3A_16 = vector.multi_reduction <add>, %reduce_sum3A, %reduce_sum3A_15 [1, 2] : vector<1x1x128xf32> to vector<1xf32>
    %reduce_sum3A_17 = vector.shape_cast %reduce_sum3A_16 : vector<1xf32> to vector<1x1x1xf32>
    %reduce_sum3A_18 = vector.extract %reduce_sum3A_17[0, 0, 0] : f32 from vector<1x1x1xf32>
    %rsqrt3A = math.rsqrt %reduce_sum3A_18 : f32
    %min3A = arith.constant 1.000000e+08 : f32
    %min3A_19 = arith.minimumf %rsqrt3A, %min3A : f32
    %mul3A_20 = arith.mulf %get3A_14, %get3A_14 : vector<1x128xf32>
    %reduce_sum3A_21 = vector.shape_cast %mul3A_20 : vector<1x128xf32> to vector<1x1x128xf32>
    %reduce_sum3A_22 = arith.constant dense<0.000000e+00> : vector<1xf32>
    %reduce_sum3A_23 = vector.multi_reduction <add>, %reduce_sum3A_21, %reduce_sum3A_22 [1, 2] : vector<1x1x128xf32> to vector<1xf32>
    %reduce_sum3A_24 = vector.shape_cast %reduce_sum3A_23 : vector<1xf32> to vector<1x1x1xf32>
    %reduce_sum3A_25 = vector.extract %reduce_sum3A_24[0, 0, 0] : f32 from vector<1x1x1xf32>
    %rsqrt3A_26 = math.rsqrt %reduce_sum3A_25 : f32
    %min3A_27 = arith.constant 1.000000e+08 : f32
    %min3A_28 = arith.minimumf %rsqrt3A_26, %min3A_27 : f32
    %iota3A = tpu.iota {dimensions = array<i32: 0>} : vector<8x1xi32>
    %eq3A_29 = arith.constant 0 : i32
    %eq3A_30 = vector.broadcast %eq3A_29 : i32 to vector<8x1xi32>
    %eq3A_31 = arith.cmpi eq, %iota3A, %eq3A_30 : vector<8x1xi32>
    %eq3A_32 = arith.constant 1 : i32
    %eq3A_33 = vector.broadcast %eq3A_32 : i32 to vector<8x1xi32>
    %eq3A_34 = arith.cmpi eq, %iota3A, %eq3A_33 : vector<8x1xi32>
    %jit3A_35 = arith.constant 0.000000e+00 : f32
    %broadcast_in_dim3A = vector.broadcast %min3A_28 : f32 to vector<8x1xf32>
    %broadcast_in_dim3A_36 = vector.broadcast %jit3A_35 : f32 to vector<8x1xf32>
    %select_n3A_37 = arith.select %eq3A_34, %broadcast_in_dim3A, %broadcast_in_dim3A_36 : vector<8x1xi1>, vector<8x1xf32>
    %broadcast_in_dim3A_38 = vector.broadcast %min3A_19 : f32 to vector<8x1xf32>
    %select_n3A_39 = arith.select %eq3A_31, %broadcast_in_dim3A_38, %select_n3A_37 : vector<8x1xi1>, vector<8x1xf32>
    %div3A = arith.constant 5.000000e-01 : f32
    %div3A_40 = vector.broadcast %div3A : f32 to vector<8x1xf32>
    %div3A_41 = arith.divf %select_n3A_39, %div3A_40 : vector<8x1xf32>
    %broadcast_in_dim3A_42 = arith.constant 0.000000e+00 : f32
    %broadcast_in_dim3A_43 = vector.broadcast %broadcast_in_dim3A_42 : f32 to vector<6x128xf32>
    %concatenate3A = tpu.concatenate %get3A_11, %get3A_14, %broadcast_in_dim3A_43 in 0 : vector<1x128xf32>, vector<1x128xf32>, vector<6x128xf32> -> vector<8x128xf32>
    %broadcast_in_dim3A_44 = arith.constant 1.000000e+00 : f32
    %broadcast_in_dim3A_45 = vector.broadcast %broadcast_in_dim3A_44 : f32 to vector<1x128xf32>
    %eq3A_46 = arith.constant 0 : i32
    %eq3A_47 = arith.cmpi eq, %arg0, %eq3A_46 : i32
    %convert_element_type3A = arith.extui %eq3A_47 : i1 to i32
    %cond3A = arith.constant 0 : i32
    %cond3A_48 = arith.cmpi ne, %convert_element_type3A, %cond3A : i32
    scf.if %cond3A_48 {
      %broadcast_in_dim3A_105 = arith.constant 0.000000e+00 : f32
      %broadcast_in_dim3A_106 = vector.broadcast %broadcast_in_dim3A_105 : f32 to vector<8x1xf32>
      %swap3A_107 = arith.constant 0 : index
      %swap3A_108 = arith.constant 0 : index
      %swap3A_109 = vector.load %arg7[%swap3A_107, %swap3A_108] : memref<8x1xf32, #tpu.memory_space<vmem>>, vector<8x1xf32>
      tpu.vector_store %arg7[%swap3A_107, %swap3A_108], %broadcast_in_dim3A_106 {strides = array<i32>} : memref<8x1xf32, #tpu.memory_space<vmem>>, vector<8x1xf32>,
      %broadcast_in_dim3A_110 = arith.constant 0.000000e+00 : f32
      %broadcast_in_dim3A_111 = vector.broadcast %broadcast_in_dim3A_110 : f32 to vector<8x1xf32>
      %swap3A_112 = arith.constant 0 : index
      %swap3A_113 = arith.constant 0 : index
      %swap3A_114 = vector.load %arg8[%swap3A_112, %swap3A_113] : memref<8x1xf32, #tpu.memory_space<vmem>>, vector<8x1xf32>
      tpu.vector_store %arg8[%swap3A_112, %swap3A_113], %broadcast_in_dim3A_111 {strides = array<i32>} : memref<8x1xf32, #tpu.memory_space<vmem>>, vector<8x1xf32>,
    } else {
    }
    %get3A_49 = arith.constant 0 : index
    %get3A_50 = arith.constant 0 : index
    %get3A_51 = vector.load %arg4[%get3A_49, %get3A_50] : memref<10000x128xf32, #tpu.memory_space<vmem>>, vector<10000x128xf32>
    %dot_general3A = arith.constant dense<0.000000e+00> : vector<8x10000xf32>
    %dot_general3A_52 = tpu.matmul %concatenate3A, %get3A_51, %dot_general3A {dimension_numbers = #tpu.dot_dimension_numbers<[1], [1], [0], [0], [0, 0, 1, 0], [], []>, transpose_lhs_hint = false} : vector<8x128xf32>, vector<10000x128xf32>, vector<8x10000xf32> -> vector<8x10000xf32>
    %mul3A_53 = arith.mulf %get3A_51, %get3A_51 : vector<10000x128xf32>
    %dot_general3A_54 = arith.constant dense<0.000000e+00> : vector<1x10000xf32>
    %dot_general3A_55 = tpu.matmul %broadcast_in_dim3A_45, %mul3A_53, %dot_general3A_54 {dimension_numbers = #tpu.dot_dimension_numbers<[1], [1], [0], [0], [0, 0, 1, 0], [], []>, transpose_lhs_hint = false} : vector<1x128xf32>, vector<10000x128xf32>, vector<1x10000xf32> -> vector<1x10000xf32>
    %rsqrt3A_56 = math.rsqrt %dot_general3A_55 : vector<1x10000xf32>
    %min3A_57 = arith.constant 1.000000e+08 : f32
    %min3A_58 = vector.broadcast %min3A_57 : f32 to vector<1x10000xf32>
    %min3A_59 = arith.minimumf %rsqrt3A_56, %min3A_58 : vector<1x10000xf32>
    %mul3A_60 = vector.broadcast %min3A_59 : vector<1x10000xf32> to vector<8x10000xf32>
    %mul3A_61 = arith.mulf %dot_general3A_52, %mul3A_60 : vector<8x10000xf32>
    %mul3A_62 = vector.broadcast %div3A_41 : vector<8x1xf32> to vector<8x10000xf32>
    %mul3A_63 = arith.mulf %mul3A_61, %mul3A_62 : vector<8x10000xf32>
    %exp3A = math.exp %mul3A_63 : vector<8x10000xf32>
    %get3A_64 = arith.constant 0 : index
    %get3A_65 = arith.constant 0 : index
    %get3A_66 = vector.load %arg7[%get3A_64, %get3A_65] : memref<8x1xf32, #tpu.memory_space<vmem>>, vector<8x1xf32>
    %reduce_sum3A_67 = arith.constant dense<0.000000e+00> : vector<8xf32>
    %reduce_sum3A_68 = vector.multi_reduction <add>, %exp3A, %reduce_sum3A_67 [1] : vector<8x10000xf32> to vector<8xf32>
    %broadcast_in_dim3A_69 = vector.shape_cast %reduce_sum3A_68 : vector<8xf32> to vector<8x1xf32>
    %add3A_70 = arith.addf %get3A_66, %broadcast_in_dim3A_69 : vector<8x1xf32>
    %swap3A = arith.constant 0 : index
    %swap3A_71 = arith.constant 0 : index
    %swap3A_72 = vector.load %arg7[%swap3A, %swap3A_71] : memref<8x1xf32, #tpu.memory_space<vmem>>, vector<8x1xf32>
    tpu.vector_store %arg7[%swap3A, %swap3A_71], %add3A_70 {strides = array<i32>} : memref<8x1xf32, #tpu.memory_space<vmem>>, vector<8x1xf32>,
    %get3A_73 = arith.constant 0 : index
    %get3A_74 = arith.constant 0 : index
    %get3A_75 = vector.load %arg5[%get3A_73, %get3A_74] : memref<10000x128xf32, #tpu.memory_space<vmem>>, vector<10000x128xf32>
    %dot_general3A_76 = arith.constant dense<0.000000e+00> : vector<8x10000xf32>
    %dot_general3A_77 = tpu.matmul %concatenate3A, %get3A_75, %dot_general3A_76 {dimension_numbers = #tpu.dot_dimension_numbers<[1], [1], [0], [0], [0, 0, 1, 0], [], []>, transpose_lhs_hint = false} : vector<8x128xf32>, vector<10000x128xf32>, vector<8x10000xf32> -> vector<8x10000xf32>
    %mul3A_78 = arith.mulf %get3A_75, %get3A_75 : vector<10000x128xf32>
    %dot_general3A_79 = arith.constant dense<0.000000e+00> : vector<1x10000xf32>
    %dot_general3A_80 = tpu.matmul %broadcast_in_dim3A_45, %mul3A_78, %dot_general3A_79 {dimension_numbers = #tpu.dot_dimension_numbers<[1], [1], [0], [0], [0, 0, 1, 0], [], []>, transpose_lhs_hint = false} : vector<1x128xf32>, vector<10000x128xf32>, vector<1x10000xf32> -> vector<1x10000xf32>
    %rsqrt3A_81 = math.rsqrt %dot_general3A_80 : vector<1x10000xf32>
    %min3A_82 = arith.constant 1.000000e+08 : f32
    %min3A_83 = vector.broadcast %min3A_82 : f32 to vector<1x10000xf32>
    %min3A_84 = arith.minimumf %rsqrt3A_81, %min3A_83 : vector<1x10000xf32>
    %mul3A_85 = vector.broadcast %min3A_84 : vector<1x10000xf32> to vector<8x10000xf32>
    %mul3A_86 = arith.mulf %dot_general3A_77, %mul3A_85 : vector<8x10000xf32>
    %mul3A_87 = vector.broadcast %div3A_41 : vector<8x1xf32> to vector<8x10000xf32>
    %mul3A_88 = arith.mulf %mul3A_86, %mul3A_87 : vector<8x10000xf32>
    %exp3A_89 = math.exp %mul3A_88 : vector<8x10000xf32>
    %get3A_90 = arith.constant 0 : index
    %get3A_91 = arith.constant 0 : index
    %get3A_92 = vector.load %arg8[%get3A_90, %get3A_91] : memref<8x1xf32, #tpu.memory_space<vmem>>, vector<8x1xf32>
    %reduce_sum3A_93 = arith.constant dense<0.000000e+00> : vector<8xf32>
    %reduce_sum3A_94 = vector.multi_reduction <add>, %exp3A_89, %reduce_sum3A_93 [1] : vector<8x10000xf32> to vector<8xf32>
    %broadcast_in_dim3A_95 = vector.shape_cast %reduce_sum3A_94 : vector<8xf32> to vector<8x1xf32>
    %add3A_96 = arith.addf %get3A_92, %broadcast_in_dim3A_95 : vector<8x1xf32>
    %swap3A_97 = arith.constant 0 : index
    %swap3A_98 = arith.constant 0 : index
    %swap3A_99 = vector.load %arg8[%swap3A_97, %swap3A_98] : memref<8x1xf32, #tpu.memory_space<vmem>>, vector<8x1xf32>
    tpu.vector_store %arg8[%swap3A_97, %swap3A_98], %add3A_96 {strides = array<i32>} : memref<8x1xf32, #tpu.memory_space<vmem>>, vector<8x1xf32>,
    %eq3A_100 = arith.constant 9 : i32
    %eq3A_101 = arith.cmpi eq, %arg0, %eq3A_100 : i32
    %convert_element_type3A_102 = arith.extui %eq3A_101 : i1 to i32
    %cond3A_103 = arith.constant 0 : i32
    %cond3A_104 = arith.cmpi ne, %convert_element_type3A_102, %cond3A_103 : i32
    scf.if %cond3A_104 {
      %get3A_105 = arith.constant 0 : index
      %get3A_106 = arith.constant 0 : index
      %get3A_107 = vector.load %arg7[%get3A_105, %get3A_106] : memref<8x1xf32, #tpu.memory_space<vmem>>, vector<8x1xf32>
      %swap3A_108 = arith.constant 0 : index
      %swap3A_109 = arith.constant 0 : index
      %swap3A_110 = vector.load %arg6[%swap3A_108, %swap3A_109] : memref<8x2xf32, #tpu.memory_space<vmem>>, vector<8x1xf32>
      tpu.vector_store %arg6[%swap3A_108, %swap3A_109], %get3A_107 {strides = array<i32>} : memref<8x2xf32, #tpu.memory_space<vmem>>, vector<8x1xf32>,
      %get3A_111 = arith.constant 0 : index
      %get3A_112 = arith.constant 0 : index
      %get3A_113 = vector.load %arg8[%get3A_111, %get3A_112] : memref<8x1xf32, #tpu.memory_space<vmem>>, vector<8x1xf32>
      %swap3A_114 = arith.constant 0 : index
      %swap3A_115 = arith.constant 1 : index
      %swap3A_116 = vector.load %arg6[%swap3A_114, %swap3A_115] : memref<8x2xf32, #tpu.memory_space<vmem>>, vector<8x1xf32>
      tpu.vector_store %arg6[%swap3A_114, %swap3A_115], %get3A_113 {strides = array<i32>} : memref<8x2xf32, #tpu.memory_space<vmem>>, vector<8x1xf32>,
    } else {
    }
    return
  }
  func.func @transform_0(%arg0: i32, %arg1: memref<1xi32, #tpu.memory_space<smem>>) -> (i32, i32) {
    %get3A = arith.constant 0 : index
    %get3A_0 = memref.load %arg1[%get3A] : memref<1xi32, #tpu.memory_space<smem>>
    %jit3A = arith.constant 8 : i32
    %div3A = arith.divsi %get3A_0, %jit3A : i32
    %sign3A = arith.constant 0 : i32
    %sign3A_1 = arith.cmpi sgt, %get3A_0, %sign3A : i32
    %sign3A_2 = arith.extui %sign3A_1 : i1 to i32
    %sign3A_3 = arith.constant 0 : i32
    %sign3A_4 = arith.cmpi slt, %get3A_0, %sign3A_3 : i32
    %sign3A_5 = arith.extui %sign3A_4 : i1 to i32
    %sign3A_6 = arith.subi %sign3A_2, %sign3A_5 : i32
    %sign3A_7 = arith.constant 0 : i32
    %sign3A_8 = arith.cmpi sgt, %jit3A, %sign3A_7 : i32
    %sign3A_9 = arith.extui %sign3A_8 : i1 to i32
    %sign3A_10 = arith.constant 0 : i32
    %sign3A_11 = arith.cmpi slt, %jit3A, %sign3A_10 : i32
    %sign3A_12 = arith.extui %sign3A_11 : i1 to i32
    %sign3A_13 = arith.subi %sign3A_9, %sign3A_12 : i32
    %ne3A = arith.cmpi ne, %sign3A_6, %sign3A_13 : i32
    %rem3A = arith.remsi %get3A_0, %jit3A : i32
    %ne3A_14 = arith.constant 0 : i32
    %ne3A_15 = arith.cmpi ne, %rem3A, %ne3A_14 : i32
    %and3A = arith.andi %ne3A, %ne3A_15 : i1
    %sub3A = arith.constant 1 : i32
    %sub3A_16 = arith.subi %div3A, %sub3A : i32
    %select_n3A = arith.select %and3A, %sub3A_16, %div3A : i32
    %c0_i32 = arith.constant 0 : i32
    %c0_i32_17 = arith.constant 0 : i32
    return %select_n3A, %c0_i32 : i32, i32
  }
  func.func @transform_1(%arg0: i32, %arg1: memref<1xi32, #tpu.memory_space<smem>>) -> (i32, i32) {
    %get3A = arith.constant 0 : index
    %get3A_0 = memref.load %arg1[%get3A] : memref<1xi32, #tpu.memory_space<smem>>
    %jit3A = arith.constant 8 : i32
    %div3A = arith.divsi %get3A_0, %jit3A : i32
    %sign3A = arith.constant 0 : i32
    %sign3A_1 = arith.cmpi sgt, %get3A_0, %sign3A : i32
    %sign3A_2 = arith.extui %sign3A_1 : i1 to i32
    %sign3A_3 = arith.constant 0 : i32
    %sign3A_4 = arith.cmpi slt, %get3A_0, %sign3A_3 : i32
    %sign3A_5 = arith.extui %sign3A_4 : i1 to i32
    %sign3A_6 = arith.subi %sign3A_2, %sign3A_5 : i32
    %sign3A_7 = arith.constant 0 : i32
    %sign3A_8 = arith.cmpi sgt, %jit3A, %sign3A_7 : i32
    %sign3A_9 = arith.extui %sign3A_8 : i1 to i32
    %sign3A_10 = arith.constant 0 : i32
    %sign3A_11 = arith.cmpi slt, %jit3A, %sign3A_10 : i32
    %sign3A_12 = arith.extui %sign3A_11 : i1 to i32
    %sign3A_13 = arith.subi %sign3A_9, %sign3A_12 : i32
    %ne3A = arith.cmpi ne, %sign3A_6, %sign3A_13 : i32
    %rem3A = arith.remsi %get3A_0, %jit3A : i32
    %ne3A_14 = arith.constant 0 : i32
    %ne3A_15 = arith.cmpi ne, %rem3A, %ne3A_14 : i32
    %and3A = arith.andi %ne3A, %ne3A_15 : i1
    %sub3A = arith.constant 1 : i32
    %sub3A_16 = arith.subi %div3A, %sub3A : i32
    %select_n3A = arith.select %and3A, %sub3A_16, %div3A : i32
    %c0_i32 = arith.constant 0 : i32
    %c0_i32_17 = arith.constant 0 : i32
    return %select_n3A, %c0_i32 : i32, i32
  }
  func.func @transform_2(%arg0: i32, %arg1: memref<1xi32, #tpu.memory_space<smem>>) -> (i32, i32) {
    %c0_i32 = arith.constant 0 : i32
    %c0_i32_0 = arith.constant 0 : i32
    return %arg0, %c0_i32 : i32, i32
  }
  func.func @transform_3(%arg0: i32, %arg1: memref<1xi32, #tpu.memory_space<smem>>) -> (i32, i32) {
    %c0_i32 = arith.constant 0 : i32
    %c0_i32_0 = arith.constant 0 : i32
    return %arg0, %c0_i32 : i32, i32
  }
  func.func @transform_4(%arg0: i32, %arg1: memref<1xi32, #tpu.memory_space<smem>>) -> (i32, i32) {
    %c0_i32 = arith.constant 0 : i32
    %c0_i32_0 = arith.constant 0 : i32
    %c0_i32_1 = arith.constant 0 : i32
    return %c0_i32, %c0_i32_0 : i32, i32
  }
}

</mosaic_0001>

<sc_bundles>
// kernel: kernel.4.cloned.1.call-start
scs
__scs_entry_jumppad:
0x0: {  	(pc) =	sbr.rel $0x88, $3  }
0x1: {  	(tag) =	ssettag $0x0;
	lr =	simm.s32 $0x1  }
0x2: {  	[smem:$0x3F9D] =	sst lr;
	_ =	strace $0xD0000000  }
0x3: {  	_ = 	snop  }
0x4: {  	_ = 	snop  }
0x5: {  	_ = 	snop  }
0x6: {  	_ = 	snop  }
0x7: {  	_ = 	snop  }
__scs_overlays_trampoline_lowered:
0x8: {  	[smem:$0x3FAC] =	sst s0  }
0x9: {  	[smem:$0x3FAD] =	sst s1  }
0xa: {  	[smem:$0x3FAE] =	sst s2  }
0xb: {  	[smem:$0x3FAF] =	sst s3  }
0xc: {  	[smem:$0x3FB0] =	sst s4  }
0xd: {  	[smem:$0x3FB1] =	sst s5  }
0xe: {  	[smem:$0x3FB2] =	sst s6  }
0xf: {  	[smem:$0x3FB3] =	sst s7  }
0x10: {  	[smem:$0x3FB4] =	sst s8  }
0x11: {  	[smem:$0x3FB5] =	sst s9;
	s0 =	simm.s32 @!p0 $0x0  }
0x12: {  	s1 =	sld [smem:$0x3F9B];
	s0 =	simm.s32 @p0 $0x1  }
0x13: {  	[smem:$0x3FB6] =	sst s0;
	s0 =	simm.s32 @!p1 $0x0  }
0x14: {  	s2 =	sld [smem:$0x3F9A];
	s0 =	simm.s32 @p1 $0x1  }
0x15: {  	[smem:$0x3FB7] =	sst s0;
	s0 =	simm.s32 @!p2 $0x0  }
0x16: {  	s3 =	sld [smem:$0x3FDB];
	s0 =	simm.s32 @p2 $0x1  }
0x17: {  	s4 =	simm.s32 $0x1BF5;
	[smem:$0x3FB9] =	sst s0  }
0x18: {  	s0 =	sld [smem:$0x3F9C];
	_ =	swait.ge [sflag:s4], $0x0  }
0x19: {  	s7 =	sld [smem:$0x3F9D]  }
0x1a: {  	s8 =	sadd.s32 $0xFFFFE003, lr  }
0x1b: {  	s9 =	sadd.s32 $0xFFFFFEF7, lr;
	s5 =	simm.s32 $0xFFFFFFFF;
	p2 =	slt.u32 s8, $0xFFFFF086  }
0x1c: {  	p1 =	slt.u32 s9, $0xF7A;
	s5 =	simm.s32 @!p2 $0x0  }
0x1d: {  	s5 =	simm.s32 @p1 $0x1;
	p0 =	seq.s32 s7, s2  }
0x1e: {  	s7 =	smul.u32 @!p0 $0xF7A, s2;
	p2 =	seq.s32 @!p0 s5, $0x0  }
0x1f: {  	s9 =	smul.u32 $0xF7A, s1;
	s8 =	simm.s32 @!p0 $0x1BF5;
	p2 =	por !p2, p0  }
0x20: {  	[sflag:s8] =	ssyncset.s32 @!p0 $0xFFFFF086;
	s6 =	sadd.s32 @!p0 s3, s7;
	s7 =	simm.s32 @!p0 $0x108  }
0x21: {  	s3 =	sadd.s32 s3, s9;
	s6 =	sadd.s32 @!p0 $0x88, s6;
	s7 =	simm.s32 @p2 $0x1082  }
0x22: {  	[simem:s7], [sflag:s8] =	dma.local @!p0 [hbm:s6], $0xF7A  }
0x23: {  	s9 =	sor.u32 $0xD0000000, s2;
	s6 =	simm.s32 $0x108;
	_ =	swait.ge @!p0 [sflag:s8], $0x0  }
0x24: {  	s3 =	sadd.s32 $0x88, s3;
	s6 =	simm.s32 @!p1 $0x1082;
	[sflag:s4] =	ssyncset.s32 $0xFFFFF086  }
0x25: {  	[simem:s6], [sflag:s4] =	dma.local [hbm:s3], $0xF7A  }
0x26: {  	[smem:$0x3F9D] =	sst s1;
	(tag) =	ssettag s2;
	_ =	strace s9  }
0x27: {  	s1 =	sld [smem:$0x3FAD]  }
0x28: {  	s2 =	sld [smem:$0x3FAE]  }
0x29: {  	s4 =	sld [smem:$0x3FB0]  }
0x2a: {  	p0 =	seq.s32 s5, $0x0;
	s5 =	sld [smem:$0x3FB1]  }
0x2b: {  	s6 =	sld [smem:$0x3FB2]  }
0x2c: {  	s7 =	sld [smem:$0x3FB3]  }
0x2d: {  	s3 =	simm.s32 $0x108;
	s8 =	sld [smem:$0x3FB4]  }
0x2e: {  	s3 =	simm.s32 @!p0 $0x1082;
	s9 =	sld [smem:$0x3FB5]  }
0x2f: {  	lr =	sadd.s32 s0, s3;
	s0 =	sld [smem:$0x3FAC]  }
0x30: {  	s3 =	sld [smem:$0x3FAF]  }
0x31: {  	[smem:$0x3FB8] =	sst s10  }
0x32: {  	s10 =	sld [smem:$0x3FB6];
	_ =	sdelay $0x3  }
0x33: {  	p0 =	seq.s32 s10, $0x1;
	s10 =	sld [smem:$0x3FB8];
	_ =	sdelay $0x3  }
0x34: {  	[smem:$0x3FB8] =	sst s10  }
0x35: {  	s10 =	sld [smem:$0x3FB7];
	_ =	sdelay $0x3  }
0x36: {  	p1 =	seq.s32 s10, $0x1;
	s10 =	sld [smem:$0x3FB8];
	_ =	sdelay $0x3  }
0x37: {  	[smem:$0x3FB8] =	sst s10  }
0x38: {  	s10 =	sld [smem:$0x3FB9]  }
0x39: {  	_ = 	snop;
	(pc) =	sbr.ind lr, $3  }
0x3a: {  	_ = 	snop  }
0x3b: {  	_ = 	snop  }
0x3c: {  	p2 =	seq.s32 s10, $0x1;
	s10 =	sld [smem:$0x3FB8]  }
0x3d: {  	_ =	shalt  }
0x3e: {  	_ =	shalt  }
0x3f: {  	_ =	shalt  }
0x40: {  	_ =	shalt  }
0x41: {  	_ =	shalt  }
0x42: {  	_ =	shalt  }
0x43: {  	_ =	shalt  }
0x44: {  	_ =	shalt  }
0x45: {  	_ =	shalt  }
0x46: {  	_ =	shalt  }
0x47: {  	_ =	shalt  }
0x48: {  	_ =	shalt  }
0x49: {  	_ =	shalt  }
0x4a: {  	_ =	shalt  }
0x4b: {  	_ =	shalt  }
0x4c: {  	_ =	shalt  }
0x4d: {  	_ =	shalt  }
0x4e: {  	_ =	shalt  }
0x4f: {  	_ =	shalt  }
0x50: {  	_ =	shalt  }
0x51: {  	_ =	shalt  }
0x52: {  	_ =	shalt  }
0x53: {  	_ =	shalt  }
0x54: {  	_ =	shalt  }
0x55: {  	_ =	shalt  }
0x56: {  	_ =	shalt  }
0x57: {  	_ =	shalt  }
0x58: {  	_ =	shalt  }
0x59: {  	_ =	shalt  }
0x5a: {  	_ =	shalt  }
0x5b: {  	_ =	shalt  }
0x5c: {  	_ =	shalt  }
0x5d: {  	_ =	shalt  }
0x5e: {  	_ =	shalt  }
0x5f: {  	_ =	shalt  }
0x60: {  	_ =	shalt  }
0x61: {  	_ =	shalt  }
0x62: {  	_ =	shalt  }
0x63: {  	_ =	shalt  }
0x64: {  	_ =	shalt  }
0x65: {  	_ =	shalt  }
0x66: {  	_ =	shalt  }
0x67: {  	_ =	shalt  }
0x68: {  	_ =	shalt  }
0x69: {  	_ =	shalt  }
0x6a: {  	_ =	shalt  }
0x6b: {  	_ =	shalt  }
0x6c: {  	_ =	shalt  }
0x6d: {  	_ =	shalt  }
0x6e: {  	_ =	shalt  }
0x6f: {  	_ =	shalt  }
0x70: {  	_ =	shalt  }
0x71: {  	_ =	shalt  }
0x72: {  	_ =	shalt  }
0x73: {  	_ =	shalt  }
0x74: {  	_ =	shalt  }
0x75: {  	_ =	shalt  }
0x76: {  	_ =	shalt  }
0x77: {  	_ =	shalt  }
0x78: {  	_ =	shalt  }
0x79: {  	_ =	shalt  }
0x7a: {  	_ =	shalt  }
0x7b: {  	_ =	shalt  }
0x7c: {  	_ =	shalt  }
0x7d: {  	_ =	shalt  }
0x7e: {  	_ =	shalt  }
0x7f: {  	_ =	shalt  }
0x80: {  	_ =	shalt  }
0x81: {  	_ =	shalt  }
0x82: {  	_ =	shalt  }
0x83: {  	_ =	shalt  }
0x84: {  	_ =	shalt  }
0x85: {  	_ =	shalt  }
0x86: {  	_ =	shalt  }
0x87: {  	_ =	shalt  }
.Lfunc_end0:
.L_simem_size_0:
called_computation_lowered:
.L_overlay_start_0:
0x88: {  	s0 =	sld [smem:$0x3FD9]  }
0x89: {  	s1 =	sld [smem:$0x3FFE];
	_ =	sdelay $0x3  }
0x8a: {  	s0 =	sadd.s32 s1, s0  }
0x8b: {  	[smem:$0x3FC4] =	sst s0  }
0x8c: {  	_ = 	snop  }
0x8d: {  	s0 =	sld [smem:$0x3FC9]  }
0x8e: {  	s16 =	sld [smem:$0x3FC8]  }
0x8f: {  	s2 =	sld [smem:$0x3FC6];
	(tm) =	ssettm $0x1  }
0x90: {  	s3 =	sld [smem:$0x3FFB];
	_ =	sdelay $0x3  }
0x91: {  	_ =	strace s3  }
0x92: {  	s3 =	sld [smem:$0x3FFC];
	_ =	sdelay $0x3  }
0x93: {  	_ =	strace s3  }
0x94: {  	s3 =	sld [smem:$0x3FFD];
	_ =	sdelay $0x3  }
0x95: {  	_ =	strace s3  }
0x96: {  	_ =	strace $0x8FFFFFFF  }
0x97: {  	s17 =	sld [smem:$0x3FDB];
	_ =	sdelay $0x1  }
0x98: {  	s4 =	simm.s32 $_scs_section_size  }
0x99: {  	s5 =	simm.s32 $_size__tile_overlayer_lowered;
	s6 =	simm.s32 $_tile_overlayer_lowered  }
0x9a: {  	s20 =	simm.s32 $0x1BFF;
	s19 =	sshll.u32 s6, $0x1;
	s3 =	sadd.s32 s4, s17  }
0x9b: {  	s7 =	simm.s32 $0x0;
	s18 =	sshll.u32 s5, $0x1;
	s5 =	sadd.s32 s19, s3  }
0x9c: {  	[timem:s7], [sflag:s20] =	dma.local [hbm:s5], s18  }
0x9d: {  	_ =	swait.ge [sflag:s20], s18  }
0x9e: {  	s4 =	ssub.s32 $0x0, s18;
	[sflag:s20] =	ssyncset.done $0x0  }
0x9f: {  	[sflag:s20] =	ssyncadd.s32 s4;
	_ =	sdelay $0x1  }
0xa0: {  	s21 =	simm.s32 $0x1B8B  }
0xa1: {  	_ =	swait.ge [sflag:s21], $0x1  }
0xa2: {  	[sflag:s21] =	ssyncset.done $0x0  }
0xa3: {  	s23 =	simm.s32 $0x1B8E;
	s22 =	sld [smem:$0x3FFE];
	[sflag:s21] =	ssyncadd.s32 $0xFFFFFFFF  }
0xa4: {  	s24 =	simm.s32 $execute0_lowered;
	[smem:$0x3FD2] =	sst s23  }
0xa5: {  	s5 =	sshll.u32 s24, $0x1;
	_ =	strace $0x80000046;
	[dreg:$0x1] =	wrdreg $0xFFFFFFFF  }
0xa6: {  	s25 =	simm.s32 $_size_execute0_lowered;
	s3 =	sadd.s32 s3, s5;
	[dreg:$0x0] =	wrdreg $0x0  }
0xa7: {  	s5 =	sshll.u32 s25, $0x1;
	[dreg:$0x2] =	wrdreg s3  }
0xa8: {  	[dreg:$0x3] =	wrdreg s5  }
0xa9: {  	[dreg:$0x4] =	wrdreg $0xC0  }
0xaa: {  	_ =	task [dreg:s7], $0x5FFFF  }
0xab: {  	[dreg:$0x1] =	wrdreg $0xFFFFFFFF  }
0xac: {  	[dreg:$0x0] =	wrdreg $0x60  }
0xad: {  	[dreg:$0x2] =	wrdreg s0  }
0xae: {  	[dreg:$0x3] =	wrdreg s16  }
0xaf: {  	[dreg:$0x4] =	wrdreg s2  }
0xb0: {  	[dreg:$0x5] =	wrdreg s22  }
0xb1: {  	[dreg:$0x6] =	wrdreg $0x43F00  }
0xb2: {  	[dreg:$0x7] =	wrdreg $0x2B800  }
0xb3: {  	[dreg:$0x8] =	wrdreg $0x9  }
0xb4: {  	_ =	task.clear_ibuf [dreg:s7], $0x9FFFF;
	_ =	strace $0x90000046  }
0xb5: {  	s26 =	simm.s32 $0x9;
	_ =	strace $0x80000048  }
0xb6: {  	_ =	swait.ge [sflag:s26], $0x1  }
0xb7: {  	[sflag:s26] =	ssyncadd.s32 $0xFFFFFFFF  }
0xb8: {  	_ =	strace $0x90000048  }
0xb9: {  	_ =	sfence  }
0xba: {  	s28 =	sld [smem:$0x0];
	_ =	sdelay $0x1  }
0xbb: {  	s29 =	srdreg.scid  }
0xbc: {  	s30 =	sshll.u32 s29, $0xD;
	s31 =	sshrl.u32 s29, $0x2  }
0xbd: {  	s1 =	sand.u32 $0x1, s29;
	s2 =	sand.u32 $0x4000, s30;
	s0 =	sadd.s32 s31, s28  }
0xbe: {  	s1 =	sor.u32 s2, s1;
	s0 =	sshll.u32 s0, $0x11  }
0xbf: {  	s0 =	sor.u32 s0, s1  }
0xc0: {  	s0 =	sadd.s32 $0x8F2B, s0  }
0xc1: {  	[sflag:s0] =	ssyncadd.remote.s32 $0x1  }
0xc2: {  	_ =	sfence.sel $0xFFFF  }
0xc3: {  	[dreg:$0x0] =	wrdreg $0xFFFFFFFF;
	(pc) =	sbr.abs _section_cstart, $3  }
0xc4: {  	[dreg:$0x1] =	wrdreg $0xFFFFFFFF  }
0xc5: {  	_ =	task.clear_ibuf [dreg:s7], $0x2FFFF;
	_ =	strace $0x9FFFFFFF  }
0xc6: {  	(tm) =	ssettm $0x7FFFFFFF  }
0xc7: {  	_ =	shalt  }
tec
execute0_lowered:
.L_overlay_start_1:
0x0: {  	(tag) =	ssettag $0x1  }
0x1: {  	s6 =	rddreg [dreg:$0x0]  }
0x2: {  	s7 =	rddreg [dreg:$0x1]  }
0x3: {  	s5 =	rddreg [dreg:$0x2]  }
0x4: {  	s3 =	rddreg [dreg:$0x3]  }
0x5: {  	s1 =	rddreg [dreg:$0x4]  }
0x6: {  	s8 =	rddreg [dreg:$0x5]  }
0x7: {  	s0 =	rddreg [dreg:$0x6];
	s4 =	simm.s32 $0x0;
	s2 =	stileid.u32  }
0x8: {  	[smem:$0x7FF] =	sst s4;
	s9 =	sshll.u32 s2, $0x2  }
0x9: {  	s15 =	simm.s32 $0x3;
	_ =	strace $0x80000047;
	s5 =	sadd.s32 s5, s9  }
0xa: {  	[tilespmem:s4], [sflag:$0x3] =	stream.linear.gather [hbm4b:s5+s4], $0x20, $0x38;
	[tilespmem:$0x4400] =	vst v63  }
0xb: {  	_ =	swait.ge [sflag:s15], $0x20  }
0xc: {  	v25 =	vlaneseq.u32;
	s16 =	sshll.u32 s2, $0x5;
	[sflag:s15] =	ssyncset.done $0x0  }
0xd: {  	v1 =	vor.u32 s16, v25;
	s10 =	sor.u32 $0x10, s16;
	[sflag:s15] =	ssyncadd.s32 $0xFFFFFFE0  }
0xe: {  	v0 =	vor.u32 s10, v25;
	[tilespmem:$0x80] =	vst v1  }
0xf: {  	s17 =	simm.s32 $0x20;
	s11 =	simm.s32 $0x100;
	[tilespmem:$0x90] =	vst v0  }
0x10: {  	[tilespmem:s11], [sflag:$0x1] =	stream.indirect.gather [hbm4b:s6+s17], $0x80, s4, s17, $0xb8;
	[tilespmem:$0x4400] =	vst v63  }
0x11: {  	s18 =	simm.s32 $0x1100  }
0x12: {  	[tilespmem:s18], [sflag:$0x2] =	stream.indirect.gather [hbm4b:s7+s17], $0x80, s4, s17, $0xb8;
	[tilespmem:$0x4400] =	vst v63  }
0x13: {  	s19 =	simm.s32 $0x80;
	[tilespmem:$0x1FED0] =	vst v1  }
0x14: {  	[spmem:s8] =	stream.indirect.scatter [tilespmem:s19], [sflag:$0x3], $0x1, s4, s17, $0xb8;
	[tilespmem:$0x4400] =	vst v63  }
0x15: {  	_ =	swait.ge [sflag:s15], $0x20  }
0x16: {  	[sflag:s15] =	ssyncset.done $0x0  }
0x17: {  	s20 =	simm.s32 $0x2B00;
	[sflag:s15] =	ssyncadd.s32 $0xFFFFFFE0  }
0x18: {  	[tilespmem:s20], [sflag:$0x3] =	stream.linear.gather [hbm4b:s3+s4], $0x80, $0x38;
	[tilespmem:$0x4400] =	vst v63  }
0x19: {  	_ =	swait.ge [sflag:s15], $0x80  }
0x1a: {  	[sflag:s15] =	ssyncset.done $0x0  }
0x1b: {  	[sflag:s15] =	ssyncadd.s32 $0xFFFFFF80  }
0x1c: {  	v0 =	vld [tilespmem:$0x2B00];
	_ =	sdelay $0x4  }
0x1d: {  	(v2sf) =	vpush v0, $0x0;
	_ =	sdelay $0xe  }
0x1e: {  	s21 =	spop (v2sf)  }
0x1f: {  	s11 =	sshll.u32 s21, $0x4  }
0x20: {  	s11 =	sand.u32 $0x1FFFFFF0, s11  }
0x21: {  	s12 =	simm.s32 $0x2100;
	[tilespmem:$0x1FEE0] =	vst v0;
	s6 =	sadd.s32 s6, s11  }
0x22: {  	[tilespmem:s12], [sflag:$0x3] =	stream.linear.gather [hbm4b:s6+s4], $0x80, $0x38;
	[tilespmem:$0x4400] =	vst v63  }
0x23: {  	_ =	swait.ge [sflag:s15], $0x80  }
0x24: {  	[sflag:s15] =	ssyncset.done $0x0  }
0x25: {  	s23 =	simm.s32 $0x2180;
	s22 =	sadd.s32 s7, s11;
	[sflag:s15] =	ssyncadd.s32 $0xFFFFFF80  }
0x26: {  	[tilespmem:s23], [sflag:$0x3] =	stream.linear.gather [hbm4b:s22+s4], $0x80, $0x38;
	[tilespmem:$0x4400] =	vst v63  }
0x27: {  	_ =	swait.ge [sflag:s15], $0x80  }
0x28: {  	[sflag:s15] =	ssyncset.done $0x0  }
0x29: {  	[sflag:s15] =	ssyncadd.s32 $0xFFFFFF80  }
0x2a: {  	s24 =	simm.s32 $0x2200;
	[bflag:$0x0] =	sbarrier.arrive $0xFFFF  }
0x2b: {  	[tilespmem:s24], [sflag:$0x3] =	stream.indirect.gather [spmem:s8], $0x1, s4, s17, $0xb8;
	[tilespmem:$0x4400] =	vst v63  }
0x2c: {  	_ =	swait.ge [sflag:s15], $0x20  }
0x2d: {  	[sflag:s15] =	ssyncset.done $0x0  }
0x2e: {  	s25 =	simm.s32 $0x1;
	[sflag:s15] =	ssyncadd.s32 $0xFFFFFFE0  }
0x2f: {  	_ =	swait.ge [sflag:s25], $0x1000  }
0x30: {  	[sflag:s25] =	ssyncset.done $0x0  }
0x31: {  	s26 =	simm.s32 $0x2;
	[sflag:s25] =	ssyncadd.s32 $0xFFFFF000  }
0x32: {  	_ =	swait.ge [sflag:s26], $0x1000  }
0x33: {  	[sflag:s26] =	ssyncset.done $0x0  }
0x34: {  	[sflag:s26] =	ssyncadd.s32 $0xFFFFF000  }
0x35: {  	v8 =	vld [tilespmem:$0x2100]  }
0x36: {  	v3 =	vld [tilespmem:$0x2180]  }
0x37: {  	v10 =	vld [tilespmem:$0x2110]  }
0x38: {  	v11 =	vld [tilespmem:$0x2190]  }
0x39: {  	v12 =	vld [tilespmem:$0x2120]  }
0x3a: {  	v5 =	vld [tilespmem:$0x21A0]  }
0x3b: {  	v6 =	vld [tilespmem:$0x2130]  }
0x3c: {  	v9 =	vld [tilespmem:$0x2140]  }
0x3d: {  	s29 =	simm.s32 $0x1140;
	v0 =	vld [tilespmem:$0x21C0]  }
0x3e: {  	s28 =	simm.s32 $0x140;
	v34 =	vld [tilespmem:s29+$0x30]  }
0x3f: {  	v22 =	vimm.s32 $0xFEDCBA98;
	v24 =	vimm.s32 $0x76543210;
	v62 =	vld [tilespmem:s28+$0xFFFFFFC0]  }
0x40: {  	v26 =	vimm.s32 $0x32107654;
	v35 =	vld [tilespmem:s29+$0xFFFFFFC0];
	v1 =	vmul.f32 v8, v8;
	v2 =	vmul.f32 v3, v3  }
0x41: {  	v29 =	vimm.s32 $0xEFCDAB89;
	v36 =	vld [tilespmem:s29+$0x0];
	v4 =	vmul.f32 v3, v8;
	v14 =	vmul.f32 v10, v10  }
0x42: {  	v22 =	vunpack.c.l.s4.s8 v22;
	v40 =	vld [tilespmem:s29+$0xFFFFFFD0];
	v15 =	vmul.f32 v11, v11;
	v16 =	vmul.f32 v11, v10  }
0x43: {  	v30 =	vimm.s32 $0x67452301;
	v43 =	vld [tilespmem:s29+$0xFFFFFFE0];
	v17 =	vmul.f32 v12, v12;
	v18 =	vmul.f32 v5, v5  }
0x44: {  	v22 =	vunpack.c.0.s8.s32 v22;
	v7 =	vld [tilespmem:$0x21B0];
	v19 =	vmul.f32 v5, v12;
	v20 =	vmul.f32 v9, v9  }
0x45: {  	v26 =	vunpack.c.l.s4.s8 v26;
	v47 =	vld [tilespmem:s28+$0xFFFFFFE0];
	v21 =	vmul.f32 v0, v0;
	v41 =	vmul.f32 v34, v34  }
0x46: {  	v22 =	vand.u32 $0xF, v22;
	v52 =	vld [tilespmem:s28+$0xFFFFFFF0];
	v45 =	vmul.f32 v62, v8;
	v48 =	vmul.f32 v35, v8  }
0x47: {  	v51 =	vmul.f32 v62, v3;
	v53 =	vmul.f32 v40, v10;
	v1 =	vadd.f32 v14, v1  }
0x48: {  	v13 =	vld [tilespmem:$0x2150];
	v55 =	vmul.f32 v36, v9;
	v63 =	vmul.f32 v43, v12;
	v2 =	vadd.f32 v15, v2  }
0x49: {  	v4 =	vadd.f32 $0.0e+00, v4;
	v14 =	vld [tilespmem:$0x21D0];
	v1 =	vadd.f32 v17, v1;
	v17 =	vmul.f32 v6, v6  }
0x4a: {  	v54 =	vld [tilespmem:s29+$0xFFFFFFF0];
	v56 =	vmul.f32 v47, v12;
	v2 =	vadd.f32 v18, v2;
	v18 =	vmul.f32 v7, v7  }
0x4b: {  	v57 =	vmul.f32 v52, v7;
	v15 =	vld [tilespmem:$0x2160];
	v4 =	vadd.f32 v16, v4;
	v1 =	vadd.f32 v17, v1  }
0x4c: {  	v58 =	vmul.f32 v52, v6;
	v52 =	vmul.f32 v52, v52;
	v16 =	vld [tilespmem:$0x21E0];
	v2 =	vadd.f32 v18, v2  }
0x4d: {  	v4 =	vadd.f32 v19, v4;
	v19 =	vmul.f32 v7, v6;
	v1 =	vadd.f32 v20, v1  }
0x4e: {  	v2 =	vadd.f32 v21, v2;
	v20 =	vmul.f32 v13, v13;
	v21 =	vmul.f32 v14, v14  }
0x4f: {  	v59 =	vmul.f32 v54, v6;
	v17 =	vmovc v0;
	v4 =	vadd.f32 v19, v4;
	v19 =	vmul.f32 v0, v9;
	v0 =	vld [tilespmem:$0x2170]  }
0x50: {  	v1 =	vadd.f32 v20, v1;
	v2 =	vadd.f32 v21, v2;
	v21 =	vmul.f32 v15, v15  }
0x51: {  	v23 =	vmul.f32 v16, v16;
	v4 =	vadd.f32 v19, v4;
	v20 =	vmul.f32 v14, v13  }
0x52: {  	v45 =	vadd.f32 $0.0e+00, v45;
	v18 =	vld [tilespmem:$0x21F0];
	v1 =	vadd.f32 v21, v1;
	v21 =	vunpack.c.l.s4.s8 v24  }
0x53: {  	v31 =	vld [tilespmem:s29+$0x20];
	v28 =	vmul.f32 v16, v15;
	v4 =	vadd.f32 v20, v4;
	v2 =	vadd.f32 v23, v2  }
0x54: {  	v24 =	vimm.s32 $0xBA98FEDC;
	v23 =	vmul.f32 v0, v0;
	v21 =	vunpack.c.0.s8.s32 v21  }
0x55: {  	v33 =	vld [tilespmem:s28+$0x20];
	v48 =	vadd.f32 $0.0e+00, v48;
	v24 =	vunpack.c.l.s4.s8 v24;
	v4 =	vadd.f32 v28, v4  }
0x56: {  	v1 =	vadd.f32 v23, v1;
	v23 =	vunpack.c.0.s8.s32 v26;
	v27 =	vcombine.low v22, v21  }
0x57: {  	v21 =	vmul.f32 v18, v18;
	v22 =	vunpack.c.0.s8.s32 v24;
	v24 =	vmul.f32 v18, v0  }
0x58: {  	v51 =	vadd.f32 $0.0e+00, v51;
	v39 =	vmul.f32 v31, v15;
	v26 =	vperm.xlane v1, v27  }
0x59: {  	v2 =	vadd.f32 v21, v2;
	v21 =	vcombine.low v23, v22;
	v4 =	vadd.f32 v24, v4  }
0x5a: {  	v44 =	vmul.f32 v33, v16;
	v22 =	vimm.s32 $0x54761032;
	v1 =	vadd.f32 v26, v1  }
0x5b: {  	v26 =	vand.u32 $0xF, v21;
	v21 =	vimm.s32 $0xDCFE98BA;
	v28 =	vperm.xlane v4, v27  }
0x5c: {  	v50 =	vmul.f32 v36, v17;
	v22 =	vunpack.c.l.s4.s8 v22;
	v21 =	vunpack.c.l.s4.s8 v21  }
0x5d: {  	v36 =	vmul.f32 v36, v36;
	v24 =	vperm.xlane v2, v27;
	v4 =	vadd.f32 v28, v4  }
0x5e: {  	v22 =	vunpack.c.0.s8.s32 v22;
	v23 =	vperm.xlane v1, v26;
	v21 =	vunpack.c.0.s8.s32 v21  }
0x5f: {  	v20 =	vmovc v0;
	v2 =	vadd.f32 v24, v2;
	v24 =	vunpack.c.l.s4.s8 v30;
	v30 =	vperm.xlane v4, v26  }
0x60: {  	v42 =	vmul.f32 v34, v20;
	v21 =	vcombine.low v22, v21;
	v22 =	vunpack.c.l.s4.s8 v29  }
0x61: {  	v49 =	vld [tilespmem:s28+$0x10];
	v1 =	vadd.f32 v23, v1;
	v29 =	vperm.xlane v2, v26;
	v4 =	vadd.f32 v30, v4  }
0x62: {  	v23 =	vunpack.c.0.s8.s32 v24;
	v30 =	vld [tilespmem:s28+$0xFFFFFFD0];
	v22 =	vunpack.c.0.s8.s32 v22;
	v28 =	vand.u32 $0xF, v21  }
0x63: {  	v34 =	vmul.f32 v34, v18;
	v2 =	vadd.f32 v29, v2;
	v32 =	vperm.xlane v4, v28  }
0x64: {  	v48 =	vadd.f32 v53, v48;
	v21 =	vperm.xlane v1, v28;
	v22 =	vcombine.low v23, v22  }
0x65: {  	v24 =	vperm.xlane v2, v28;
	v0 =	vadd.f32 v32, v4;
	v32 =	vmul.f32 v62, v62  }
0x66: {  	v19 =	vadd.f32 v21, v1;
	v4 =	vmul.f32 v47, v5;
	v47 =	vmul.f32 v47, v47  }
0x67: {  	v62 =	vmul.f32 v49, v49;
	v29 =	vand.u32 $0xF, v22;
	v38 =	vmul.f32 v30, v10  }
0x68: {  	v1 =	vadd.f32 v24, v2;
	v37 =	vmul.f32 v30, v11;
	v30 =	vmul.f32 v30, v30  }
0x69: {  	v61 =	vperm.xlane v19, v29;
	[tilespmem:$0x1FF30] =	vst v0;
	v0 =	vperm.xlane v0, v29;
	v38 =	vadd.f32 v38, v45  }
0x6a: {  	[tilespmem:$0x1FF10] =	vst v1;
	v1 =	vperm.xlane v1, v29;
	v30 =	vadd.f32 v30, v32;
	v37 =	vadd.f32 v37, v51  }
0x6b: {  	v2 =	vld [tilespmem:s28+$0x0];
	v32 =	vadd.f32 v63, v48;
	v48 =	vmul.f32 v49, v13;
	v49 =	vmul.f32 v49, v14;
	[tilespmem:$0x1FF00] =	vst v61  }
0x6c: {  	[tilespmem:$0x1FF40] =	vst v0;
	v0 =	vmov s16;
	v61 =	vmul.f32 v35, v3;
	v35 =	vmul.f32 v35, v35  }
0x6d: {  	v38 =	vadd.f32 v56, v38;
	v37 =	vadd.f32 v4, v37;
	v4 =	vmul.f32 v40, v11  }
0x6e: {  	s30 =	simm.s32 $0x1C0;
	v45 =	vld [tilespmem:s29+$0x10];
	v32 =	vadd.f32 v59, v32;
	v56 =	vmul.f32 v33, v33;
	v59 =	vmul.f32 v54, v7  }
0x6f: {  	v53 =	vld [tilespmem:s30+$0xFFFFFFD0];
	v30 =	vadd.f32 v47, v30;
	v40 =	vmul.f32 v40, v40;
	v33 =	vmul.f32 v33, v15  }
0x70: {  	v46 =	vmul.f32 v2, v17;
	v60 =	vmul.f32 v2, v2;
	v63 =	vadd.f32 $0.0e+00, v61  }
0x71: {  	v2 =	vmul.f32 v2, v9;
	v37 =	vadd.f32 v57, v37;
	v30 =	vadd.f32 v52, v30  }
0x72: {  	v38 =	vadd.f32 v58, v38;
	v57 =	vmul.f32 v43, v5;
	v32 =	vadd.f32 v55, v32  }
0x73: {  	v35 =	vadd.f32 v40, v35;
	v47 =	vmul.f32 v45, v13;
	v30 =	vadd.f32 v60, v30  }
0x74: {  	v52 =	vld [tilespmem:s28+$0x30];
	v40 =	vmul.f32 v53, v10;
	v2 =	vadd.f32 v2, v38;
	v38 =	vadd.f32 v4, v63  }
0x75: {  	v37 =	vadd.f32 v46, v37;
	v60 =	vmul.f32 v45, v45;
	v32 =	vadd.f32 v47, v32  }
0x76: {  	v63 =	vmul.f32 v45, v14;
	v30 =	vadd.f32 v62, v30;
	v38 =	vadd.f32 v57, v38  }
0x77: {  	v2 =	vadd.f32 v48, v2;
	v37 =	vadd.f32 v49, v37;
	v62 =	vmul.f32 v43, v43  }
0x78: {  	v49 =	vmul.f32 v54, v54;
	v32 =	vadd.f32 v39, v32;
	v30 =	vadd.f32 v56, v30  }
0x79: {  	v58 =	vmul.f32 v52, v52;
	v38 =	vadd.f32 v59, v38;
	v37 =	vadd.f32 v44, v37  }
0x7a: {  	v61 =	vmul.f32 v52, v18;
	v35 =	vadd.f32 v62, v35;
	v2 =	vadd.f32 v33, v2  }
0x7b: {  	v52 =	vmul.f32 v52, v20;
	v32 =	vadd.f32 v42, v32;
	v30 =	vadd.f32 v58, v30  }
0x7c: {  	v38 =	vadd.f32 v50, v38;
	v50 =	vmul.f32 v31, v16;
	v37 =	vadd.f32 v61, v37  }
0x7d: {  	v42 =	vld [tilespmem:s30+$0x0];
	v35 =	vadd.f32 v49, v35;
	v2 =	vadd.f32 v52, v2;
	v62 =	vperm.xlane v32, v27  }
0x7e: {  	v31 =	vmul.f32 v31, v31;
	v4 =	vperm.xlane v30, v27;
	v38 =	vadd.f32 v63, v38  }
0x7f: {  	v43 =	vld [tilespmem:s30+$0xFFFFFFC0];
	v55 =	vadd.f32 v36, v35;
	v56 =	vperm.xlane v37, v27;
	v32 =	vadd.f32 v62, v32  }
0x80: {  	v63 =	vmov s4;
	v38 =	vadd.f32 v50, v38;
	v51 =	vadd.f32 v4, v30  }
0x81: {  	s31 =	simm.s32 $0x11C0;
	v52 =	vld [tilespmem:s30+$0xFFFFFFE0];
	v58 =	vadd.f32 v60, v55;
	v35 =	vadd.f32 v56, v37;
	v60 =	vperm.xlane v2, v27  }
0x82: {  	v30 =	vld [tilespmem:s31+$0x20];
	v45 =	vmul.f32 v42, v17;
	v34 =	vadd.f32 v34, v38;
	v57 =	vperm.xlane v51, v26  }
0x83: {  	v50 =	vld [tilespmem:s31+$0xFFFFFFD0];
	v31 =	vadd.f32 v31, v58;
	v38 =	vmul.f32 v53, v11;
	v56 =	vperm.xlane v35, v26  }
0x84: {  	v2 =	vadd.f32 v60, v2;
	v58 =	vmul.f32 v43, v8;
	v60 =	vmul.f32 v43, v3  }
0x85: {  	v49 =	vld [tilespmem:s31+$0xFFFFFFC0];
	vm0 =	veq.s32 v63, v25;
	v43 =	vmul.f32 v43, v43;
	v59 =	vperm.xlane v34, v27  }
0x86: {  	v33 =	vld [tilespmem:s31+$0x30];
	v36 =	vadd.f32 v57, v51;
	v61 =	vadd.f32 v41, v31;
	v4 =	vperm.xlane v2, v26  }
0x87: {  	v44 =	vld [tilespmem:s30+$0xFFFFFFF0];
	v41 =	vmul.f32 v53, v53;
	v48 =	vadd.f32 $0.0e+00, v60;
	v60 =	vmul.f32 v52, v12  }
0x88: {  	v51 =	vld [tilespmem:s31+$0xFFFFFFE0];
	v35 =	vadd.f32 v56, v35;
	v47 =	vmul.f32 v30, v15;
	v62 =	vmul.f32 v50, v10  }
0x89: {  	v56 =	vld [tilespmem:s31+$0xFFFFFFF0];
	v31 =	vperm.xlane v36, v28;
	v54 =	vperm.xlane v61, v27;
	v37 =	vadd.f32 v59, v34  }
0x8a: {  	v2 =	vadd.f32 v4, v2;
	v59 =	vmul.f32 v49, v8;
	v63 =	vperm.xlane v35, v28  }
0x8b: {  	v38 =	vadd.f32 v38, v48;
	v36 =	vadd.f32 v31, v36;
	v31 =	vmul.f32 v33, v33  }
0x8c: {  	v39 =	vadd.f32 v54, v61;
	v46 =	vadd.f32 $0.0e+00, v59;
	v59 =	vmul.f32 v52, v5  }
0x8d: {  	v35 =	vadd.f32 v63, v35;
	v63 =	vmul.f32 v44, v7;
	v53 =	vperm.xlane v37, v26  }
0x8e: {  	v61 =	vadd.f32 $0.0e+00, v58;
	v4 =	vmul.f32 v51, v12;
	v58 =	vmul.f32 v56, v6  }
0x8f: {  	v41 =	vadd.f32 v41, v43;
	v55 =	vperm.xlane v36, v29;
	v57 =	vperm.xlane v39, v26  }
0x90: {  	v46 =	vadd.f32 v62, v46;
	v62 =	vperm.xlane v32, v26;
	v38 =	vadd.f32 v59, v38  }
0x91: {  	v59 =	vmul.f32 v42, v9;
	v37 =	vadd.f32 v53, v37;
	v34 =	vadd.f32 v55, v36  }
0x92: {  	v42 =	vmul.f32 v42, v42;
	v36 =	vadd.f32 v57, v39;
	v39 =	vadd.f32 v40, v61  }
0x93: {  	v46 =	vadd.f32 v4, v46;
	v61 =	vperm.xlane v35, v29;
	v4 =	vmul.f32 v44, v6  }
0x94: {  	v54 =	vld [tilespmem:s30+$0x20];
	v57 =	vmul.f32 v52, v52;
	v38 =	vadd.f32 v63, v38;
	v32 =	vadd.f32 v62, v32  }
0x95: {  	v40 =	vld [tilespmem:s31+$0x0];
	v44 =	vmul.f32 v44, v44;
	v62 =	vmul.f32 v49, v3;
	v39 =	vadd.f32 v60, v39  }
0x96: {  	v52 =	vld [tilespmem:s30+$0x10];
	v49 =	vmul.f32 v49, v49;
	v55 =	vadd.f32 v61, v35;
	v41 =	vadd.f32 v57, v41  }
0x97: {  	v48 =	vperm.xlane v36, v28;
	v43 =	vadd.f32 v58, v46;
	v60 =	vperm.xlane v32, v28  }
0x98: {  	v61 =	vperm.xlane v2, v28;
	v38 =	vadd.f32 v45, v38;
	v39 =	vadd.f32 v4, v39  }
0x99: {  	v32 =	vadd.f32 v60, v32;
	v4 =	vmul.f32 v50, v11;
	v60 =	vmul.f32 v51, v5  }
0x9a: {  	[tilespmem:$0x1FF90] =	vst v5;
	v45 =	vadd.f32 v48, v36;
	v36 =	vmul.f32 v33, v20;
	v5 =	vmul.f32 v54, v16  }
0x9b: {  	v41 =	vadd.f32 v44, v41;
	v35 =	vmul.f32 v40, v9;
	v63 =	vmul.f32 v52, v52  }
0x9c: {  	v57 =	vld [tilespmem:s30+$0x30];
	v44 =	vadd.f32 v61, v2;
	v58 =	vmul.f32 v52, v13;
	v61 =	vmul.f32 v52, v14  }
0x9d: {  	v2 =	vadd.f32 $0.0e+00, v62;
	v52 =	vmul.f32 v40, v17;
	v48 =	vmul.f32 v40, v40  }
0x9e: {  	v39 =	vadd.f32 v59, v39;
	v41 =	vadd.f32 v42, v41;
	v59 =	vmul.f32 v54, v54  }
0x9f: {  	v2 =	vadd.f32 v4, v2;
	v62 =	vperm.xlane v32, v29;
	v4 =	vmul.f32 v56, v7  }
0xa0: {  	v42 =	vld [tilespmem:s31+$0x10];
	v56 =	vmul.f32 v56, v56;
	v35 =	vadd.f32 v35, v43;
	v38 =	vadd.f32 v61, v38  }
0xa1: {  	v61 =	vmul.f32 v57, v18;
	v41 =	vadd.f32 v63, v41;
	v53 =	vadd.f32 v58, v39  }
0xa2: {  	v63 =	vmul.f32 v57, v57;
	v2 =	vadd.f32 v60, v2;
	v39 =	vadd.f32 v62, v32  }
0xa3: {  	v60 =	vperm.xlane v37, v28;
	v38 =	vadd.f32 v5, v38;
	v5 =	vmul.f32 v33, v18  }
0xa4: {  	[tilespmem:$0x1FF60] =	vst v6;
	v41 =	vadd.f32 v59, v41;
	v2 =	vadd.f32 v4, v2;
	v4 =	vmul.f32 v50, v50  }
0xa5: {  	[tilespmem:$0x1FF70] =	vst v9;
	v43 =	vadd.f32 v60, v37;
	v60 =	vmul.f32 v30, v16;
	v59 =	vmul.f32 v42, v13  }
0xa6: {  	[tilespmem:$0x1FF80] =	vst v3;
	v46 =	vmul.f32 v42, v42;
	v37 =	vadd.f32 v61, v38;
	v61 =	vmul.f32 v51, v51  }
0xa7: {  	[tilespmem:$0x1FFA0] =	vst v7;
	v38 =	vimm.f32 $0.0e+00;
	v2 =	vadd.f32 v52, v2;
	v52 =	vmul.f32 v54, v15  }
0xa8: {  	[tilespmem:$0x1FFB0] =	vst v13;
	v58 =	vadd.f32 v63, v41;
	v63 =	vmul.f32 v42, v14;
	v54 =	vperm.xlane v44, v29  }
0xa9: {  	[tilespmem:$0x1FFC0] =	vst v15;
	v49 =	vadd.f32 v4, v49;
	v62 =	vadd.f32 v59, v35;
	v35 =	vimm.f32 $0.0e+00  }
0xaa: {  	[tilespmem:$0x1FFD0] =	vst v14;
	v32 =	vsel vm0, v55, v35;
	v2 =	vadd.f32 v63, v2;
	v59 =	vperm.xlane v58, v27  }
0xab: {  	[tilespmem:$0x1FFF0] =	vst v16;
	v63 =	vadd.f32 v61, v49;
	v33 =	vsel vm0, v39, v35;
	v49 =	vperm.xlane v45, v29  }
0xac: {  	[tilespmem:$0x1FFE0] =	vst v18;
	v55 =	vmul.f32 v57, v20;
	v41 =	vadd.f32 v47, v62;
	v62 =	vperm.xlane v37, v27  }
0xad: {  	[tilespmem:$0x1FEF0] =	vst v19;
	v39 =	vimm.f32 $0.0e+00;
	v2 =	vadd.f32 v60, v2;
	v42 =	vadd.f32 v59, v58  }
0xae: {  	s5 =	simm.s32 $0x2;
	s3 =	sadd.s32 $0x200, s3;
	[tilespmem:$0x1FF20] =	vst v1;
	v47 =	vperm.xlane v43, v29;
	v50 =	vadd.f32 v62, v37;
	v37 =	vimm.f32 $0.0e+00  }
0xaf: {  	s7 =	simm.s32 $0x1240;
	s6 =	simm.s32 $0x240;
	[tilespmem:$0x1FF50] =	vst v0;
	s4 =	simm.s32 $0x1;
	v51 =	vadd.f32 v5, v2;
	v40 =	vperm.xlane v42, v26;
	v2 =	vadd.f32 v56, v63  }
.LBB2_1:
0xb0: {  	v56 =	vld [tilespmem:s6+$0xFFFFFFD0]  }
0xb1: {  	v60 =	vld [tilespmem:s7+$0x20]  }
0xb2: {  	v18 =	vld [tilespmem:$0x1FFC0]  }
0xb3: {  	v52 =	vadd.f32 v52, v53;
	v57 =	vld [tilespmem:s6+$0xFFFFFFC0]  }
0xb4: {  	v35 =	vsel vm0, v34, v35;
	v0 =	vmul.f32 v30, v30;
	v36 =	vadd.f32 v36, v41;
	v19 =	vld [tilespmem:$0x1FFF0]  }
0xb5: {  	v58 =	vmov s4;
	v9 =	vld [tilespmem:$0x1FF80];
	v44 =	vadd.f32 v54, v44;
	v2 =	vadd.f32 v48, v2  }
0xb6: {  	v16 =	vld [tilespmem:$0x1FF70];
	v53 =	vperm.xlane v51, v27;
	v63 =	vadd.f32 v49, v45;
	v61 =	vadd.f32 v47, v43  }
0xb7: {  	v45 =	vld [tilespmem:s7+$0x0];
	v5 =	vadd.f32 v40, v42;
	v4 =	vadd.f32 v55, v52;
	v39 =	vsel vm0, v44, v39  }
0xb8: {  	v43 =	vld [tilespmem:s7+$0x30];
	v2 =	vadd.f32 v46, v2;
	v37 =	vsel vm0, v63, v37;
	v38 =	vsel vm0, v61, v38  }
0xb9: {  	v54 =	vld [tilespmem:s7+$0xFFFFFFC0];
	v63 =	vperm.xlane v36, v27;
	v51 =	vadd.f32 v53, v51;
	v62 =	vperm.xlane v4, v27  }
0xba: {  	v52 =	vld [tilespmem:s6+$0x0];
	v46 =	vmul.f32 v56, v11;
	v2 =	vadd.f32 v0, v2;
	v55 =	vmul.f32 v56, v10  }
0xbb: {  	v13 =	vld [tilespmem:$0x1FF90];
	v30 =	vmovc v60;
	v60 =	vadd.f32 v63, v36;
	v56 =	vmul.f32 v56, v56;
	v24 =	vmul.f32 v57, v9  }
0xbc: {  	v44 =	vld [tilespmem:s6+$0x20];
	v48 =	vadd.f32 v62, v4;
	v42 =	vmul.f32 v30, v18;
	v4 =	vperm.xlane v5, v28  }
0xbd: {  	v53 =	vld [tilespmem:s6+$0xFFFFFFE0];
	v0 =	vlaneseq.u32;
	v36 =	vmul.f32 v43, v20;
	v22 =	vmul.f32 v45, v17  }
0xbe: {  	v47 =	vld [tilespmem:s7+$0xFFFFFFD0];
	vm0 =	veq.s32 v58, v0;
	v1 =	vmul.f32 v45, v16;
	v21 =	vmul.f32 v54, v8  }
0xbf: {  	v61 =	vld [tilespmem:s6+$0x10];
	v2 =	vadd.f32 v31, v2;
	v31 =	vmul.f32 v43, v43;
	v63 =	vmul.f32 v52, v17  }
0xc0: {  	v0 =	vld [tilespmem:$0x1FFB0];
	v24 =	vadd.f32 $0.0e+00, v24;
	v25 =	vperm.xlane v60, v26;
	v59 =	vperm.xlane v48, v26  }
0xc1: {  	v34 =	vadd.f32 v4, v5;
	v58 =	vmul.f32 v44, v19;
	v4 =	vperm.xlane v50, v26  }
0xc2: {  	v41 =	vld [tilespmem:s7+$0xFFFFFFE0];
	v23 =	vmul.f32 v53, v13;
	v21 =	vadd.f32 $0.0e+00, v21;
	v5 =	vperm.xlane v2, v27  }
0xc3: {  	v14 =	vld [tilespmem:$0x1FF60];
	v25 =	vadd.f32 v25, v60;
	v62 =	vperm.xlane v34, v29;
	v59 =	vadd.f32 v59, v48  }
0xc4: {  	v40 =	vld [tilespmem:s7+$0xFFFFFFF0];
	v48 =	vmul.f32 v57, v57;
	v57 =	vmul.f32 v57, v8;
	v4 =	vadd.f32 v4, v50  }
0xc5: {  	v49 =	vld [tilespmem:s7+$0x10];
	v2 =	vadd.f32 v5, v2;
	v3 =	vmul.f32 v61, v0;
	v5 =	vmul.f32 v47, v10  }
0xc6: {  	v34 =	vadd.f32 v62, v34;
	v57 =	vadd.f32 $0.0e+00, v57;
	v7 =	vperm.xlane v4, v28  }
0xc7: {  	v48 =	vadd.f32 v56, v48;
	v56 =	vmul.f32 v41, v12;
	v60 =	vperm.xlane v59, v28  }
0xc8: {  	v62 =	vperm.xlane v2, v26;
	v5 =	vadd.f32 v5, v21;
	v55 =	vadd.f32 v55, v57  }
0xc9: {  	v15 =	vld [tilespmem:$0x1FFA0];
	v21 =	vmul.f32 v40, v14;
	v4 =	vadd.f32 v7, v4;
	v7 =	vadd.f32 v46, v24  }
0xca: {  	v24 =	vmul.f32 v53, v12;
	v2 =	vadd.f32 v62, v2;
	v62 =	vmul.f32 v49, v0;
	v0 =	vld [tilespmem:s6+$0xFFFFFFF0]  }
0xcb: {  	v57 =	vperm.xlane v51, v26;
	v5 =	vadd.f32 v56, v5;
	v56 =	vperm.xlane v4, v29  }
0xcc: {  	v24 =	vadd.f32 v24, v55;
	v7 =	vadd.f32 v23, v7;
	v23 =	vmul.f32 v53, v53  }
0xcd: {  	v55 =	vmul.f32 v54, v54;
	v50 =	vperm.xlane v2, v28;
	v5 =	vadd.f32 v21, v5  }
0xce: {  	v23 =	vadd.f32 v23, v48;
	v48 =	vmul.f32 v45, v45;
	v45 =	vperm.xlane v25, v28  }
0xcf: {  	v4 =	vadd.f32 v56, v4;
	v46 =	vmul.f32 v0, v15;
	v53 =	vmul.f32 v0, v14;
	v14 =	vld [tilespmem:$0x1FFD0]  }
0xd0: {  	v1 =	vadd.f32 v1, v5;
	v0 =	vmul.f32 v0, v0;
	v25 =	vadd.f32 v45, v25  }
0xd1: {  	v7 =	vadd.f32 v46, v7;
	v46 =	vmul.f32 v52, v16;
	v24 =	vadd.f32 v53, v24  }
0xd2: {  	v6 =	vld [tilespmem:s6+$0x30];
	v45 =	vadd.f32 v50, v2;
	v32 =	vsel vm0, v4, v32;
	v0 =	vadd.f32 v0, v23  }
0xd3: {  	v23 =	vmul.f32 v61, v61;
	v21 =	vadd.f32 v46, v24;
	v24 =	vmul.f32 v52, v52  }
0xd4: {  	v1 =	vadd.f32 v62, v1;
	v56 =	vmul.f32 v61, v14;
	v61 =	vmul.f32 v54, v9  }
0xd5: {  	v52 =	vmul.f32 v44, v18;
	v0 =	vadd.f32 v24, v0;
	v24 =	vmul.f32 v44, v44  }
0xd6: {  	v44 =	vadd.f32 v60, v59;
	v60 =	vadd.f32 $0.0e+00, v61;
	v61 =	vmul.f32 v47, v11  }
0xd7: {  	v46 =	vmul.f32 v49, v49;
	v7 =	vadd.f32 v63, v7;
	v63 =	vmul.f32 v6, v6  }
0xd8: {  	v9 =	vld [tilespmem:$0x1FFE0];
	v0 =	vadd.f32 v23, v0;
	v23 =	vmul.f32 v41, v13;
	v2 =	vadd.f32 v61, v60  }
0xd9: {  	v54 =	vperm.xlane v25, v29;
	v59 =	vadd.f32 v57, v51;
	v53 =	vadd.f32 v3, v21  }
0xda: {  	v3 =	vmul.f32 v40, v15;
	v7 =	vadd.f32 v56, v7;
	v2 =	vadd.f32 v23, v2  }
0xdb: {  	v60 =	vadd.f32 v54, v25;
	v61 =	vperm.xlane v59, v28;
	v0 =	vadd.f32 v24, v0  }
0xdc: {  	v54 =	vperm.xlane v44, v29;
	v7 =	vadd.f32 v58, v7;
	v2 =	vadd.f32 v3, v2  }
0xdd: {  	v21 =	vmul.f32 v43, v9;
	v43 =	vadd.f32 v61, v59;
	v0 =	vadd.f32 v63, v0  }
0xde: {  	v3 =	vmul.f32 v6, v9;
	v2 =	vadd.f32 v22, v2;
	v22 =	vmul.f32 v49, v14  }
0xdf: {  	v33 =	vsel vm0, v60, v33;
	v63 =	vmul.f32 v47, v47;
	v23 =	vperm.xlane v0, v27  }
0xe0: {  	p0 =	sne.s32 s5, $0xF;
	v3 =	vadd.f32 v3, v7;
	v7 =	vmul.f32 v30, v19;
	v2 =	vadd.f32 v22, v2  }
.Ltmp0:
0xe1: {  	v5 =	vadd.f32 v63, v55;
	v22 =	vmul.f32 v41, v41;
	v41 =	vadd.f32 v42, v1;
	(pc) =	sbr.rel @p0 .LBB2_1-.Ltmp0, $4  }
0xe2: {  	v47 =	vperm.xlane v43, v29;
	v42 =	vadd.f32 v23, v0;
	v1 =	vadd.f32 v7, v2  }
0xe3: {  	v7 =	vperm.xlane v3, v27;
	v0 =	vadd.f32 v22, v5;
	v2 =	vmul.f32 v40, v40  }
0xe4: {  	s8 =	smov.u32 s5;
	s5 =	sadd.s32 $0x1, s5;
	v55 =	vmul.f32 v6, v20;
	v49 =	vperm.xlane v45, v29;
	v51 =	vadd.f32 v21, v1  }
0xe5: {  	s4 =	smov.u32 s8;
	s7 =	sadd.s32 $0x80, s7;
	s6 =	sadd.s32 $0x80, s6;
	v40 =	vperm.xlane v42, v26;
	v2 =	vadd.f32 v2, v0;
	v50 =	vadd.f32 v7, v3  }
0xe6: {  	v1 =	vadd.f32 v52, v53  }
0xe7: {  	v3 =	vadd.f32 v54, v44;
	v4 =	vmul.f32 v30, v30;
	v5 =	vadd.f32 v36, v41  }
0xe8: {  	v6 =	vsel vm0, v34, v35;
	v7 =	vadd.f32 v49, v45;
	v22 =	vadd.f32 v47, v43  }
0xe9: {  	v9 =	vlaneseq.u32;
	s5 =	simm.s32 $0x1970;
	v15 =	vld [tilespmem:$0x1FFA0];
	v0 =	vadd.f32 v48, v2;
	v2 =	vperm.xlane v51, v27  }
0xea: {  	s29 =	simm.s32 $0x970;
	v21 =	vadd.f32 v40, v42;
	v43 =	vperm.xlane v50, v26;
	v40 =	vld [tilespmem:s5+$0xFFFFFFA0];
	v1 =	vadd.f32 v55, v1  }
0xeb: {  	v60 =	vld [tilespmem:s29+$0xFFFFFFC0];
	v42 =	vperm.xlane v5, v27;
	v3 =	vsel vm0, v3, v39;
	v0 =	vadd.f32 v46, v0  }
0xec: {  	v7 =	vsel vm0, v7, v37;
	v22 =	vsel vm0, v22, v38;
	v55 =	vimm.s32 $0x32107654  }
0xed: {  	v38 =	vld [tilespmem:s5+$0x0];
	v25 =	vperm.xlane v21, v28;
	v2 =	vadd.f32 v2, v51;
	v0 =	vadd.f32 v4, v0  }
0xee: {  	v23 =	vperm.xlane v1, v27;
	v4 =	vadd.f32 v42, v5;
	v5 =	vadd.f32 v43, v50  }
0xef: {  	v21 =	vadd.f32 v25, v21;
	v45 =	vperm.xlane v2, v26;
	v50 =	vimm.s32 $0xFEDCBA98  }
0xf0: {  	v13 =	vld [tilespmem:$0x1FF90];
	v1 =	vadd.f32 v23, v1;
	v61 =	vmul.f32 v40, v10;
	v35 =	vmul.f32 v60, v15  }
0xf1: {  	v42 =	vld [tilespmem:s29+$0xFFFFFFB0];
	v0 =	vadd.f32 v31, v0;
	v24 =	vperm.xlane v4, v26;
	v30 =	vperm.xlane v21, v29  }
0xf2: {  	v2 =	vadd.f32 v45, v2;
	v41 =	vmul.f32 v38, v20;
	v44 =	vperm.xlane v1, v26  }
0xf3: {  	v23 =	vperm.xlane v0, v27;
	v27 =	vmov s4;
	v4 =	vadd.f32 v24, v4  }
0xf4: {  	v56 =	vld [tilespmem:s29+$0xFFFFFFA0];
	v21 =	vadd.f32 v30, v21;
	v25 =	vperm.xlane v2, v28;
	v24 =	vunpack.c.l.s4.s8 v50  }
0xf5: {  	v30 =	vimm.s32 $0x67452301;
	v1 =	vadd.f32 v44, v1;
	vm0 =	veq.s32 v27, v9  }
0xf6: {  	v30 =	vunpack.c.l.s4.s8 v30;
	v62 =	vmul.f32 v42, v13;
	v0 =	vadd.f32 v23, v0  }
0xf7: {  	v23 =	vperm.xlane v5, v28;
	v2 =	vadd.f32 v25, v2;
	v52 =	vsel vm0, v21, v6  }
0xf8: {  	v37 =	vld [tilespmem:s5+$0xFFFFFFD0];
	v53 =	vunpack.c.0.s8.s32 v24;
	v6 =	vimm.s32 $0xDCFE98BA;
	v21 =	vimm.s32 $0x54761032  }
0xf9: {  	v24 =	vmul.f32 v56, v56;
	v6 =	vunpack.c.l.s4.s8 v6;
	v46 =	vperm.xlane v0, v26  }
0xfa: {  	v21 =	vunpack.c.l.s4.s8 v21;
	v5 =	vadd.f32 v23, v5;
	v23 =	vperm.xlane v4, v28  }
0xfb: {  	v31 =	vunpack.c.0.s8.s32 v30;
	v54 =	vand.u32 $0xF, v53;
	v0 =	vadd.f32 v46, v0  }
0xfc: {  	v47 =	vperm.xlane v5, v29;
	v4 =	vadd.f32 v23, v4;
	v23 =	vperm.xlane v1, v28  }
0xfd: {  	v6 =	vunpack.c.0.s8.s32 v6;
	v21 =	vunpack.c.0.s8.s32 v21;
	v46 =	vmul.f32 v37, v17  }
0xfe: {  	v26 =	vperm.xlane v0, v28;
	v5 =	vadd.f32 v47, v5;
	v1 =	vadd.f32 v23, v1  }
0xff: {  	v19 =	vld [tilespmem:$0x1FFF0];
	v48 =	vperm.xlane v4, v29;
	v23 =	vperm.xlane v2, v29;
	v28 =	vimm.s32 $0x76543210  }
0x100: {  	v16 =	vld [tilespmem:$0x1FF70];
	v51 =	vunpack.c.l.s4.s8 v28;
	v28 =	vimm.s32 $0xEFCDAB89;
	v49 =	vperm.xlane v1, v29  }
0x101: {  	v18 =	vld [tilespmem:$0x1FFB0];
	v0 =	vadd.f32 v26, v0;
	v5 =	vsel vm0, v5, v32;
	v4 =	vadd.f32 v48, v4  }
0x102: {  	v14 =	vld [tilespmem:$0x1FF60];
	v2 =	vadd.f32 v23, v2;
	v23 =	vmul.f32 v38, v38;
	v1 =	vadd.f32 v49, v1  }
0x103: {  	v36 =	vld [tilespmem:s5+$0xFFFFFFF0];
	v28 =	vunpack.c.l.s4.s8 v28;
	v48 =	vmul.f32 v60, v60;
	v27 =	vperm.xlane v0, v29  }
0x104: {  	v39 =	vld [tilespmem:s29+$0xFFFFFFF0];
	[tilespmem:$0x1FE20] =	vst v5;
	v5 =	vunpack.c.l.s4.s8 v55;
	v1 =	vsel vm0, v1, v3;
	v3 =	vimm.s32 $0xBA98FEDC  }
0x105: {  	v26 =	vld [tilespmem:$0x1FFC0];
	v4 =	vsel vm0, v4, v33;
	v0 =	vadd.f32 v27, v0;
	v3 =	vunpack.c.l.s4.s8 v3  }
0x106: {  	v49 =	vmul.f32 v37, v16;
	v33 =	vmul.f32 v42, v12;
	v5 =	vunpack.c.0.s8.s32 v5;
	v27 =	vld [tilespmem:$0x1FFE0]  }
0x107: {  	[tilespmem:$0x1FE50] =	vst v1;
	v1 =	vunpack.c.0.s8.s32 v51;
	v0 =	vsel vm0, v0, v7;
	v7 =	vld [tilespmem:s5+$0xFFFFFF90];
	v3 =	vunpack.c.0.s8.s32 v3  }
0x108: {  	v28 =	vunpack.c.0.s8.s32 v28;
	v42 =	vmul.f32 v42, v42;
	[tilespmem:$0x1FE60] =	vst v0;
	v0 =	vcombine.low v21, v6;
	v21 =	vld [tilespmem:s5+$0xFFFFFFB0]  }
0x109: {  	v2 =	vsel vm0, v2, v22;
	v32 =	vcombine.low v54, v1;
	v1 =	vcombine.low v5, v3;
	v3 =	vld [tilespmem:s29+$0xFFFFFF90]  }
0x10a: {  	v37 =	vmul.f32 v37, v37;
	[tilespmem:$0x1FE70] =	vst v2;
	v2 =	vmul.f32 v56, v11;
	v5 =	vld [tilespmem:s29+$0xFFFFFFD0]  }
0x10b: {  	v9 =	vld [tilespmem:$0x1FF80];
	[tilespmem:$0x1FE30] =	vst v4;
	v4 =	vcombine.low v31, v28;
	v22 =	vmul.f32 v36, v26  }
0x10c: {  	v6 =	vmul.f32 v56, v10;
	v56 =	vmul.f32 v60, v14;
	v30 =	vand.u32 $0xF, v0;
	v0 =	vld [tilespmem:s29+$0xFFFFFFE0]  }
0x10d: {  	v38 =	vmul.f32 v38, v27;
	v31 =	vand.u32 $0xF, v1;
	v1 =	vmul.f32 v39, v19  }
0x10e: {  	v34 =	vimm.f32 $0.0e+00;
	s6 =	simm.s32 $0x0;
	v59 =	vmul.f32 v7, v8;
	v63 =	vmul.f32 v21, v12  }
0x10f: {  	[tilespmem:$0x1FE40] =	vst v52;
	v52 =	vmov s6;
	v57 =	vmul.f32 v3, v8;
	v44 =	vmul.f32 v5, v17  }
0x110: {  	v50 =	vld [tilespmem:s5+$0xFFFFFFE0];
	v47 =	vadd.f32 $0.0e+00, v59;
	v58 =	vmul.f32 v3, v9;
	v3 =	vmul.f32 v3, v3  }
0x111: {  	v28 =	vlaneseq.u32;
	v51 =	vmul.f32 v0, v18;
	v59 =	vmul.f32 v5, v16  }
0x112: {  	v5 =	vmul.f32 v5, v5;
	v25 =	vadd.f32 v61, v47;
	v45 =	vadd.f32 $0.0e+00, v58  }
0x113: {  	v61 =	vld [tilespmem:s29+$0x0];
	v43 =	vadd.f32 $0.0e+00, v57;
	v3 =	vadd.f32 v24, v3;
	v58 =	vmul.f32 v7, v7  }
0x114: {  	v7 =	vmul.f32 v7, v9;
	v24 =	vadd.f32 v63, v25;
	v2 =	vadd.f32 v2, v45  }
0x115: {  	v47 =	vmul.f32 v50, v18;
	v25 =	vld [tilespmem:$0x1FFD0];
	v6 =	vadd.f32 v6, v43;
	v3 =	vadd.f32 v42, v3  }
0x116: {  	v63 =	vmul.f32 v50, v50;
	v7 =	vadd.f32 $0.0e+00, v7;
	v2 =	vadd.f32 v62, v2  }
0x117: {  	v43 =	vld [tilespmem:s5+$0xFFFFFFC0];
	v6 =	vadd.f32 v33, v6;
	v62 =	vmul.f32 v40, v11;
	v33 =	vmul.f32 v21, v13  }
0x118: {  	v3 =	vadd.f32 v48, v3;
	v53 =	vmul.f32 v61, v61;
	v40 =	vmul.f32 v40, v40  }
0x119: {  	v21 =	vmul.f32 v21, v21;
	v2 =	vadd.f32 v35, v2;
	v6 =	vadd.f32 v56, v6  }
0x11a: {  	v60 =	vmul.f32 v0, v25;
	v3 =	vadd.f32 v5, v3;
	v0 =	vmul.f32 v0, v0  }
0x11b: {  	v7 =	vadd.f32 v62, v7;
	v35 =	vmul.f32 v39, v39;
	v39 =	vmul.f32 v39, v26  }
0x11c: {  	v55 =	vadd.f32 v40, v58;
	v57 =	vmul.f32 v43, v14;
	v6 =	vadd.f32 v59, v6  }
0x11d: {  	v56 =	vmul.f32 v61, v27;
	v2 =	vadd.f32 v44, v2;
	v0 =	vadd.f32 v0, v3  }
0x11e: {  	s30 =	simm.s32 $0x9F0;
	v54 =	vmul.f32 v43, v15;
	v7 =	vadd.f32 v33, v7;
	v24 =	vadd.f32 v57, v24  }
0x11f: {  	v58 =	vmul.f32 v36, v19;
	v59 =	vld [tilespmem:s30+$0xFFFFFFA0];
	v6 =	vadd.f32 v51, v6;
	v0 =	vadd.f32 v35, v0  }
0x120: {  	v57 =	vmul.f32 v50, v25;
	v2 =	vadd.f32 v60, v2;
	v7 =	vadd.f32 v54, v7  }
0x121: {  	v60 =	vmul.f32 v36, v36;
	v3 =	vadd.f32 v49, v24;
	v0 =	vadd.f32 v53, v0  }
0x122: {  	v36 =	vand.u32 $0xF, v4;
	v7 =	vadd.f32 v46, v7;
	v1 =	vadd.f32 v1, v2  }
0x123: {  	s31 =	simm.s32 $0x19F0;
	v2 =	vadd.f32 v21, v55;
	v21 =	vmul.f32 v43, v43;
	v6 =	vadd.f32 v39, v6  }
0x124: {  	v46 =	vld [tilespmem:s31+$0xFFFFFFA0];
	v3 =	vadd.f32 v47, v3;
	v4 =	vmul.f32 v59, v11;
	v7 =	vadd.f32 v57, v7  }
0x125: {  	v5 =	vmul.f32 v59, v10;
	v1 =	vadd.f32 v56, v1;
	v2 =	vadd.f32 v21, v2  }
0x126: {  	v21 =	vperm.xlane v0, v32;
	v3 =	vadd.f32 v22, v3;
	v22 =	vmul.f32 v61, v20  }
0x127: {  	v24 =	vmul.f32 v59, v59;
	v7 =	vadd.f32 v58, v7;
	v2 =	vadd.f32 v37, v2  }
0x128: {  	v48 =	vld [tilespmem:s30+$0xFFFFFFC0];
	v40 =	vperm.xlane v1, v32;
	v0 =	vadd.f32 v21, v0;
	v6 =	vadd.f32 v22, v6  }
0x129: {  	v37 =	vld [tilespmem:s31+$0x0];
	v3 =	vadd.f32 v41, v3;
	v41 =	vmul.f32 v46, v11;
	v7 =	vadd.f32 v38, v7  }
0x12a: {  	v39 =	vld [tilespmem:s31+$0xFFFFFFF0];
	v2 =	vadd.f32 v63, v2;
	v61 =	vperm.xlane v0, v31;
	v1 =	vadd.f32 v40, v1  }
0x12b: {  	vm0 =	veq.s32 v52, v28;
	v38 =	vld [tilespmem:s30+$0xFFFFFFD0];
	v22 =	vperm.xlane v6, v32;
	v21 =	vperm.xlane v7, v32  }
0x12c: {  	v63 =	vld [tilespmem:s30+$0xFFFFFF90];
	v2 =	vadd.f32 v60, v2;
	v0 =	vadd.f32 v61, v0;
	v56 =	vperm.xlane v1, v31  }
0x12d: {  	v60 =	vmul.f32 v46, v10;
	v6 =	vadd.f32 v22, v6;
	v22 =	vperm.xlane v3, v32  }
0x12e: {  	v29 =	vmul.f32 v37, v37;
	v35 =	vmul.f32 v37, v20;
	v2 =	vadd.f32 v23, v2  }
0x12f: {  	v23 =	vmul.f32 v39, v26;
	v62 =	vperm.xlane v0, v30;
	v7 =	vadd.f32 v21, v7  }
0x130: {  	v51 =	vld [tilespmem:s31+$0xFFFFFFD0];
	v1 =	vadd.f32 v56, v1;
	v56 =	vmul.f32 v48, v14;
	v53 =	vperm.xlane v6, v31  }
0x131: {  	v3 =	vadd.f32 v22, v3;
	v47 =	vmul.f32 v38, v17;
	v58 =	vmul.f32 v63, v8  }
0x132: {  	v21 =	vld [tilespmem:s30+$0xFFFFFFB0];
	v42 =	vmul.f32 v63, v63;
	v54 =	vperm.xlane v2, v32;
	v0 =	vadd.f32 v62, v0  }
0x133: {  	v61 =	vperm.xlane v1, v30;
	v49 =	vperm.xlane v7, v31;
	v6 =	vadd.f32 v53, v6  }
0x134: {  	v22 =	vld [tilespmem:s31+$0xFFFFFF90];
	v43 =	vadd.f32 $0.0e+00, v58;
	v24 =	vadd.f32 v24, v42;
	v52 =	vperm.xlane v3, v31  }
0x135: {  	v58 =	vmul.f32 v51, v16;
	v2 =	vadd.f32 v54, v2;
	v55 =	vperm.xlane v0, v36  }
0x136: {  	v1 =	vadd.f32 v61, v1;
	v54 =	vmul.f32 v48, v15;
	v48 =	vmul.f32 v48, v48  }
0x137: {  	v7 =	vadd.f32 v49, v7;
	v5 =	vadd.f32 v5, v43;
	v62 =	vmul.f32 v21, v13  }
0x138: {  	v33 =	vmul.f32 v21, v12;
	v21 =	vmul.f32 v21, v21;
	v3 =	vadd.f32 v52, v3  }
0x139: {  	v50 =	vld [tilespmem:s31+$0xFFFFFFB0];
	v57 =	vperm.xlane v2, v31;
	v44 =	vadd.f32 v55, v0;
	v59 =	vmul.f32 v22, v8  }
0x13a: {  	v0 =	vmul.f32 v63, v9;
	v53 =	vperm.xlane v1, v36;
	v21 =	vadd.f32 v21, v24  }
0x13b: {  	v61 =	vperm.xlane v3, v30;
	v2 =	vadd.f32 v57, v2;
	v45 =	vadd.f32 $0.0e+00, v59  }
0x13c: {  	v57 =	vld [tilespmem:s31+$0xFFFFFFC0];
	v0 =	vadd.f32 $0.0e+00, v0;
	v1 =	vadd.f32 v53, v1;
	v59 =	vmul.f32 v38, v16  }
0x13d: {  	v43 =	vld [tilespmem:s30+$0xFFFFFFE0];
	v38 =	vmul.f32 v38, v38;
	v21 =	vadd.f32 v48, v21;
	v3 =	vadd.f32 v61, v3  }
0x13e: {  	v63 =	vmul.f32 v50, v12;
	v0 =	vadd.f32 v4, v0;
	v4 =	vadd.f32 v33, v5  }
0x13f: {  	v45 =	vadd.f32 v60, v45;
	v33 =	vmul.f32 v22, v9;
	v21 =	vadd.f32 v38, v21  }
0x140: {  	v48 =	vld [tilespmem:s30+$0xFFFFFFF0];
	v40 =	vperm.xlane v2, v30;
	v0 =	vadd.f32 v62, v0;
	v4 =	vadd.f32 v56, v4  }
0x141: {  	v45 =	vadd.f32 v63, v45;
	v63 =	vperm.xlane v6, v30;
	v55 =	vmul.f32 v57, v14  }
0x142: {  	v62 =	vmul.f32 v43, v43;
	v0 =	vadd.f32 v54, v0;
	v4 =	vadd.f32 v59, v4  }
0x143: {  	v22 =	vmul.f32 v22, v22;
	v52 =	vadd.f32 v63, v6;
	v60 =	vadd.f32 v55, v45  }
0x144: {  	v38 =	vsel vm0, v1, v34;
	v21 =	vadd.f32 v62, v21;
	v45 =	vadd.f32 $0.0e+00, v33  }
0x145: {  	v6 =	vld [tilespmem:s30+$0x0];
	v54 =	vadd.f32 v40, v2;
	v49 =	vmul.f32 v48, v19;
	v5 =	vadd.f32 v58, v60  }
0x146: {  	v2 =	vld [tilespmem:s31+$0xFFFFFFE0];
	v58 =	vmul.f32 v43, v18;
	v59 =	vadd.f32 v41, v45;
	v41 =	vmul.f32 v50, v13  }
0x147: {  	v33 =	vmul.f32 v48, v48;
	v0 =	vadd.f32 v47, v0;
	v43 =	vmul.f32 v43, v25  }
0x148: {  	v61 =	vadd.f32 v58, v4;
	v24 =	vadd.f32 v41, v59;
	v58 =	vmul.f32 v57, v15  }
0x149: {  	v40 =	vperm.xlane v7, v30;
	v63 =	vmul.f32 v57, v57;
	v0 =	vadd.f32 v43, v0  }
0x14a: {  	v21 =	vadd.f32 v33, v21;
	v59 =	vmul.f32 v51, v17;
	v4 =	vadd.f32 v58, v24  }
0x14b: {  	v33 =	vmul.f32 v2, v18;
	v41 =	vmul.f32 v6, v27;
	v0 =	vadd.f32 v49, v0  }
0x14c: {  	v53 =	vmul.f32 v2, v2;
	v2 =	vmul.f32 v2, v25;
	v1 =	vadd.f32 v59, v4  }
0x14d: {  	v55 =	vmul.f32 v51, v51;
	v47 =	vperm.xlane v3, v36;
	v0 =	vadd.f32 v41, v0  }
0x14e: {  	v56 =	vmul.f32 v6, v6;
	v1 =	vadd.f32 v2, v1;
	v2 =	vmul.f32 v39, v19  }
0x14f: {  	v3 =	vadd.f32 v47, v3;
	v51 =	vadd.f32 v40, v7;
	v47 =	vperm.xlane v0, v32  }
0x150: {  	v7 =	vmul.f32 v37, v27;
	v21 =	vadd.f32 v56, v21;
	v1 =	vadd.f32 v2, v1  }
0x151: {  	v62 =	vperm.xlane v52, v36;
	v45 =	vmul.f32 v46, v46;
	v57 =	vadd.f32 v47, v0;
	v0 =	vld [tilespmem:$0x0]  }
0x152: {  	v60 =	vmul.f32 v48, v26;
	v43 =	vperm.xlane v21, v32;
	v58 =	vadd.f32 v7, v1;
	v1 =	vld [tilespmem:$0x2200]  }
0x153: {  	[tilespmem:$0x1FE90] =	vst v32;
	v46 =	vadd.f32 v45, v22;
	v22 =	vmul.f32 v50, v50;
	v5 =	vadd.f32 v33, v5  }
0x154: {  	[tilespmem:$0x1FE80] =	vst v30;
	v45 =	vimm.f32 $0.0e+00;
	v37 =	vsel vm0, v3, v34;
	v50 =	vadd.f32 v43, v21  }
0x155: {  	[tilespmem:$0x1FEA0] =	vst v31;
	v56 =	vperm.xlane v51, v36;
	v49 =	vadd.f32 v23, v5;
	v2 =	vadd.f32 v22, v46  }
0x156: {  	s7 =	simm.s32 $0x1A70;
	v59 =	vperm.xlane v54, v36;
	v48 =	vperm.xlane v50, v31;
	v47 =	vimm.f32 $0.0e+00;
	[tilespmem:$0x1FEC0] =	vst v0  }
0x157: {  	s4 =	simm.s32 $0x1;
	s6 =	simm.s32 $0xA70;
	s5 =	simm.s32 $0x2;
	v46 =	vimm.f32 $0.0e+00;
	v2 =	vadd.f32 v63, v2;
	v63 =	vmul.f32 v6, v20;
	[tilespmem:$0x1FEB0] =	vst v1  }
.LBB2_3:
0x158: {  	v0 =	vld [tilespmem:s6+$0xFFFFFFA0]  }
0x159: {  	v41 =	vld [tilespmem:$0x1FE90]  }
0x15a: {  	v5 =	vld [tilespmem:s7+$0xFFFFFFF0]  }
0x15b: {  	v7 =	vld [tilespmem:s7+$0xFFFFFFD0]  }
0x15c: {  	v19 =	vld [tilespmem:$0x1FFC0]  }
0x15d: {  	v1 =	vadd.f32 v60, v61;
	v23 =	vadd.f32 v35, v49;
	v33 =	vld [tilespmem:$0x1FE80]  }
0x15e: {  	v40 =	vmov s4;
	v15 =	vld [tilespmem:$0x1FF90];
	v4 =	vadd.f32 v62, v52;
	v2 =	vadd.f32 v55, v2  }
0x15f: {  	v9 =	vlaneseq.u32;
	v6 =	vadd.f32 v59, v54;
	v21 =	vadd.f32 v48, v50;
	v52 =	vld [tilespmem:s6+$0xFFFFFFF0]  }
0x160: {  	v62 =	vmul.f32 v39, v39;
	v22 =	vadd.f32 v56, v51;
	v51 =	vld [tilespmem:s7+$0x0];
	v1 =	vadd.f32 v63, v1  }
0x161: {  	v59 =	vld [tilespmem:s7+$0xFFFFFFE0];
	v47 =	vsel vm0, v4, v47;
	v2 =	vadd.f32 v53, v2;
	v46 =	vsel vm0, v6, v46  }
0x162: {  	v53 =	vld [tilespmem:s6+$0xFFFFFFD0];
	v45 =	vsel vm0, v22, v45;
	v34 =	vsel vm0, v44, v34;
	v3 =	vperm.xlane v58, v41  }
0x163: {  	vm0 =	veq.s32 v40, v9;
	v9 =	vld [tilespmem:$0x1FFB0];
	v24 =	vperm.xlane v1, v41;
	v6 =	vmul.f32 v0, v11  }
0x164: {  	v13 =	vmov v11;
	[tilespmem:$0x1FE10] =	vst v34;
	v4 =	vmul.f32 v0, v10;
	v22 =	vperm.xlane v23, v41;
	v34 =	vld [tilespmem:$0x1FEA0]  }
0x165: {  	v40 =	vmovc v20;
	v2 =	vadd.f32 v62, v2;
	v63 =	vperm.xlane v21, v33;
	v0 =	vmul.f32 v0, v0;
	v11 =	vld [tilespmem:$0x1FF80]  }
0x166: {  	v39 =	vmovc v5;
	v25 =	vmul.f32 v7, v17;
	v35 =	vmul.f32 v51, v20;
	v20 =	vld [tilespmem:$0x1FFF0];
	v1 =	vadd.f32 v24, v1  }
0x167: {  	v50 =	vmul.f32 v39, v19;
	v2 =	vadd.f32 v29, v2;
	v24 =	vld [tilespmem:s6+$0xFFFFFF90];
	v5 =	vadd.f32 v63, v21  }
0x168: {  	v32 =	vmul.f32 v51, v51;
	v22 =	vadd.f32 v22, v23;
	v23 =	vld [tilespmem:s6+$0xFFFFFFE0];
	v61 =	vmul.f32 v53, v17  }
0x169: {  	v3 =	vadd.f32 v3, v58;
	v58 =	vld [tilespmem:s6+$0xFFFFFFB0];
	v21 =	vperm.xlane v2, v41;
	v44 =	vperm.xlane v5, v36  }
0x16a: {  	v18 =	vmov v17;
	v17 =	vld [tilespmem:$0x1FF70];
	v27 =	vmul.f32 v59, v9;
	v54 =	vperm.xlane v1, v34  }
0x16b: {  	v48 =	vld [tilespmem:s7+$0xFFFFFFC0];
	v55 =	vperm.xlane v57, v34;
	v30 =	vperm.xlane v22, v34  }
0x16c: {  	v63 =	vmul.f32 v52, v20;
	v2 =	vadd.f32 v21, v2;
	v21 =	vld [tilespmem:s7+$0xFFFFFF90];
	v44 =	vadd.f32 v44, v5  }
0x16d: {  	v56 =	vld [tilespmem:s7+$0xFFFFFFA0];
	v43 =	vmul.f32 v24, v11;
	v1 =	vadd.f32 v54, v1;
	v54 =	vmul.f32 v24, v24  }
0x16e: {  	v26 =	vmul.f32 v23, v9;
	v55 =	vadd.f32 v55, v57;
	v9 =	vld [tilespmem:$0x1FF60];
	v42 =	vperm.xlane v2, v34  }
0x16f: {  	v28 =	vmul.f32 v58, v15;
	v22 =	vadd.f32 v30, v22;
	v62 =	vmul.f32 v7, v17  }
0x170: {  	v49 =	vld [tilespmem:s7+$0xFFFFFFB0];
	v31 =	vperm.xlane v55, v33;
	v2 =	vadd.f32 v42, v2;
	v42 =	vmul.f32 v24, v8  }
0x171: {  	v16 =	vld [tilespmem:$0x1FFA0];
	v0 =	vadd.f32 v0, v54;
	v24 =	vadd.f32 $0.0e+00, v43;
	v43 =	vmul.f32 v21, v8  }
0x172: {  	v29 =	vld [tilespmem:s6+$0xFFFFFFC0];
	v31 =	vadd.f32 v31, v55;
	v57 =	vperm.xlane v2, v33;
	v5 =	vadd.f32 $0.0e+00, v42  }
0x173: {  	v42 =	vmul.f32 v56, v10;
	v54 =	vmul.f32 v48, v9;
	v6 =	vadd.f32 v6, v24  }
0x174: {  	v14 =	vmovc v12;
	v24 =	vmul.f32 v58, v12;
	v55 =	vperm.xlane v31, v36;
	v4 =	vadd.f32 v4, v5  }
0x175: {  	v60 =	vadd.f32 $0.0e+00, v43;
	v5 =	vmul.f32 v49, v12;
	v12 =	vmovc v10;
	v10 =	vmovc v8;
	v8 =	vperm.xlane v3, v34  }
0x176: {  	v6 =	vadd.f32 v28, v6;
	v28 =	vmul.f32 v21, v21;
	v21 =	vmul.f32 v21, v11  }
0x177: {  	v42 =	vadd.f32 v42, v60;
	v60 =	vmul.f32 v29, v16;
	v31 =	vadd.f32 v55, v31  }
0x178: {  	v55 =	vmul.f32 v7, v7;
	v7 =	vmul.f32 v53, v53;
	v4 =	vadd.f32 v24, v4  }
0x179: {  	v24 =	vmul.f32 v58, v58;
	v58 =	vmul.f32 v29, v9;
	v21 =	vadd.f32 $0.0e+00, v21  }
0x17a: {  	v29 =	vmul.f32 v29, v29;
	v3 =	vadd.f32 v8, v3;
	v5 =	vadd.f32 v5, v42  }
0x17b: {  	v43 =	vld [tilespmem:s6+$0x0];
	v6 =	vadd.f32 v60, v6;
	v60 =	vmul.f32 v53, v17;
	v53 =	vmul.f32 v59, v59  }
0x17c: {  	v8 =	vld [tilespmem:$0x1FFE0];
	v38 =	vsel vm0, v31, v38;
	v4 =	vadd.f32 v58, v4;
	v0 =	vadd.f32 v24, v0  }
0x17d: {  	v17 =	vmovc v18;
	v18 =	vld [tilespmem:$0x1FFD0];
	v58 =	vperm.xlane v22, v33;
	v5 =	vadd.f32 v54, v5;
	v6 =	vadd.f32 v61, v6  }
0x17e: {  	v61 =	vmul.f32 v56, v13;
	v54 =	vadd.f32 v57, v2;
	v4 =	vadd.f32 v60, v4  }
0x17f: {  	v0 =	vadd.f32 v29, v0;
	v60 =	vmul.f32 v52, v19;
	v19 =	vperm.xlane v1, v33  }
0x180: {  	v22 =	vadd.f32 v58, v22;
	v2 =	vadd.f32 v61, v21;
	v21 =	vmul.f32 v49, v15  }
0x181: {  	v29 =	vmovc v32;
	v5 =	vadd.f32 v62, v5;
	v32 =	vmul.f32 v43, v8;
	v8 =	vmul.f32 v51, v8  }
0x182: {  	v9 =	vmul.f32 v23, v18;
	v23 =	vmul.f32 v23, v23;
	v0 =	vadd.f32 v7, v0  }
0x183: {  	v7 =	vmul.f32 v52, v52;
	v52 =	vadd.f32 v19, v1;
	v1 =	vperm.xlane v22, v36  }
0x184: {  	v61 =	vadd.f32 v26, v4;
	v26 =	vmul.f32 v48, v16;
	v2 =	vadd.f32 v21, v2  }
0x185: {  	v21 =	vmul.f32 v59, v18;
	v5 =	vadd.f32 v27, v5;
	v59 =	vperm.xlane v54, v36  }
0x186: {  	v0 =	vadd.f32 v23, v0;
	v23 =	vmul.f32 v43, v43;
	v6 =	vadd.f32 v9, v6  }
0x187: {  	v1 =	vadd.f32 v1, v22;
	v62 =	vperm.xlane v52, v36;
	v2 =	vadd.f32 v26, v2  }
0x188: {  	v0 =	vadd.f32 v7, v0;
	v7 =	vperm.xlane v3, v33;
	v6 =	vadd.f32 v63, v6  }
0x189: {  	v37 =	vsel vm0, v1, v37;
	v63 =	vmul.f32 v43, v40;
	v2 =	vadd.f32 v25, v2  }
0x18a: {  	v0 =	vadd.f32 v23, v0;
	v51 =	vadd.f32 v7, v3;
	v3 =	vmul.f32 v56, v56  }
0x18b: {  	p0 =	sne.s32 s5, $0xF;
	v4 =	vadd.f32 v32, v6;
	v6 =	vmul.f32 v39, v20;
	v2 =	vadd.f32 v21, v2  }
.Ltmp1:
0x18c: {  	v7 =	vmul.f32 v49, v49;
	v9 =	vperm.xlane v0, v41;
	v3 =	vadd.f32 v3, v28;
	(pc) =	sbr.rel @p0 .LBB2_3-.Ltmp1, $4  }
0x18d: {  	v49 =	vadd.f32 v50, v5;
	v42 =	vperm.xlane v4, v41;
	v2 =	vadd.f32 v6, v2  }
0x18e: {  	v11 =	vmovc v13;
	v50 =	vadd.f32 v9, v0;
	v0 =	vadd.f32 v7, v3;
	v3 =	vmul.f32 v48, v48  }
0x18f: {  	s8 =	smov.u32 s5;
	s5 =	sadd.s32 $0x1, s5;
	v20 =	vmovc v40;
	v56 =	vperm.xlane v51, v36;
	v57 =	vadd.f32 v42, v4;
	v58 =	vadd.f32 v8, v2  }
0x190: {  	s4 =	smov.u32 s8;
	s7 =	sadd.s32 $0x80, s7;
	s6 =	sadd.s32 $0x80, s6;
	v8 =	vmovc v10;
	v10 =	vmovc v12;
	v12 =	vmov v14;
	v48 =	vperm.xlane v50, v34;
	v34 =	vld [tilespmem:$0x1FE10];
	v2 =	vadd.f32 v3, v0  }
0x191: {  	v12 =	vld [tilespmem:$0x1FE90]  }
0x192: {  	v5 =	vadd.f32 v59, v54;
	v54 =	vld [tilespmem:$0x1FEF0]  }
0x193: {  	v11 =	vld [tilespmem:$0x1FF00]  }
0x194: {  	v23 =	vld [tilespmem:$0x1FE80]  }
0x195: {  	v18 =	vld [tilespmem:$0x1FEA0]  }
0x196: {  	v20 =	vld [tilespmem:$0x1FE40]  }
0x197: {  	v1 =	vadd.f32 v60, v61;
	v26 =	vld [tilespmem:$0x1FED0]  }
0x198: {  	v3 =	vadd.f32 v62, v52;
	v4 =	vmul.f32 v39, v39;
	v52 =	vadd.f32 v56, v51;
	v27 =	vld [tilespmem:$0x1FEB0]  }
0x199: {  	v13 =	vmov s4;
	v28 =	vld [tilespmem:$0x1FEE0];
	vm10 =	vmmov $0x1;
	v0 =	vadd.f32 v55, v2  }
0x19a: {  	v51 =	vld [tilespmem:$0x1FEC0];
	v8 =	vadd.f32 v48, v50;
	v1 =	vadd.f32 v63, v1;
	v6 =	vsel vm0, v3, v47  }
0x19b: {  	v10 =	vsel vm0, v5, v46;
	v0 =	vadd.f32 v53, v0;
	v53 =	vadd.f32 v35, v49  }
0x19c: {  	v5 =	vsel vm0, v52, v45;
	v7 =	vsel vm0, v44, v34;
	v43 =	vperm.xlane v58, v12  }
0x19d: {  	v0 =	vadd.f32 v4, v0;
	v9 =	vperm.xlane v1, v12;
	v55 =	vperm.xlane v53, v12  }
0x19e: {  	v11 =	vadd.f32 v11, v54;
	v56 =	vperm.xlane v8, v23;
	v60 =	vperm.xlane v57, v18  }
0x19f: {  	v20 =	vmax.f32 v20, $1.000000000e-30;
	vm6 =	veq.s32 v27, v26;
	vm1 =	vne.s32 v51, v28  }
0x1a0: {  	v54 =	vlaneseq.u32;
	v21 =	vshra.s32 v20, $0x1;
	v20 =	vmul.f32 $5.000000000e-01, v20  }
0x1a1: {  	vm1 =	vmand vm6, vm1;
	v0 =	vadd.f32 v29, v0;
	v1 =	vadd.f32 v9, v1  }
0x1a2: {  	v11 =	vmax.f32 v11, $1.000000000e-30;
	v3 =	vadd.f32 v55, v53;
	v8 =	vadd.f32 v56, v8  }
0x1a3: {  	v21 =	vsub.s32 $0x5F3759DF, v21;
	v59 =	vshra.s32 v11, $0x1;
	v11 =	vmul.f32 $5.000000000e-01, v11  }
0x1a4: {  	v2 =	vadd.f32 v43, v58;
	v44 =	vmul.f32 v21, v20;
	v12 =	vperm.xlane v0, v12  }
0x1a5: {  	v4 =	vsub.s32 $0x5F3759DF, v59;
	v14 =	vperm.xlane v1, v18;
	v17 =	vperm.xlane v3, v18  }
0x1a6: {  	v63 =	vperm.xlane v8, v36;
	v34 =	vperm.xlane v2, v18;
	v0 =	vadd.f32 v12, v0  }
0x1a7: {  	v15 =	vmul.f32 v4, v11;
	v12 =	vadd.f32 v60, v57;
	v3 =	vadd.f32 v17, v3  }
0x1a8: {  	v45 =	vmul.f32 v21, v44;
	v1 =	vadd.f32 v14, v1;
	v2 =	vadd.f32 v34, v2  }
0x1a9: {  	v39 =	vld [tilespmem:$0x1FF20];
	v8 =	vadd.f32 v63, v8;
	v61 =	vmul.f32 v4, v15;
	v16 =	vperm.xlane v0, v18  }
0x1aa: {  	v35 =	vld [tilespmem:$0x1FF10];
	v14 =	vsub.f32 $1.500000000e+00, v45;
	v62 =	vperm.xlane v12, v23;
	v33 =	vperm.xlane v3, v23  }
0x1ab: {  	vm7 =	veq.s32 v13, v54;
	v19 =	vperm.xlane v1, v23;
	v43 =	vperm.xlane v2, v23  }
0x1ac: {  	v7 =	vsel vm7, v8, v7;
	v9 =	vsub.f32 $1.500000000e+00, v61;
	v14 =	vmul.f32 v21, v14  }
0x1ad: {  	v7 =	vmax.f32 v7, $1.000000000e-30;
	v0 =	vadd.f32 v16, v0;
	v12 =	vadd.f32 v62, v12  }
0x1ae: {  	v3 =	vadd.f32 v33, v3;
	v1 =	vadd.f32 v19, v1;
	v4 =	vmul.f32 v4, v9  }
0x1af: {  	v9 =	vadd.f32 v39, v35;
	v56 =	vmul.f32 v14, v20;
	v32 =	vperm.xlane v0, v23  }
0x1b0: {  	v2 =	vadd.f32 v43, v2;
	v40 =	vperm.xlane v12, v36;
	v24 =	vperm.xlane v3, v36  }
0x1b1: {  	v46 =	vperm.xlane v1, v36;
	v41 =	vmul.f32 v4, v11;
	v9 =	vmax.f32 v9, $1.000000000e-30  }
0x1b2: {  	v59 =	vmul.f32 v56, v14;
	v42 =	vshra.s32 v9, $0x1;
	v9 =	vmul.f32 $5.000000000e-01, v9  }
0x1b3: {  	v0 =	vadd.f32 v32, v0;
	v17 =	vsub.s32 $0x5F3759DF, v42;
	v15 =	vmul.f32 v41, v4  }
0x1b4: {  	v12 =	vadd.f32 v40, v12;
	v3 =	vadd.f32 v24, v3;
	v22 =	vmul.f32 v17, v9  }
0x1b5: {  	v49 =	vld [tilespmem:$0x1FE60];
	v1 =	vadd.f32 v46, v1;
	v48 =	vperm.xlane v0, v36;
	v15 =	vsub.f32 $1.500000000e+00, v15  }
0x1b6: {  	v62 =	vsub.f32 $1.500000000e+00, v59;
	v12 =	vsel vm7, v12, v38;
	v22 =	vmul.f32 v17, v22  }
0x1b7: {  	v44 =	vsel vm7, v3, v37;
	v0 =	vadd.f32 v48, v0;
	v4 =	vmul.f32 v15, v4  }
0x1b8: {  	v1 =	vsel vm7, v1, v6;
	v47 =	vsub.f32 $1.500000000e+00, v22;
	v22 =	vperm.xlane v2, v36  }
0x1b9: {  	v0 =	vsel vm7, v0, v10;
	v10 =	vmul.f32 v62, v14;
	v25 =	vmul.f32 v4, v11  }
0x1ba: {  	v0 =	vmax.f32 v0, $1.000000000e-30;
	v15 =	vmul.f32 v17, v47;
	v17 =	vmax.f32 v49, $1.000000000e-30  }
0x1bb: {  	v50 =	vshra.s32 v17, $0x1;
	v17 =	vmul.f32 $5.000000000e-01, v17;
	v55 =	vmul.f32 v25, v4  }
0x1bc: {  	v25 =	vshra.s32 v7, $0x1;
	v7 =	vmul.f32 $5.000000000e-01, v7;
	v21 =	vsub.s32 $0x5F3759DF, v50  }
0x1bd: {  	v30 =	vmul.f32 v10, v20;
	v14 =	vsub.s32 $0x5F3759DF, v25;
	v53 =	vmul.f32 v21, v17  }
0x1be: {  	v29 =	vshra.s32 v0, $0x1;
	v52 =	vmul.f32 v15, v9;
	v27 =	vmul.f32 v14, v7  }
0x1bf: {  	v2 =	vadd.f32 v22, v2;
	v23 =	vmul.f32 v30, v10;
	v58 =	vmul.f32 v21, v53  }
0x1c0: {  	v13 =	vsub.f32 $1.500000000e+00, v55;
	v57 =	vmul.f32 v52, v15;
	v16 =	vmul.f32 v14, v27  }
0x1c1: {  	v0 =	vmul.f32 $5.000000000e-01, v0;
	v23 =	vsub.f32 $1.500000000e+00, v23;
	v61 =	vsub.f32 $1.500000000e+00, v58  }
0x1c2: {  	v4 =	vmul.f32 v13, v4;
	v60 =	vsub.f32 $1.500000000e+00, v57;
	v16 =	vsub.f32 $1.500000000e+00, v16  }
0x1c3: {  	v10 =	vmul.f32 v23, v10;
	v63 =	vmul.f32 v21, v61;
	v21 =	vsub.s32 $0x5F3759DF, v29  }
0x1c4: {  	v2 =	vsel vm7, v2, v5;
	v14 =	vmul.f32 v14, v16;
	v31 =	vmul.f32 v21, v0  }
0x1c5: {  	v25 =	vimm.s32 $0xFEDCBA98;
	v8 =	vmul.f32 v60, v15;
	v26 =	vmul.f32 v63, v17  }
0x1c6: {  	v52 =	vimm.f32 $0.0e+00;
	v36 =	vmul.f32 v14, v7;
	v18 =	vmul.f32 v21, v31  }
0x1c7: {  	v53 =	vsel vm1, $0x3F800000, v52;
	v32 =	vmul.f32 v8, v9;
	v15 =	vmul.f32 v26, v63  }
0x1c8: {  	v11 =	vmul.f32 v4, v11;
	v39 =	vmul.f32 v36, v14;
	v34 =	vsub.f32 $1.500000000e+00, v18  }
0x1c9: {  	v38 =	vmul.f32 v10, v20;
	v33 =	vmul.f32 v32, v8;
	v15 =	vsub.f32 $1.500000000e+00, v15  }
0x1ca: {  	v11 =	vmul.f32 v11, v4;
	v40 =	vsub.f32 $1.500000000e+00, v39;
	v16 =	vmul.f32 v21, v34  }
0x1cb: {  	v19 =	vmul.f32 v38, v10;
	v13 =	vmul.f32 v15, v63;
	v15 =	vsub.f32 $1.500000000e+00, v33  }
0x1cc: {  	v27 =	vimm.s32 $0xBA98FEDC;
	v14 =	vmul.f32 v40, v14;
	v21 =	vmul.f32 v16, v0  }
0x1cd: {  	v58 =	vlaneseq.u32;
	v35 =	vmul.f32 v13, v17;
	v8 =	vmul.f32 v15, v8  }
0x1ce: {  	v38 =	vimm.s32 $0xEFCDAB89;
	v47 =	vmul.f32 v14, v7;
	v41 =	vmul.f32 v21, v16  }
0x1cf: {  	v11 =	vsub.f32 $1.500000000e+00, v11;
	v18 =	vmul.f32 v35, v13;
	v9 =	vmul.f32 v8, v9  }
0x1d0: {  	v42 =	vsub.f32 $1.500000000e+00, v19;
	v6 =	vmul.f32 v47, v14;
	v43 =	vsub.f32 $1.500000000e+00, v41  }
0x1d1: {  	v4 =	vmul.f32 v11, v4;
	v18 =	vsub.f32 $1.500000000e+00, v18;
	v9 =	vmul.f32 v9, v8  }
0x1d2: {  	v59 =	vld [tilespmem:$0x1FE20];
	v26 =	vimm.s32 $0x76543210;
	v6 =	vsub.f32 $1.500000000e+00, v6;
	v48 =	vmul.f32 v43, v16  }
0x1d3: {  	v45 =	vmul.f32 v42, v10;
	v13 =	vmul.f32 v18, v13;
	v9 =	vsub.f32 $1.500000000e+00, v9  }
0x1d4: {  	v3 =	vmin.f32 v4, $1.000000000e+08;
	v6 =	vmul.f32 v6, v14;
	v16 =	vmul.f32 v48, v0  }
0x1d5: {  	v51 =	vld [tilespmem:$0x1FE50];
	v39 =	vimm.s32 $0x67452301;
	v46 =	vmul.f32 v13, v17;
	v55 =	vmul.f32 v9, v8  }
0x1d6: {  	v49 =	vmin.f32 v45, $1.000000000e+08;
	v63 =	vld [tilespmem:$0x10];
	v7 =	vmul.f32 v6, v7;
	v16 =	vmul.f32 v16, v48  }
0x1d7: {  	v34 =	vimm.s32 $0xDCFE98BA;
	v11 =	vmul.f32 v49, v59;
	v10 =	vmul.f32 v46, v13  }
0x1d8: {  	v5 =	vmin.f32 v55, $1.000000000e+08;
	v7 =	vmul.f32 v7, v6;
	v54 =	vsub.f32 $1.500000000e+00, v16  }
0x1d9: {  	v35 =	vimm.s32 $0x54761032;
	v11 =	vmul.f32 v11, v5;
	v50 =	vsub.f32 $1.500000000e+00, v10  }
0x1da: {  	v60 =	vld [tilespmem:$0x1FE30];
	v10 =	vmul.f32 v49, v51;
	v7 =	vsub.f32 $1.500000000e+00, v7;
	v57 =	vmul.f32 v54, v48  }
0x1db: {  	v62 =	vld [tilespmem:$0x1FE70];
	vm9 =	vne.s32 v63, v28;
	v11 =	vmul.f32 v53, v11;
	v4 =	vmul.f32 v50, v13  }
0x1dc: {  	v20 =	vld [tilespmem:$0x1FF50];
	v28 =	vimm.s32 $0x32107654;
	v10 =	vmul.f32 v10, v3;
	v6 =	vmul.f32 v7, v6  }
0x1dd: {  	v13 =	vunpack.c.l.s4.s8 v27;
	v0 =	vmul.f32 v57, v0;
	v21 =	vadd.f32 $0.0e+00, v11  }
0x1de: {  	v61 =	vld [tilespmem:$0x2210];
	v56 =	vmul.f32 v53, v10;
	v4 =	vmin.f32 v4, $1.000000000e+08;
	v10 =	vor.u32 $0x10, v58  }
0x1df: {  	v6 =	vmin.f32 v6, $1.000000000e+08;
	v30 =	vunpack.c.0.s8.s32 v13;
	v14 =	vmul.f32 v4, v60  }
0x1e0: {  	v13 =	vunpack.c.l.s4.s8 v38;
	v4 =	vmul.f32 v4, v62;
	v0 =	vmul.f32 v0, v57  }
0x1e1: {  	v7 =	vor.u32 v10, v20;
	v1 =	vmul.f32 v6, v1;
	v6 =	vmul.f32 v6, v12  }
0x1e2: {  	v12 =	vunpack.c.l.s4.s8 v25;
	v10 =	vunpack.c.l.s4.s8 v35;
	v0 =	vsub.f32 $1.500000000e+00, v0  }
0x1e3: {  	v8 =	vadd.f32 $0.0e+00, v56;
	vm8 =	veq.s32 v61, v7;
	v14 =	vmul.f32 v14, v3  }
0x1e4: {  	v41 =	vunpack.c.0.s8.s32 v13;
	v4 =	vmul.f32 v4, v5;
	v0 =	vmul.f32 v0, v57  }
0x1e5: {  	vm0 =	vmand vm8, vm9;
	v1 =	vmul.f32 v1, v3;
	v6 =	vmul.f32 v6, v5  }
0x1e6: {  	v12 =	vunpack.c.0.s8.s32 v12;
	v14 =	vmul.f32 v53, v14;
	v0 =	vmin.f32 v0, $1.000000000e+08  }
0x1e7: {  	v23 =	vsel vm0, $0x3F800000, v52;
	v24 =	vmul.f32 v0, v44;
	v0 =	vmul.f32 v0, v2  }
0x1e8: {  	v10 =	vunpack.c.0.s8.s32 v10;
	v4 =	vmul.f32 v53, v4;
	v1 =	vmul.f32 v23, v1  }
0x1e9: {  	v6 =	vmul.f32 v23, v6;
	v2 =	vunpack.c.l.s4.s8 v26;
	v0 =	vmul.f32 v0, v5  }
0x1ea: {  	v12 =	vand.u32 $0xF, v12;
	v7 =	vadd.f32 v23, v53;
	v4 =	vadd.f32 $0.0e+00, v4  }
0x1eb: {  	v9 =	vmul.f32 v24, v3;
	v2 =	vunpack.c.0.s8.s32 v2;
	v0 =	vmul.f32 v23, v0  }
0x1ec: {  	v22 =	vadd.f32 $0.0e+00, v14;
	v14 =	vunpack.c.l.s4.s8 v28;
	v1 =	vadd.f32 v1, v8  }
0x1ed: {  	v29 =	vmul.f32 v23, v9;
	v2 =	vcombine.low v12, v2;
	v0 =	vadd.f32 v0, v4  }
0x1ee: {  	v6 =	vadd.f32 v6, v21;
	v31 =	vunpack.c.0.s8.s32 v14;
	v14 =	vunpack.c.l.s4.s8 v39  }
0x1ef: {  	v8 =	vadd.f32 v29, v22;
	v32 =	vperm.xlane v1, v2;
	v37 =	vperm.xlane v0, v2  }
0x1f0: {  	v33 =	vcombine.low v31, v30;
	v42 =	vunpack.c.0.s8.s32 v14;
	v9 =	vunpack.c.l.s4.s8 v34  }
0x1f1: {  	v1 =	vadd.f32 v1, v32;
	v40 =	vperm.xlane v8, v2;
	v0 =	vadd.f32 v37, v0  }
0x1f2: {  	v4 =	vand.u32 $0xF, v33;
	v9 =	vunpack.c.0.s8.s32 v9;
	v44 =	vperm.xlane v6, v2  }
0x1f3: {  	v36 =	vperm.xlane v1, v4;
	v8 =	vadd.f32 v40, v8;
	v43 =	vperm.xlane v0, v4  }
0x1f4: {  	v9 =	vcombine.low v10, v9;
	v6 =	vadd.f32 v44, v6;
	v2 =	vperm.xlane v7, v2  }
0x1f5: {  	v1 =	vadd.f32 v1, v36;
	v46 =	vperm.xlane v8, v4;
	v0 =	vadd.f32 v43, v0  }
0x1f6: {  	v9 =	vand.u32 $0xF, v9;
	v49 =	vperm.xlane v6, v4;
	v2 =	vadd.f32 v2, v7  }
0x1f7: {  	v45 =	vperm.xlane v1, v9;
	v8 =	vadd.f32 v46, v8;
	v48 =	vperm.xlane v0, v9  }
0x1f8: {  	v56 =	vld [tilespmem:$0x1FF30];
	v11 =	vcombine.low v42, v41;
	v6 =	vadd.f32 v49, v6;
	v4 =	vperm.xlane v2, v4  }
0x1f9: {  	v57 =	vld [tilespmem:$0x1FF40];
	v1 =	vadd.f32 v1, v45;
	v51 =	vperm.xlane v8, v9;
	v0 =	vadd.f32 v48, v0  }
0x1fa: {  	v47 =	vand.u32 $0xF, v11;
	v53 =	vperm.xlane v6, v9;
	v2 =	vadd.f32 v4, v2  }
0x1fb: {  	v50 =	vperm.xlane v1, v47;
	v8 =	vadd.f32 v51, v8;
	v52 =	vperm.xlane v0, v47  }
0x1fc: {  	vm11 =	vcmask $0x308;
	v6 =	vadd.f32 v53, v6;
	v55 =	vperm.xlane v2, v9  }
0x1fd: {  	v1 =	vadd.f32 v1, v50;
	v54 =	vperm.xlane v8, v47;
	v0 =	vadd.f32 v52, v0  }
0x1fe: {  	v9 =	vadd.f32 v57, v56;
	v58 =	vperm.xlane v6, v47;
	v2 =	vadd.f32 v55, v2  }
0x1ff: {  	v1 =	vnsel vm10, $0x0, v1;
	v4 =	vadd.f32 v54, v8;
	v0 =	vsel vm11, $0x0, v0  }
0x200: {  	vm12 =	vcmask $0x70C;
	v3 =	vmul.f32 v3, v9;
	v0 =	vadd.f32 v0, v1  }
0x201: {  	v60 =	vadd.f32 v58, v6;
	v61 =	vperm.xlane v2, v47;
	v59 =	vsel vm12, $0x0, v4  }
0x202: {  	vm13 =	vcmask $0xB10;
	v0 =	vadd.f32 v59, v0  }
0x203: {  	p0 =	seq.s32 s2, $0x0;
	s4 =	simm.f32 $1.000000000e+00;
	v62 =	vmul.f32 v5, v3;
	v63 =	vsel vm13, $0x0, v60;
	v2 =	vadd.f32 v61, v2  }
0x204: {  	vm14 =	vcmask $0xF14;
	s4 =	simm.s32 @!p0 $0x0;
	v0 =	vadd.f32 v63, v0  }
0x205: {  	v2 =	vsel vm14, $0x0, v2;
	v1 =	vmul.f32 s4, v62  }
0x206: {  	vm15 =	vcmask $0x1318;
	v0 =	vadd.f32 v2, v0  }
0x207: {  	v1 =	vsel vm15, $0x0, v1  }
0x208: {  	v0 =	vadd.f32 v0, v1  }
0x209: {  	s30 =	sshll.u32 s2, $0x7  }
0x20a: {  	s5 =	simm.s32 $0x2280;
	s31 =	simm.s32 $0x3;
	s4 =	sadd.s32 s30, s1;
	[tilespmem:$0x2280] =	vst v0  }
0x20b: {  	[spmem:s4] =	stream.linear.scatter [tilespmem:s5], [sflag:$0x3], $0x80, $0x38;
	[tilespmem:$0x4400] =	vst v63  }
0x20c: {  	_ =	swait.ge [sflag:s31], $0x80  }
0x20d: {  	[sflag:s31] =	ssyncset.done $0x0  }
0x20e: {  	[sflag:s31] =	ssyncadd.s32 $0xFFFFFF80  }
0x20f: {  	p0 =	sne.s32 s2, $0x0;
	[bflag:$0x0] =	sbarrier.arrive $0xFFFF  }
0x210: {  	_ =	sfence.sel @p0 $0x180000  }
0x211: {  	[bflag:$0x0] =	sbarrier.arrive @p0 $0xFFFF  }
0x212: {  	_ =	strace @p0 $0x90000047  }
0x213: {  	s2 =	simm.s32 @!p0 $0x2300;
	[bflag:$0x2] =	sbarrier.arrive @p0 $0xFFFF  }
0x214: {  	[tilespmem:s2], [sflag:$0x3] =	stream.linear.gather @!p0 [spmem:s1], $0x800, $0x38;
	[tilespmem:$0x4400] =	vst v63  }
0x215: {  	s1 =	simm.s32 @!p0 $0x3  }
0x216: {  	_ =	swait.ge @!p0 [sflag:s1], $0x800  }
0x217: {  	[sflag:s1] =	ssyncset.done @!p0 $0x0  }
0x218: {  	[sflag:s1] =	ssyncadd.s32 @!p0 $0xFFFFF800  }
0x219: {  	v0 =	vld @!p0 [tilespmem:$0x2300]  }
0x21a: {  	v1 =	vld @!p0 [tilespmem:$0x2380];
	_ =	sdelay $0x1  }
0x21b: {  	v2 =	vld @!p0 [tilespmem:$0x2400];
	_ =	sdelay $0x1  }
0x21c: {  	v3 =	vld @!p0 [tilespmem:$0x2480]  }
0x21d: {  	v0 =	vadd.f32 @!p0 v1, v0  }
0x21e: {  	v1 =	vld @!p0 [tilespmem:$0x2500]  }
0x21f: {  	v0 =	vadd.f32 @!p0 v2, v0  }
0x220: {  	v2 =	vld @!p0 [tilespmem:$0x2580]  }
0x221: {  	v0 =	vadd.f32 @!p0 v3, v0  }
0x222: {  	v3 =	vld @!p0 [tilespmem:$0x2600]  }
0x223: {  	v0 =	vadd.f32 @!p0 v1, v0  }
0x224: {  	v1 =	vld @!p0 [tilespmem:$0x2680]  }
0x225: {  	v0 =	vadd.f32 @!p0 v2, v0  }
0x226: {  	v2 =	vld @!p0 [tilespmem:$0x2700]  }
0x227: {  	v0 =	vadd.f32 @!p0 v3, v0  }
0x228: {  	v3 =	vld @!p0 [tilespmem:$0x2780]  }
0x229: {  	v0 =	vadd.f32 @!p0 v1, v0  }
0x22a: {  	v1 =	vld @!p0 [tilespmem:$0x2800]  }
0x22b: {  	v0 =	vadd.f32 @!p0 v2, v0  }
0x22c: {  	v2 =	vld @!p0 [tilespmem:$0x2880]  }
0x22d: {  	v0 =	vadd.f32 @!p0 v3, v0  }
0x22e: {  	v3 =	vld @!p0 [tilespmem:$0x2900]  }
0x22f: {  	v0 =	vadd.f32 @!p0 v1, v0  }
0x230: {  	v1 =	vld @!p0 [tilespmem:$0x2980]  }
0x231: {  	v0 =	vadd.f32 @!p0 v2, v0  }
0x232: {  	v2 =	vld @!p0 [tilespmem:$0x2A00]  }
0x233: {  	v0 =	vadd.f32 @!p0 v3, v0  }
0x234: {  	v3 =	vld @!p0 [tilespmem:$0x2A80]  }
0x235: {  	v0 =	vadd.f32 @!p0 v1, v0;
	_ =	sdelay $0x1  }
0x236: {  	v0 =	vadd.f32 @!p0 v2, v0;
	_ =	sdelay $0x1  }
0x237: {  	v0 =	vadd.f32 @!p0 v3, v0;
	_ =	sdelay $0x1  }
0x238: {  	s4 =	simm.s32 @!p0 $0x2280;
	s2 =	simm.s32 @!p0 $0x0;
	[tilespmem:$0x2280] =	vst @!p0 v0  }
0x239: {  	[hbm4b:s3+s2] =	stream.linear.scatter @!p0 [tilespmem:s4], [sflag:$0x3], $0x80, $0x38;
	[tilespmem:$0x4400] =	vst v63  }
0x23a: {  	_ =	swait.ge @!p0 [sflag:s1], $0x80  }
0x23b: {  	[sflag:s1] =	ssyncset.done @!p0 $0x0  }
0x23c: {  	[sflag:s1] =	ssyncadd.s32 @!p0 $0xFFFFFF80  }
0x23d: {  	_ =	sfence.sel @!p0 $0x180000  }
0x23e: {  	[bflag:$0x0] =	sbarrier.arrive @!p0 $0xFFFF  }
0x23f: {  	_ =	strace @!p0 $0x90000047  }
0x240: {  	s0 =	sadd.s32 @!p0 $0x100000, s0;
	[bflag:$0x2] =	sbarrier.arrive @!p0 $0xFFFF  }
0x241: {  	[sflag:s0] =	ssyncadd.tile.s32 @!p0 $0x1;
	_ =	shalt  }
.Lfunc_end2:
_tile_overlayer_lowered:
.L_overlay_start_2:
0x242: {  	(tag) =	ssettag $0x2  }
0x243: {  	s0 =	rddreg [dreg:$0x0];
	s2 =	stileid.u32  }
0x244: {  	s1 =	rddreg [dreg:$0x1];
	p0 =	sne.s32 s2, $0x0  }
0x245: {  	s3 =	rddreg [dreg:$0x2];
	[bflag:$0x3] =	sbarrier.arrive $0xFFFF;
	s2 =	simm.s32 @!p0 $0x1C03  }
0x246: {  	[timem:s3], [sflag:s2] =	dma.local @!p0 [hbm:s0], s1  }
0x247: {  	s0 =	simm.s32 @!p0 $0x3  }
0x248: {  	_ =	swait.ge @!p0 [sflag:s0], s1  }
0x249: {  	s1 =	ssub.s32 @!p0 $0x0, s1;
	[sflag:s0] =	ssyncset.done @!p0 $0x0  }
0x24a: {  	[sflag:s0] =	ssyncadd.s32 @!p0 s1  }
0x24b: {  	[bflag:$0x3] =	sbarrier.arrive $0xFFFF  }
0x24c: {  	_ =	shalt  }

</sc_bundles>
